<compile_context>
chip_gen: v7x
topology: tpu7x:2x2x1
jax: 0.10.2.dev20260603
libtpu: 0.0.44.dev20260713+nightly
codegen_flags: <defaults>
</compile_context>

<pallas_src>
import functools

import jax
import jax.numpy as jnp
from jax import lax
from jax.experimental import pallas as pl
from jax.experimental.pallas import tpu as pltpu
from jax.experimental.pallas import tpu_sc as plsc

_NC = 2
_NS = 16
_NW = _NC * _NS
_LANES = 16

_D = 32
_K = 20
_C = 64
_IDX_CHUNK = 128


def _issue_chunk(co, cemb_hbm, xemb_hbm, cidx, xidx, nidx, crows, xrows,
                 nrows, sem):
    pltpu.async_copy(cemb_hbm.at[cidx.at[pl.ds(co, _C)]], crows, sem)
    pltpu.async_copy(xemb_hbm.at[xidx.at[pl.ds(co, _C)]], xrows, sem)
    for j in range(_C * _K // _IDX_CHUNK):
        pltpu.async_copy(
            xemb_hbm.at[nidx.at[pl.ds(co * _K + j * _IDX_CHUNK, _IDX_CHUNK)]],
            nrows.at[pl.ds(j * _IDX_CHUNK, _IDX_CHUNK)], sem)


def _drain_chunk(co, cemb_hbm, xemb_hbm, cidx, xidx, nidx, crows, xrows,
                 nrows, sem):
    pltpu.make_async_copy(cemb_hbm.at[cidx.at[pl.ds(co, _C)]], crows,
                          sem).wait()
    pltpu.make_async_copy(xemb_hbm.at[xidx.at[pl.ds(co, _C)]], xrows,
                          sem).wait()
    for j in range(_C * _K // _IDX_CHUNK):
        pltpu.make_async_copy(
            xemb_hbm.at[nidx.at[pl.ds(co * _K + j * _IDX_CHUNK, _IDX_CHUNK)]],
            nrows.at[pl.ds(j * _IDX_CHUNK, _IDX_CHUNK)], sem).wait()


def _compute_chunk(lane, crows, xrows, nrows, posb, negb):

    def group(g, _):
        rows = g * _LANES + lane
        nbase = rows * _K

        def pstep(d, acc):
            dcol = jnp.full((_LANES,), d, jnp.int32)
            cvec = plsc.load_gather(crows, [rows, dcol])
            xvec = plsc.load_gather(xrows, [rows, dcol])
            return acc + cvec * xvec

        accp = lax.fori_loop(0, _D, pstep, jnp.zeros((_LANES,), jnp.float32))
        plsc.store_scatter(posb, [rows], accp)

        for h in range(2):
            cregs = [
                plsc.load_gather(
                    crows, [rows, jnp.full((_LANES,), h * 16 + t, jnp.int32)])
                for t in range(16)
            ]

            def kstep(k, _, h=h, cregs=cregs):
                nrow = nbase + k
                parts = []
                for q in range(4):
                    acc = None
                    for t in range(q * 4, q * 4 + 4):
                        dcol = jnp.full((_LANES,), h * 16 + t, jnp.int32)
                        nv = plsc.load_gather(nrows, [nrow, dcol])
                        term = cregs[t] * nv
                        acc = term if acc is None else acc + term
                    parts.append(acc)
                accn = (parts[0] + parts[1]) + (parts[2] + parts[3])
                if h == 0:
                    plsc.store_scatter(negb, [nrow], accn)
                else:
                    plsc.addupdate_scatter(negb, [nrow], accn)
                return 0

            lax.fori_loop(0, _K, kstep, 0)
        return 0

    lax.fori_loop(0, _C // _LANES, group, 0)


def _sc_scores_body(c_hbm, x_hbm, n_hbm, cemb_hbm, xemb_hbm,
                    pos_hbm, negs_hbm,
                    cidx, xidx, nidx, crows0, xrows0, nrows0,
                    crows1, xrows1, nrows1, posb, negb, sem0, sem1,
                    *, pb):
    wid = lax.axis_index("s") * _NC + lax.axis_index("c")
    base = wid * pb

    pltpu.sync_copy(c_hbm.at[pl.ds(base, pb)], cidx)
    pltpu.sync_copy(x_hbm.at[pl.ds(base, pb)], xidx)
    pltpu.sync_copy(n_hbm.at[pl.ds(base * _K, pb * _K)], nidx)

    lane = lax.iota(jnp.int32, _LANES)
    bufs = (
        (crows0, xrows0, nrows0, sem0),
        (crows1, xrows1, nrows1, sem1),
    )
    tbl = (cemb_hbm, xemb_hbm, cidx, xidx, nidx)
    nchunks = pb // _C

    _issue_chunk(0, *tbl, *bufs[0])

    def pair(cc, _):
        co0 = (2 * cc) * _C
        co1 = co0 + _C
        _drain_chunk(co0, *tbl, *bufs[0])
        _issue_chunk(co1, *tbl, *bufs[1])
        _compute_chunk(lane, bufs[0][0], bufs[0][1], bufs[0][2], posb, negb)
        pltpu.sync_copy(posb, pos_hbm.at[pl.ds(base + co0, _C)])
        pltpu.sync_copy(negb, negs_hbm.at[pl.ds((base + co0) * _K, _C * _K)])

        _drain_chunk(co1, *tbl, *bufs[1])

        @pl.when(cc < (nchunks // 2) - 1)
        def _():
            _issue_chunk(co1 + _C, *tbl, *bufs[0])

        _compute_chunk(lane, bufs[1][0], bufs[1][1], bufs[1][2], posb, negb)
        pltpu.sync_copy(posb, pos_hbm.at[pl.ds(base + co1, _C)])
        pltpu.sync_copy(negb, negs_hbm.at[pl.ds((base + co1) * _K, _C * _K)])
        return 0

    lax.fori_loop(0, nchunks // 2, pair, 0)


def _sc_scores(center, context, neg_flat, center_emb, context_emb):
    b = center.shape[0]
    pb = b // _NW
    mesh = plsc.VectorSubcoreMesh(core_axis_name="c", subcore_axis_name="s")
    fn = pl.kernel(
        functools.partial(_sc_scores_body, pb=pb),
        out_type=(
            jax.ShapeDtypeStruct((b,), jnp.float32),
            jax.ShapeDtypeStruct((b * _K,), jnp.float32),
        ),
        mesh=mesh,
        scratch_types=[
            pltpu.VMEM((pb,), jnp.int32),
            pltpu.VMEM((pb,), jnp.int32),
            pltpu.VMEM((pb * _K,), jnp.int32),
            pltpu.VMEM((_C, _D), jnp.float32),
            pltpu.VMEM((_C, _D), jnp.float32),
            pltpu.VMEM((_C * _K, _D), jnp.float32),
            pltpu.VMEM((_C, _D), jnp.float32),
            pltpu.VMEM((_C, _D), jnp.float32),
            pltpu.VMEM((_C * _K, _D), jnp.float32),
            pltpu.VMEM((_C,), jnp.float32),
            pltpu.VMEM((_C * _K,), jnp.float32),
            pltpu.SemaphoreType.DMA,
            pltpu.SemaphoreType.DMA,
        ],
        compiler_params=pltpu.CompilerParams(
            needs_layout_passes=False, use_tc_tiling_on_sc=False),
        name="w2v_sc_scores",
    )
    return fn(center, context, neg_flat, center_emb, context_emb)


def _loss_body(pos_ref, neg_ref, out_ref, *, b, k):
    p = pos_ref[...]
    n = neg_ref[...]
    sp = 1.0 / (1.0 + jnp.exp(-p))
    sn = 1.0 / (1.0 + jnp.exp(-n))
    lp = jnp.log(sp + 1e-9)
    ln = jnp.log(1.0 - sn + 1e-9)
    loss = -(jnp.sum(lp) / b) - (jnp.sum(ln) / (b * k))
    out_ref[...] = jnp.full((1, 1), loss, jnp.float32)


def _tc_loss(pos2d, neg2d, b, k):
    fn = pl.pallas_call(
        functools.partial(_loss_body, b=b, k=k),
        out_shape=jax.ShapeDtypeStruct((1, 1), jnp.float32),
    )
    return fn(pos2d, neg2d)


def kernel(center, context, negative_samples, center_emb, context_emb):
    b = center.shape[0]
    k = negative_samples.shape[1]
    neg_flat = negative_samples.reshape(b * k)
    pos, negs = _sc_scores(center, context, neg_flat, center_emb, context_emb)
    pos2d = pos.reshape(b // 128, 128)
    neg2d = negs.reshape((b * k) // 128, 128)
    loss = _tc_loss(pos2d, neg2d, b, k)
    return loss[0, 0]

# --- scband reference (transcript-rebuilt; emitter-appended) ---
"""Pipeline reference for scband-word2-vec-66443144069474 (READ-ONLY COPY).

The authoritative reference and input builder live on the scoring server;
editing this copy changes nothing except your own understanding.
"""

import jax, jax.numpy as jnp
import numpy as np

V = 1000000
D = 32
B = 16384
K = 20


def setup_inputs(seed: int = 0) -> dict:
    key = jax.random.key(seed)
    k1, k2, k3, k4, k5 = jax.random.split(key, 5)
    center = jax.random.randint(k1, (B,), 0, V, dtype=jnp.int64 if jax.config.jax_enable_x64 else jnp.int32).astype(jnp.int32)
    context = jax.random.randint(k2, (B,), 0, V).astype(jnp.int32)
    negative_samples = jax.random.randint(k3, (B, K), 0, V).astype(jnp.int32)
    bound = 0.5 / D
    center_emb = jax.random.uniform(k4, (V, D), minval=-bound, maxval=bound, dtype=jnp.float32)
    context_emb = jax.random.uniform(k5, (V, D), minval=-bound, maxval=bound, dtype=jnp.float32)
    return {
        "center": center,
        "context": context,
        "negative_samples": negative_samples,
        "center_emb": center_emb,
        "context_emb": context_emb,
    }


def reference(center, context, negative_samples, center_emb, context_emb):
    # Embedding lookups (gathers)
    center_embed = jnp.take(center_emb, center, axis=0)            # [B, D]
    context_embed = jnp.take(context_emb, context, axis=0)         # [B, D]
    neg_embed = jnp.take(context_emb, negative_samples, axis=0)    # [B, K, D]

    positive_score = jax.nn.sigmoid(jnp.sum(center_embed * context_embed, axis=1))          # [B]
    negative_score = jax.nn.sigmoid(jnp.sum(center_embed[:, None, :] * neg_embed, axis=2))  # [B, K]

    loss = -jnp.log(positive_score + 1e-09).mean() - jnp.log(1.0 - negative_score + 1e-09).mean()
    return loss

if __name__ == "__main__":
    import jax
    _d = setup_inputs()
    print(jax.jit(kernel)(*tuple(_d.values())))

</pallas_src>

<mosaic_0001>
#map = affine_map<(d0, d1) -> (0)>
#map1 = affine_map<(d0, d1) -> (0, 0)>
module attributes {stable_mosaic.version = 14 : i64} {
  func.func @w2v_sc_scores(%arg0: i32, %arg1: i32, %arg2: memref<16384xi32, #tpu.memory_space<hbm>>, %arg3: memref<16384xi32, #tpu.memory_space<hbm>>, %arg4: memref<327680xi32, #tpu.memory_space<hbm>>, %arg5: memref<1000000x32xf32, #tpu.memory_space<hbm>>, %arg6: memref<1000000x32xf32, #tpu.memory_space<hbm>>, %arg7: memref<16384xf32, #tpu.memory_space<hbm>>, %arg8: memref<327680xf32, #tpu.memory_space<hbm>>, %arg9: memref<512xi32, #tpu.memory_space<vmem>>, %arg10: memref<512xi32, #tpu.memory_space<vmem>>, %arg11: memref<10240xi32, #tpu.memory_space<vmem>>, %arg12: memref<64x32xf32, #tpu.memory_space<vmem>>, %arg13: memref<64x32xf32, #tpu.memory_space<vmem>>, %arg14: memref<1280x32xf32, #tpu.memory_space<vmem>>, %arg15: memref<64x32xf32, #tpu.memory_space<vmem>>, %arg16: memref<64x32xf32, #tpu.memory_space<vmem>>, %arg17: memref<1280x32xf32, #tpu.memory_space<vmem>>, %arg18: memref<64xf32, #tpu.memory_space<vmem>>, %arg19: memref<1280xf32, #tpu.memory_space<vmem>>, %arg20: memref<!tpu.dma_semaphore, #tpu.memory_space<semaphore_mem>>, %arg21: memref<!tpu.dma_semaphore, #tpu.memory_space<semaphore_mem>>) attributes {dimension_semantics = [#tpu.dimension_semantics<core_parallel>, #tpu.dimension_semantics<subcore_parallel>], iteration_bounds = array<i64: 2, 16>, scalar_prefetch = 0 : i64, scratch_operands = 13 : i64, tpu.core_type = #tpu.core_type<sc_vector_subcore>, window_params = [{transform_indices = #map}, {transform_indices = #map}, {transform_indices = #map}, {transform_indices = #map1}, {transform_indices = #map1}, {transform_indices = #map}, {transform_indices = #map}]} {
    %mul3A = arith.constant 2 : i32
    %mul3A_0 = arith.muli %arg1, %mul3A : i32
    %add3A = arith.addi %mul3A_0, %arg0 : i32
    %mul3A_1 = arith.constant 512 : i32
    %mul3A_2 = arith.muli %add3A, %mul3A_1 : i32
    "tpu.region"() ({
      %run_scoped3A = tpu.sem_alloc : memref<!tpu.dma_semaphore, #tpu.memory_space<semaphore_mem>>
      %dma_start3A_100 = tpu.memref_slice %arg2[%mul3A_2] : memref<16384xi32, #tpu.memory_space<hbm>> -> memref<512xi32, #tpu.memory_space<hbm>>
      %dma_start3A_101 = tpu.memref_slice %arg2[%mul3A_2] : memref<16384xi32, #tpu.memory_space<hbm>> -> memref<512xi32, #tpu.memory_space<hbm>>
      tpu.enqueue_dma source(%dma_start3A_101 : memref<512xi32, #tpu.memory_space<hbm>>) target(%arg9 : memref<512xi32, #tpu.memory_space<vmem>>) target_semaphore(%run_scoped3A : memref<!tpu.dma_semaphore, #tpu.memory_space<semaphore_mem>>)
      %dma_wait3A = tpu.memref_slice %arg2[%mul3A_2] : memref<16384xi32, #tpu.memory_space<hbm>> -> memref<512xi32, #tpu.memory_space<hbm>>
      %dma_wait3A_102 = tpu.memref_slice %arg2[%mul3A_2] : memref<16384xi32, #tpu.memory_space<hbm>> -> memref<512xi32, #tpu.memory_space<hbm>>
      tpu.wait_dma2 semaphore(%run_scoped3A : memref<!tpu.dma_semaphore, #tpu.memory_space<semaphore_mem>>) src(%dma_wait3A_102 : memref<512xi32, #tpu.memory_space<hbm>>) dst(%arg9 : memref<512xi32, #tpu.memory_space<vmem>>)
      tpu.yield
    }) : () -> ()
    "tpu.region"() ({
      %run_scoped3A = tpu.sem_alloc : memref<!tpu.dma_semaphore, #tpu.memory_space<semaphore_mem>>
      %dma_start3A_100 = tpu.memref_slice %arg3[%mul3A_2] : memref<16384xi32, #tpu.memory_space<hbm>> -> memref<512xi32, #tpu.memory_space<hbm>>
      %dma_start3A_101 = tpu.memref_slice %arg3[%mul3A_2] : memref<16384xi32, #tpu.memory_space<hbm>> -> memref<512xi32, #tpu.memory_space<hbm>>
      tpu.enqueue_dma source(%dma_start3A_101 : memref<512xi32, #tpu.memory_space<hbm>>) target(%arg10 : memref<512xi32, #tpu.memory_space<vmem>>) target_semaphore(%run_scoped3A : memref<!tpu.dma_semaphore, #tpu.memory_space<semaphore_mem>>)
      %dma_wait3A = tpu.memref_slice %arg3[%mul3A_2] : memref<16384xi32, #tpu.memory_space<hbm>> -> memref<512xi32, #tpu.memory_space<hbm>>
      %dma_wait3A_102 = tpu.memref_slice %arg3[%mul3A_2] : memref<16384xi32, #tpu.memory_space<hbm>> -> memref<512xi32, #tpu.memory_space<hbm>>
      tpu.wait_dma2 semaphore(%run_scoped3A : memref<!tpu.dma_semaphore, #tpu.memory_space<semaphore_mem>>) src(%dma_wait3A_102 : memref<512xi32, #tpu.memory_space<hbm>>) dst(%arg10 : memref<512xi32, #tpu.memory_space<vmem>>)
      tpu.yield
    }) : () -> ()
    %mul3A_3 = arith.constant 20 : i32
    %mul3A_4 = arith.muli %mul3A_2, %mul3A_3 : i32
    "tpu.region"() ({
      %run_scoped3A = tpu.sem_alloc : memref<!tpu.dma_semaphore, #tpu.memory_space<semaphore_mem>>
      %dma_start3A_100 = tpu.memref_slice %arg4[%mul3A_4] : memref<327680xi32, #tpu.memory_space<hbm>> -> memref<10240xi32, #tpu.memory_space<hbm>>
      %dma_start3A_101 = tpu.memref_slice %arg4[%mul3A_4] : memref<327680xi32, #tpu.memory_space<hbm>> -> memref<10240xi32, #tpu.memory_space<hbm>>
      tpu.enqueue_dma source(%dma_start3A_101 : memref<10240xi32, #tpu.memory_space<hbm>>) target(%arg11 : memref<10240xi32, #tpu.memory_space<vmem>>) target_semaphore(%run_scoped3A : memref<!tpu.dma_semaphore, #tpu.memory_space<semaphore_mem>>)
      %dma_wait3A = tpu.memref_slice %arg4[%mul3A_4] : memref<327680xi32, #tpu.memory_space<hbm>> -> memref<10240xi32, #tpu.memory_space<hbm>>
      %dma_wait3A_102 = tpu.memref_slice %arg4[%mul3A_4] : memref<327680xi32, #tpu.memory_space<hbm>> -> memref<10240xi32, #tpu.memory_space<hbm>>
      tpu.wait_dma2 semaphore(%run_scoped3A : memref<!tpu.dma_semaphore, #tpu.memory_space<semaphore_mem>>) src(%dma_wait3A_102 : memref<10240xi32, #tpu.memory_space<hbm>>) dst(%arg11 : memref<10240xi32, #tpu.memory_space<vmem>>)
      tpu.yield
    }) : () -> ()
    %iota3A = tpu.iota {dimensions = array<i32: 0>} : vector<16xi32>
    %dma_start3A = arith.constant 0 : i32
    %dma_start3A_5 = tpu.memref_slice %arg9[%dma_start3A] : memref<512xi32, #tpu.memory_space<vmem>> -> memref<64xi32, #tpu.memory_space<vmem>>
    %dma_start3A_6 = arith.constant 0 : i32
    %dma_start3A_7 = arith.constant 0 : i32
    %dma_start3A_8 = tpu.memref_slice %arg5[%dma_start3A_6, %dma_start3A_7] : memref<1000000x32xf32, #tpu.memory_space<hbm>> -> memref<1000000x32xf32, #tpu.memory_space<hbm>>
    tpu.enqueue_indirect_dma source(%dma_start3A_8 : memref<1000000x32xf32, #tpu.memory_space<hbm>>) target(%arg12 : memref<64x32xf32, #tpu.memory_space<vmem>>) offsets(%dma_start3A_5 : memref<64xi32, #tpu.memory_space<vmem>>) semaphore(%arg20 : memref<!tpu.dma_semaphore, #tpu.memory_space<semaphore_mem>>)
    %dma_start3A_9 = arith.constant 0 : i32
    %dma_start3A_10 = tpu.memref_slice %arg10[%dma_start3A_9] : memref<512xi32, #tpu.memory_space<vmem>> -> memref<64xi32, #tpu.memory_space<vmem>>
    %dma_start3A_11 = arith.constant 0 : i32
    %dma_start3A_12 = arith.constant 0 : i32
    %dma_start3A_13 = tpu.memref_slice %arg6[%dma_start3A_11, %dma_start3A_12] : memref<1000000x32xf32, #tpu.memory_space<hbm>> -> memref<1000000x32xf32, #tpu.memory_space<hbm>>
    tpu.enqueue_indirect_dma source(%dma_start3A_13 : memref<1000000x32xf32, #tpu.memory_space<hbm>>) target(%arg13 : memref<64x32xf32, #tpu.memory_space<vmem>>) offsets(%dma_start3A_10 : memref<64xi32, #tpu.memory_space<vmem>>) semaphore(%arg20 : memref<!tpu.dma_semaphore, #tpu.memory_space<semaphore_mem>>)
    %dma_start3A_14 = arith.constant 0 : i32
    %dma_start3A_15 = arith.constant 0 : i32
    %dma_start3A_16 = tpu.memref_slice %arg14[%dma_start3A_14, %dma_start3A_15] : memref<1280x32xf32, #tpu.memory_space<vmem>> -> memref<128x32xf32, #tpu.memory_space<vmem>>
    %dma_start3A_17 = arith.constant 0 : i32
    %dma_start3A_18 = tpu.memref_slice %arg11[%dma_start3A_17] : memref<10240xi32, #tpu.memory_space<vmem>> -> memref<128xi32, #tpu.memory_space<vmem>>
    %dma_start3A_19 = arith.constant 0 : i32
    %dma_start3A_20 = arith.constant 0 : i32
    %dma_start3A_21 = tpu.memref_slice %arg6[%dma_start3A_19, %dma_start3A_20] : memref<1000000x32xf32, #tpu.memory_space<hbm>> -> memref<1000000x32xf32, #tpu.memory_space<hbm>>
    tpu.enqueue_indirect_dma source(%dma_start3A_21 : memref<1000000x32xf32, #tpu.memory_space<hbm>>) target(%dma_start3A_16 : memref<128x32xf32, #tpu.memory_space<vmem>>) offsets(%dma_start3A_18 : memref<128xi32, #tpu.memory_space<vmem>>) semaphore(%arg20 : memref<!tpu.dma_semaphore, #tpu.memory_space<semaphore_mem>>)
    %dma_start3A_22 = arith.constant 128 : i32
    %dma_start3A_23 = arith.constant 0 : i32
    %dma_start3A_24 = tpu.memref_slice %arg14[%dma_start3A_22, %dma_start3A_23] : memref<1280x32xf32, #tpu.memory_space<vmem>> -> memref<128x32xf32, #tpu.memory_space<vmem>>
    %dma_start3A_25 = arith.constant 128 : i32
    %dma_start3A_26 = tpu.memref_slice %arg11[%dma_start3A_25] : memref<10240xi32, #tpu.memory_space<vmem>> -> memref<128xi32, #tpu.memory_space<vmem>>
    %dma_start3A_27 = arith.constant 0 : i32
    %dma_start3A_28 = arith.constant 0 : i32
    %dma_start3A_29 = tpu.memref_slice %arg6[%dma_start3A_27, %dma_start3A_28] : memref<1000000x32xf32, #tpu.memory_space<hbm>> -> memref<1000000x32xf32, #tpu.memory_space<hbm>>
    tpu.enqueue_indirect_dma source(%dma_start3A_29 : memref<1000000x32xf32, #tpu.memory_space<hbm>>) target(%dma_start3A_24 : memref<128x32xf32, #tpu.memory_space<vmem>>) offsets(%dma_start3A_26 : memref<128xi32, #tpu.memory_space<vmem>>) semaphore(%arg20 : memref<!tpu.dma_semaphore, #tpu.memory_space<semaphore_mem>>)
    %dma_start3A_30 = arith.constant 256 : i32
    %dma_start3A_31 = arith.constant 0 : i32
    %dma_start3A_32 = tpu.memref_slice %arg14[%dma_start3A_30, %dma_start3A_31] : memref<1280x32xf32, #tpu.memory_space<vmem>> -> memref<128x32xf32, #tpu.memory_space<vmem>>
    %dma_start3A_33 = arith.constant 256 : i32
    %dma_start3A_34 = tpu.memref_slice %arg11[%dma_start3A_33] : memref<10240xi32, #tpu.memory_space<vmem>> -> memref<128xi32, #tpu.memory_space<vmem>>
    %dma_start3A_35 = arith.constant 0 : i32
    %dma_start3A_36 = arith.constant 0 : i32
    %dma_start3A_37 = tpu.memref_slice %arg6[%dma_start3A_35, %dma_start3A_36] : memref<1000000x32xf32, #tpu.memory_space<hbm>> -> memref<1000000x32xf32, #tpu.memory_space<hbm>>
    tpu.enqueue_indirect_dma source(%dma_start3A_37 : memref<1000000x32xf32, #tpu.memory_space<hbm>>) target(%dma_start3A_32 : memref<128x32xf32, #tpu.memory_space<vmem>>) offsets(%dma_start3A_34 : memref<128xi32, #tpu.memory_space<vmem>>) semaphore(%arg20 : memref<!tpu.dma_semaphore, #tpu.memory_space<semaphore_mem>>)
    %dma_start3A_38 = arith.constant 384 : i32
    %dma_start3A_39 = arith.constant 0 : i32
    %dma_start3A_40 = tpu.memref_slice %arg14[%dma_start3A_38, %dma_start3A_39] : memref<1280x32xf32, #tpu.memory_space<vmem>> -> memref<128x32xf32, #tpu.memory_space<vmem>>
    %dma_start3A_41 = arith.constant 384 : i32
    %dma_start3A_42 = tpu.memref_slice %arg11[%dma_start3A_41] : memref<10240xi32, #tpu.memory_space<vmem>> -> memref<128xi32, #tpu.memory_space<vmem>>
    %dma_start3A_43 = arith.constant 0 : i32
    %dma_start3A_44 = arith.constant 0 : i32
    %dma_start3A_45 = tpu.memref_slice %arg6[%dma_start3A_43, %dma_start3A_44] : memref<1000000x32xf32, #tpu.memory_space<hbm>> -> memref<1000000x32xf32, #tpu.memory_space<hbm>>
    tpu.enqueue_indirect_dma source(%dma_start3A_45 : memref<1000000x32xf32, #tpu.memory_space<hbm>>) target(%dma_start3A_40 : memref<128x32xf32, #tpu.memory_space<vmem>>) offsets(%dma_start3A_42 : memref<128xi32, #tpu.memory_space<vmem>>) semaphore(%arg20 : memref<!tpu.dma_semaphore, #tpu.memory_space<semaphore_mem>>)
    %dma_start3A_46 = arith.constant 512 : i32
    %dma_start3A_47 = arith.constant 0 : i32
    %dma_start3A_48 = tpu.memref_slice %arg14[%dma_start3A_46, %dma_start3A_47] : memref<1280x32xf32, #tpu.memory_space<vmem>> -> memref<128x32xf32, #tpu.memory_space<vmem>>
    %dma_start3A_49 = arith.constant 512 : i32
    %dma_start3A_50 = tpu.memref_slice %arg11[%dma_start3A_49] : memref<10240xi32, #tpu.memory_space<vmem>> -> memref<128xi32, #tpu.memory_space<vmem>>
    %dma_start3A_51 = arith.constant 0 : i32
    %dma_start3A_52 = arith.constant 0 : i32
    %dma_start3A_53 = tpu.memref_slice %arg6[%dma_start3A_51, %dma_start3A_52] : memref<1000000x32xf32, #tpu.memory_space<hbm>> -> memref<1000000x32xf32, #tpu.memory_space<hbm>>
    tpu.enqueue_indirect_dma source(%dma_start3A_53 : memref<1000000x32xf32, #tpu.memory_space<hbm>>) target(%dma_start3A_48 : memref<128x32xf32, #tpu.memory_space<vmem>>) offsets(%dma_start3A_50 : memref<128xi32, #tpu.memory_space<vmem>>) semaphore(%arg20 : memref<!tpu.dma_semaphore, #tpu.memory_space<semaphore_mem>>)
    %dma_start3A_54 = arith.constant 640 : i32
    %dma_start3A_55 = arith.constant 0 : i32
    %dma_start3A_56 = tpu.memref_slice %arg14[%dma_start3A_54, %dma_start3A_55] : memref<1280x32xf32, #tpu.memory_space<vmem>> -> memref<128x32xf32, #tpu.memory_space<vmem>>
    %dma_start3A_57 = arith.constant 640 : i32
    %dma_start3A_58 = tpu.memref_slice %arg11[%dma_start3A_57] : memref<10240xi32, #tpu.memory_space<vmem>> -> memref<128xi32, #tpu.memory_space<vmem>>
    %dma_start3A_59 = arith.constant 0 : i32
    %dma_start3A_60 = arith.constant 0 : i32
    %dma_start3A_61 = tpu.memref_slice %arg6[%dma_start3A_59, %dma_start3A_60] : memref<1000000x32xf32, #tpu.memory_space<hbm>> -> memref<1000000x32xf32, #tpu.memory_space<hbm>>
    tpu.enqueue_indirect_dma source(%dma_start3A_61 : memref<1000000x32xf32, #tpu.memory_space<hbm>>) target(%dma_start3A_56 : memref<128x32xf32, #tpu.memory_space<vmem>>) offsets(%dma_start3A_58 : memref<128xi32, #tpu.memory_space<vmem>>) semaphore(%arg20 : memref<!tpu.dma_semaphore, #tpu.memory_space<semaphore_mem>>)
    %dma_start3A_62 = arith.constant 768 : i32
    %dma_start3A_63 = arith.constant 0 : i32
    %dma_start3A_64 = tpu.memref_slice %arg14[%dma_start3A_62, %dma_start3A_63] : memref<1280x32xf32, #tpu.memory_space<vmem>> -> memref<128x32xf32, #tpu.memory_space<vmem>>
    %dma_start3A_65 = arith.constant 768 : i32
    %dma_start3A_66 = tpu.memref_slice %arg11[%dma_start3A_65] : memref<10240xi32, #tpu.memory_space<vmem>> -> memref<128xi32, #tpu.memory_space<vmem>>
    %dma_start3A_67 = arith.constant 0 : i32
    %dma_start3A_68 = arith.constant 0 : i32
    %dma_start3A_69 = tpu.memref_slice %arg6[%dma_start3A_67, %dma_start3A_68] : memref<1000000x32xf32, #tpu.memory_space<hbm>> -> memref<1000000x32xf32, #tpu.memory_space<hbm>>
    tpu.enqueue_indirect_dma source(%dma_start3A_69 : memref<1000000x32xf32, #tpu.memory_space<hbm>>) target(%dma_start3A_64 : memref<128x32xf32, #tpu.memory_space<vmem>>) offsets(%dma_start3A_66 : memref<128xi32, #tpu.memory_space<vmem>>) semaphore(%arg20 : memref<!tpu.dma_semaphore, #tpu.memory_space<semaphore_mem>>)
    %dma_start3A_70 = arith.constant 896 : i32
    %dma_start3A_71 = arith.constant 0 : i32
    %dma_start3A_72 = tpu.memref_slice %arg14[%dma_start3A_70, %dma_start3A_71] : memref<1280x32xf32, #tpu.memory_space<vmem>> -> memref<128x32xf32, #tpu.memory_space<vmem>>
    %dma_start3A_73 = arith.constant 896 : i32
    %dma_start3A_74 = tpu.memref_slice %arg11[%dma_start3A_73] : memref<10240xi32, #tpu.memory_space<vmem>> -> memref<128xi32, #tpu.memory_space<vmem>>
    %dma_start3A_75 = arith.constant 0 : i32
    %dma_start3A_76 = arith.constant 0 : i32
    %dma_start3A_77 = tpu.memref_slice %arg6[%dma_start3A_75, %dma_start3A_76] : memref<1000000x32xf32, #tpu.memory_space<hbm>> -> memref<1000000x32xf32, #tpu.memory_space<hbm>>
    tpu.enqueue_indirect_dma source(%dma_start3A_77 : memref<1000000x32xf32, #tpu.memory_space<hbm>>) target(%dma_start3A_72 : memref<128x32xf32, #tpu.memory_space<vmem>>) offsets(%dma_start3A_74 : memref<128xi32, #tpu.memory_space<vmem>>) semaphore(%arg20 : memref<!tpu.dma_semaphore, #tpu.memory_space<semaphore_mem>>)
    %dma_start3A_78 = arith.constant 1024 : i32
    %dma_start3A_79 = arith.constant 0 : i32
    %dma_start3A_80 = tpu.memref_slice %arg14[%dma_start3A_78, %dma_start3A_79] : memref<1280x32xf32, #tpu.memory_space<vmem>> -> memref<128x32xf32, #tpu.memory_space<vmem>>
    %dma_start3A_81 = arith.constant 1024 : i32
    %dma_start3A_82 = tpu.memref_slice %arg11[%dma_start3A_81] : memref<10240xi32, #tpu.memory_space<vmem>> -> memref<128xi32, #tpu.memory_space<vmem>>
    %dma_start3A_83 = arith.constant 0 : i32
    %dma_start3A_84 = arith.constant 0 : i32
    %dma_start3A_85 = tpu.memref_slice %arg6[%dma_start3A_83, %dma_start3A_84] : memref<1000000x32xf32, #tpu.memory_space<hbm>> -> memref<1000000x32xf32, #tpu.memory_space<hbm>>
    tpu.enqueue_indirect_dma source(%dma_start3A_85 : memref<1000000x32xf32, #tpu.memory_space<hbm>>) target(%dma_start3A_80 : memref<128x32xf32, #tpu.memory_space<vmem>>) offsets(%dma_start3A_82 : memref<128xi32, #tpu.memory_space<vmem>>) semaphore(%arg20 : memref<!tpu.dma_semaphore, #tpu.memory_space<semaphore_mem>>)
    %dma_start3A_86 = arith.constant 1152 : i32
    %dma_start3A_87 = arith.constant 0 : i32
    %dma_start3A_88 = tpu.memref_slice %arg14[%dma_start3A_86, %dma_start3A_87] : memref<1280x32xf32, #tpu.memory_space<vmem>> -> memref<128x32xf32, #tpu.memory_space<vmem>>
    %dma_start3A_89 = arith.constant 1152 : i32
    %dma_start3A_90 = tpu.memref_slice %arg11[%dma_start3A_89] : memref<10240xi32, #tpu.memory_space<vmem>> -> memref<128xi32, #tpu.memory_space<vmem>>
    %dma_start3A_91 = arith.constant 0 : i32
    %dma_start3A_92 = arith.constant 0 : i32
    %dma_start3A_93 = tpu.memref_slice %arg6[%dma_start3A_91, %dma_start3A_92] : memref<1000000x32xf32, #tpu.memory_space<hbm>> -> memref<1000000x32xf32, #tpu.memory_space<hbm>>
    tpu.enqueue_indirect_dma source(%dma_start3A_93 : memref<1000000x32xf32, #tpu.memory_space<hbm>>) target(%dma_start3A_88 : memref<128x32xf32, #tpu.memory_space<vmem>>) offsets(%dma_start3A_90 : memref<128xi32, #tpu.memory_space<vmem>>) semaphore(%arg20 : memref<!tpu.dma_semaphore, #tpu.memory_space<semaphore_mem>>)
    %scan3A = arith.constant 0 : i32
    %scan3A_94 = arith.constant 0 : i32
    %scan3A_95 = arith.constant 4 : i32
    %scan3A_96 = arith.addi %scan3A_94, %scan3A_95 : i32
    %scan3A_97 = arith.constant 1 : i32
    %scan3A_98 = scf.for %scan3A_100 = %scan3A_94 to %scan3A_96 step %scan3A_97 iter_args(%scan3A_101 = %scan3A) -> (i32)  : i32 {
      %mul3A_102 = arith.constant 2 : i32
      %mul3A_103 = arith.muli %mul3A_102, %scan3A_100 : i32
      %mul3A_104 = arith.constant 64 : i32
      %mul3A_105 = arith.muli %mul3A_103, %mul3A_104 : i32
      %add3A_106 = arith.constant 64 : i32
      %add3A_107 = arith.addi %mul3A_105, %add3A_106 : i32
      %dma_wait3A = tpu.memref_slice %arg9[%mul3A_105] : memref<512xi32, #tpu.memory_space<vmem>> -> memref<64xi32, #tpu.memory_space<vmem>>
      %dma_wait3A_108 = arith.constant 0 : i32
      %dma_wait3A_109 = arith.constant 0 : i32
      %dma_wait3A_110 = tpu.memref_slice %arg5[%dma_wait3A_108, %dma_wait3A_109] : memref<1000000x32xf32, #tpu.memory_space<hbm>> -> memref<1000000x32xf32, #tpu.memory_space<hbm>>
      tpu.wait_indirect_dma semaphore(%arg20 : memref<!tpu.dma_semaphore, #tpu.memory_space<semaphore_mem>>) src(%dma_wait3A_110 : memref<1000000x32xf32, #tpu.memory_space<hbm>>) dst(%arg12 : memref<64x32xf32, #tpu.memory_space<vmem>>)
      %dma_wait3A_111 = tpu.memref_slice %arg10[%mul3A_105] : memref<512xi32, #tpu.memory_space<vmem>> -> memref<64xi32, #tpu.memory_space<vmem>>
      %dma_wait3A_112 = arith.constant 0 : i32
      %dma_wait3A_113 = arith.constant 0 : i32
      %dma_wait3A_114 = tpu.memref_slice %arg6[%dma_wait3A_112, %dma_wait3A_113] : memref<1000000x32xf32, #tpu.memory_space<hbm>> -> memref<1000000x32xf32, #tpu.memory_space<hbm>>
      tpu.wait_indirect_dma semaphore(%arg20 : memref<!tpu.dma_semaphore, #tpu.memory_space<semaphore_mem>>) src(%dma_wait3A_114 : memref<1000000x32xf32, #tpu.memory_space<hbm>>) dst(%arg13 : memref<64x32xf32, #tpu.memory_space<vmem>>)
      %mul3A_115 = arith.constant 20 : i32
      %mul3A_116 = arith.muli %mul3A_105, %mul3A_115 : i32
      %add3A_117 = arith.constant 0 : i32
      %add3A_118 = arith.addi %mul3A_116, %add3A_117 : i32
      %dma_wait3A_119 = arith.constant 0 : i32
      %dma_wait3A_120 = arith.constant 0 : i32
      %dma_wait3A_121 = tpu.memref_slice %arg14[%dma_wait3A_119, %dma_wait3A_120] : memref<1280x32xf32, #tpu.memory_space<vmem>> -> memref<128x32xf32, #tpu.memory_space<vmem>>
      %dma_wait3A_122 = tpu.memref_slice %arg11[%add3A_118] : memref<10240xi32, #tpu.memory_space<vmem>> -> memref<128xi32, #tpu.memory_space<vmem>>
      %dma_wait3A_123 = arith.constant 0 : i32
      %dma_wait3A_124 = arith.constant 0 : i32
      %dma_wait3A_125 = tpu.memref_slice %arg6[%dma_wait3A_123, %dma_wait3A_124] : memref<1000000x32xf32, #tpu.memory_space<hbm>> -> memref<1000000x32xf32, #tpu.memory_space<hbm>>
      tpu.wait_indirect_dma semaphore(%arg20 : memref<!tpu.dma_semaphore, #tpu.memory_space<semaphore_mem>>) src(%dma_wait3A_125 : memref<1000000x32xf32, #tpu.memory_space<hbm>>) dst(%dma_wait3A_121 : memref<128x32xf32, #tpu.memory_space<vmem>>)
      %mul3A_126 = arith.constant 20 : i32
      %mul3A_127 = arith.muli %mul3A_105, %mul3A_126 : i32
      %add3A_128 = arith.constant 128 : i32
      %add3A_129 = arith.addi %mul3A_127, %add3A_128 : i32
      %dma_wait3A_130 = arith.constant 128 : i32
      %dma_wait3A_131 = arith.constant 0 : i32
      %dma_wait3A_132 = tpu.memref_slice %arg14[%dma_wait3A_130, %dma_wait3A_131] : memref<1280x32xf32, #tpu.memory_space<vmem>> -> memref<128x32xf32, #tpu.memory_space<vmem>>
      %dma_wait3A_133 = tpu.memref_slice %arg11[%add3A_129] : memref<10240xi32, #tpu.memory_space<vmem>> -> memref<128xi32, #tpu.memory_space<vmem>>
      %dma_wait3A_134 = arith.constant 0 : i32
      %dma_wait3A_135 = arith.constant 0 : i32
      %dma_wait3A_136 = tpu.memref_slice %arg6[%dma_wait3A_134, %dma_wait3A_135] : memref<1000000x32xf32, #tpu.memory_space<hbm>> -> memref<1000000x32xf32, #tpu.memory_space<hbm>>
      tpu.wait_indirect_dma semaphore(%arg20 : memref<!tpu.dma_semaphore, #tpu.memory_space<semaphore_mem>>) src(%dma_wait3A_136 : memref<1000000x32xf32, #tpu.memory_space<hbm>>) dst(%dma_wait3A_132 : memref<128x32xf32, #tpu.memory_space<vmem>>)
      %mul3A_137 = arith.constant 20 : i32
      %mul3A_138 = arith.muli %mul3A_105, %mul3A_137 : i32
      %add3A_139 = arith.constant 256 : i32
      %add3A_140 = arith.addi %mul3A_138, %add3A_139 : i32
      %dma_wait3A_141 = arith.constant 256 : i32
      %dma_wait3A_142 = arith.constant 0 : i32
      %dma_wait3A_143 = tpu.memref_slice %arg14[%dma_wait3A_141, %dma_wait3A_142] : memref<1280x32xf32, #tpu.memory_space<vmem>> -> memref<128x32xf32, #tpu.memory_space<vmem>>
      %dma_wait3A_144 = tpu.memref_slice %arg11[%add3A_140] : memref<10240xi32, #tpu.memory_space<vmem>> -> memref<128xi32, #tpu.memory_space<vmem>>
      %dma_wait3A_145 = arith.constant 0 : i32
      %dma_wait3A_146 = arith.constant 0 : i32
      %dma_wait3A_147 = tpu.memref_slice %arg6[%dma_wait3A_145, %dma_wait3A_146] : memref<1000000x32xf32, #tpu.memory_space<hbm>> -> memref<1000000x32xf32, #tpu.memory_space<hbm>>
      tpu.wait_indirect_dma semaphore(%arg20 : memref<!tpu.dma_semaphore, #tpu.memory_space<semaphore_mem>>) src(%dma_wait3A_147 : memref<1000000x32xf32, #tpu.memory_space<hbm>>) dst(%dma_wait3A_143 : memref<128x32xf32, #tpu.memory_space<vmem>>)
      %mul3A_148 = arith.constant 20 : i32
      %mul3A_149 = arith.muli %mul3A_105, %mul3A_148 : i32
      %add3A_150 = arith.constant 384 : i32
      %add3A_151 = arith.addi %mul3A_149, %add3A_150 : i32
      %dma_wait3A_152 = arith.constant 384 : i32
      %dma_wait3A_153 = arith.constant 0 : i32
      %dma_wait3A_154 = tpu.memref_slice %arg14[%dma_wait3A_152, %dma_wait3A_153] : memref<1280x32xf32, #tpu.memory_space<vmem>> -> memref<128x32xf32, #tpu.memory_space<vmem>>
      %dma_wait3A_155 = tpu.memref_slice %arg11[%add3A_151] : memref<10240xi32, #tpu.memory_space<vmem>> -> memref<128xi32, #tpu.memory_space<vmem>>
      %dma_wait3A_156 = arith.constant 0 : i32
      %dma_wait3A_157 = arith.constant 0 : i32
      %dma_wait3A_158 = tpu.memref_slice %arg6[%dma_wait3A_156, %dma_wait3A_157] : memref<1000000x32xf32, #tpu.memory_space<hbm>> -> memref<1000000x32xf32, #tpu.memory_space<hbm>>
      tpu.wait_indirect_dma semaphore(%arg20 : memref<!tpu.dma_semaphore, #tpu.memory_space<semaphore_mem>>) src(%dma_wait3A_158 : memref<1000000x32xf32, #tpu.memory_space<hbm>>) dst(%dma_wait3A_154 : memref<128x32xf32, #tpu.memory_space<vmem>>)
      %mul3A_159 = arith.constant 20 : i32
      %mul3A_160 = arith.muli %mul3A_105, %mul3A_159 : i32
      %add3A_161 = arith.constant 512 : i32
      %add3A_162 = arith.addi %mul3A_160, %add3A_161 : i32
      %dma_wait3A_163 = arith.constant 512 : i32
      %dma_wait3A_164 = arith.constant 0 : i32
      %dma_wait3A_165 = tpu.memref_slice %arg14[%dma_wait3A_163, %dma_wait3A_164] : memref<1280x32xf32, #tpu.memory_space<vmem>> -> memref<128x32xf32, #tpu.memory_space<vmem>>
      %dma_wait3A_166 = tpu.memref_slice %arg11[%add3A_162] : memref<10240xi32, #tpu.memory_space<vmem>> -> memref<128xi32, #tpu.memory_space<vmem>>
      %dma_wait3A_167 = arith.constant 0 : i32
      %dma_wait3A_168 = arith.constant 0 : i32
      %dma_wait3A_169 = tpu.memref_slice %arg6[%dma_wait3A_167, %dma_wait3A_168] : memref<1000000x32xf32, #tpu.memory_space<hbm>> -> memref<1000000x32xf32, #tpu.memory_space<hbm>>
      tpu.wait_indirect_dma semaphore(%arg20 : memref<!tpu.dma_semaphore, #tpu.memory_space<semaphore_mem>>) src(%dma_wait3A_169 : memref<1000000x32xf32, #tpu.memory_space<hbm>>) dst(%dma_wait3A_165 : memref<128x32xf32, #tpu.memory_space<vmem>>)
      %mul3A_170 = arith.constant 20 : i32
      %mul3A_171 = arith.muli %mul3A_105, %mul3A_170 : i32
      %add3A_172 = arith.constant 640 : i32
      %add3A_173 = arith.addi %mul3A_171, %add3A_172 : i32
      %dma_wait3A_174 = arith.constant 640 : i32
      %dma_wait3A_175 = arith.constant 0 : i32
      %dma_wait3A_176 = tpu.memref_slice %arg14[%dma_wait3A_174, %dma_wait3A_175] : memref<1280x32xf32, #tpu.memory_space<vmem>> -> memref<128x32xf32, #tpu.memory_space<vmem>>
      %dma_wait3A_177 = tpu.memref_slice %arg11[%add3A_173] : memref<10240xi32, #tpu.memory_space<vmem>> -> memref<128xi32, #tpu.memory_space<vmem>>
      %dma_wait3A_178 = arith.constant 0 : i32
      %dma_wait3A_179 = arith.constant 0 : i32
      %dma_wait3A_180 = tpu.memref_slice %arg6[%dma_wait3A_178, %dma_wait3A_179] : memref<1000000x32xf32, #tpu.memory_space<hbm>> -> memref<1000000x32xf32, #tpu.memory_space<hbm>>
      tpu.wait_indirect_dma semaphore(%arg20 : memref<!tpu.dma_semaphore, #tpu.memory_space<semaphore_mem>>) src(%dma_wait3A_180 : memref<1000000x32xf32, #tpu.memory_space<hbm>>) dst(%dma_wait3A_176 : memref<128x32xf32, #tpu.memory_space<vmem>>)
      %mul3A_181 = arith.constant 20 : i32
      %mul3A_182 = arith.muli %mul3A_105, %mul3A_181 : i32
      %add3A_183 = arith.constant 768 : i32
      %add3A_184 = arith.addi %mul3A_182, %add3A_183 : i32
      %dma_wait3A_185 = arith.constant 768 : i32
      %dma_wait3A_186 = arith.constant 0 : i32
      %dma_wait3A_187 = tpu.memref_slice %arg14[%dma_wait3A_185, %dma_wait3A_186] : memref<1280x32xf32, #tpu.memory_space<vmem>> -> memref<128x32xf32, #tpu.memory_space<vmem>>
      %dma_wait3A_188 = tpu.memref_slice %arg11[%add3A_184] : memref<10240xi32, #tpu.memory_space<vmem>> -> memref<128xi32, #tpu.memory_space<vmem>>
      %dma_wait3A_189 = arith.constant 0 : i32
      %dma_wait3A_190 = arith.constant 0 : i32
      %dma_wait3A_191 = tpu.memref_slice %arg6[%dma_wait3A_189, %dma_wait3A_190] : memref<1000000x32xf32, #tpu.memory_space<hbm>> -> memref<1000000x32xf32, #tpu.memory_space<hbm>>
      tpu.wait_indirect_dma semaphore(%arg20 : memref<!tpu.dma_semaphore, #tpu.memory_space<semaphore_mem>>) src(%dma_wait3A_191 : memref<1000000x32xf32, #tpu.memory_space<hbm>>) dst(%dma_wait3A_187 : memref<128x32xf32, #tpu.memory_space<vmem>>)
      %mul3A_192 = arith.constant 20 : i32
      %mul3A_193 = arith.muli %mul3A_105, %mul3A_192 : i32
      %add3A_194 = arith.constant 896 : i32
      %add3A_195 = arith.addi %mul3A_193, %add3A_194 : i32
      %dma_wait3A_196 = arith.constant 896 : i32
      %dma_wait3A_197 = arith.constant 0 : i32
      %dma_wait3A_198 = tpu.memref_slice %arg14[%dma_wait3A_196, %dma_wait3A_197] : memref<1280x32xf32, #tpu.memory_space<vmem>> -> memref<128x32xf32, #tpu.memory_space<vmem>>
      %dma_wait3A_199 = tpu.memref_slice %arg11[%add3A_195] : memref<10240xi32, #tpu.memory_space<vmem>> -> memref<128xi32, #tpu.memory_space<vmem>>
      %dma_wait3A_200 = arith.constant 0 : i32
      %dma_wait3A_201 = arith.constant 0 : i32
      %dma_wait3A_202 = tpu.memref_slice %arg6[%dma_wait3A_200, %dma_wait3A_201] : memref<1000000x32xf32, #tpu.memory_space<hbm>> -> memref<1000000x32xf32, #tpu.memory_space<hbm>>
      tpu.wait_indirect_dma semaphore(%arg20 : memref<!tpu.dma_semaphore, #tpu.memory_space<semaphore_mem>>) src(%dma_wait3A_202 : memref<1000000x32xf32, #tpu.memory_space<hbm>>) dst(%dma_wait3A_198 : memref<128x32xf32, #tpu.memory_space<vmem>>)
      %mul3A_203 = arith.constant 20 : i32
      %mul3A_204 = arith.muli %mul3A_105, %mul3A_203 : i32
      %add3A_205 = arith.constant 1024 : i32
      %add3A_206 = arith.addi %mul3A_204, %add3A_205 : i32
      %dma_wait3A_207 = arith.constant 1024 : i32
      %dma_wait3A_208 = arith.constant 0 : i32
      %dma_wait3A_209 = tpu.memref_slice %arg14[%dma_wait3A_207, %dma_wait3A_208] : memref<1280x32xf32, #tpu.memory_space<vmem>> -> memref<128x32xf32, #tpu.memory_space<vmem>>
      %dma_wait3A_210 = tpu.memref_slice %arg11[%add3A_206] : memref<10240xi32, #tpu.memory_space<vmem>> -> memref<128xi32, #tpu.memory_space<vmem>>
      %dma_wait3A_211 = arith.constant 0 : i32
      %dma_wait3A_212 = arith.constant 0 : i32
      %dma_wait3A_213 = tpu.memref_slice %arg6[%dma_wait3A_211, %dma_wait3A_212] : memref<1000000x32xf32, #tpu.memory_space<hbm>> -> memref<1000000x32xf32, #tpu.memory_space<hbm>>
      tpu.wait_indirect_dma semaphore(%arg20 : memref<!tpu.dma_semaphore, #tpu.memory_space<semaphore_mem>>) src(%dma_wait3A_213 : memref<1000000x32xf32, #tpu.memory_space<hbm>>) dst(%dma_wait3A_209 : memref<128x32xf32, #tpu.memory_space<vmem>>)
      %mul3A_214 = arith.constant 20 : i32
      %mul3A_215 = arith.muli %mul3A_105, %mul3A_214 : i32
      %add3A_216 = arith.constant 1152 : i32
      %add3A_217 = arith.addi %mul3A_215, %add3A_216 : i32
      %dma_wait3A_218 = arith.constant 1152 : i32
      %dma_wait3A_219 = arith.constant 0 : i32
      %dma_wait3A_220 = tpu.memref_slice %arg14[%dma_wait3A_218, %dma_wait3A_219] : memref<1280x32xf32, #tpu.memory_space<vmem>> -> memref<128x32xf32, #tpu.memory_space<vmem>>
      %dma_wait3A_221 = tpu.memref_slice %arg11[%add3A_217] : memref<10240xi32, #tpu.memory_space<vmem>> -> memref<128xi32, #tpu.memory_space<vmem>>
      %dma_wait3A_222 = arith.constant 0 : i32
      %dma_wait3A_223 = arith.constant 0 : i32
      %dma_wait3A_224 = tpu.memref_slice %arg6[%dma_wait3A_222, %dma_wait3A_223] : memref<1000000x32xf32, #tpu.memory_space<hbm>> -> memref<1000000x32xf32, #tpu.memory_space<hbm>>
      tpu.wait_indirect_dma semaphore(%arg20 : memref<!tpu.dma_semaphore, #tpu.memory_space<semaphore_mem>>) src(%dma_wait3A_224 : memref<1000000x32xf32, #tpu.memory_space<hbm>>) dst(%dma_wait3A_220 : memref<128x32xf32, #tpu.memory_space<vmem>>)
      %dma_start3A_225 = tpu.memref_slice %arg9[%add3A_107] : memref<512xi32, #tpu.memory_space<vmem>> -> memref<64xi32, #tpu.memory_space<vmem>>
      %dma_start3A_226 = arith.constant 0 : i32
      %dma_start3A_227 = arith.constant 0 : i32
      %dma_start3A_228 = tpu.memref_slice %arg5[%dma_start3A_226, %dma_start3A_227] : memref<1000000x32xf32, #tpu.memory_space<hbm>> -> memref<1000000x32xf32, #tpu.memory_space<hbm>>
      tpu.enqueue_indirect_dma source(%dma_start3A_228 : memref<1000000x32xf32, #tpu.memory_space<hbm>>) target(%arg15 : memref<64x32xf32, #tpu.memory_space<vmem>>) offsets(%dma_start3A_225 : memref<64xi32, #tpu.memory_space<vmem>>) semaphore(%arg21 : memref<!tpu.dma_semaphore, #tpu.memory_space<semaphore_mem>>)
      %dma_start3A_229 = tpu.memref_slice %arg10[%add3A_107] : memref<512xi32, #tpu.memory_space<vmem>> -> memref<64xi32, #tpu.memory_space<vmem>>
      %dma_start3A_230 = arith.constant 0 : i32
      %dma_start3A_231 = arith.constant 0 : i32
      %dma_start3A_232 = tpu.memref_slice %arg6[%dma_start3A_230, %dma_start3A_231] : memref<1000000x32xf32, #tpu.memory_space<hbm>> -> memref<1000000x32xf32, #tpu.memory_space<hbm>>
      tpu.enqueue_indirect_dma source(%dma_start3A_232 : memref<1000000x32xf32, #tpu.memory_space<hbm>>) target(%arg16 : memref<64x32xf32, #tpu.memory_space<vmem>>) offsets(%dma_start3A_229 : memref<64xi32, #tpu.memory_space<vmem>>) semaphore(%arg21 : memref<!tpu.dma_semaphore, #tpu.memory_space<semaphore_mem>>)
      %mul3A_233 = arith.constant 20 : i32
      %mul3A_234 = arith.muli %add3A_107, %mul3A_233 : i32
      %add3A_235 = arith.constant 0 : i32
      %add3A_236 = arith.addi %mul3A_234, %add3A_235 : i32
      %dma_start3A_237 = arith.constant 0 : i32
      %dma_start3A_238 = arith.constant 0 : i32
      %dma_start3A_239 = tpu.memref_slice %arg17[%dma_start3A_237, %dma_start3A_238] : memref<1280x32xf32, #tpu.memory_space<vmem>> -> memref<128x32xf32, #tpu.memory_space<vmem>>
      %dma_start3A_240 = tpu.memref_slice %arg11[%add3A_236] : memref<10240xi32, #tpu.memory_space<vmem>> -> memref<128xi32, #tpu.memory_space<vmem>>
      %dma_start3A_241 = arith.constant 0 : i32
      %dma_start3A_242 = arith.constant 0 : i32
      %dma_start3A_243 = tpu.memref_slice %arg6[%dma_start3A_241, %dma_start3A_242] : memref<1000000x32xf32, #tpu.memory_space<hbm>> -> memref<1000000x32xf32, #tpu.memory_space<hbm>>
      tpu.enqueue_indirect_dma source(%dma_start3A_243 : memref<1000000x32xf32, #tpu.memory_space<hbm>>) target(%dma_start3A_239 : memref<128x32xf32, #tpu.memory_space<vmem>>) offsets(%dma_start3A_240 : memref<128xi32, #tpu.memory_space<vmem>>) semaphore(%arg21 : memref<!tpu.dma_semaphore, #tpu.memory_space<semaphore_mem>>)
      %mul3A_244 = arith.constant 20 : i32
      %mul3A_245 = arith.muli %add3A_107, %mul3A_244 : i32
      %add3A_246 = arith.constant 128 : i32
      %add3A_247 = arith.addi %mul3A_245, %add3A_246 : i32
      %dma_start3A_248 = arith.constant 128 : i32
      %dma_start3A_249 = arith.constant 0 : i32
      %dma_start3A_250 = tpu.memref_slice %arg17[%dma_start3A_248, %dma_start3A_249] : memref<1280x32xf32, #tpu.memory_space<vmem>> -> memref<128x32xf32, #tpu.memory_space<vmem>>
      %dma_start3A_251 = tpu.memref_slice %arg11[%add3A_247] : memref<10240xi32, #tpu.memory_space<vmem>> -> memref<128xi32, #tpu.memory_space<vmem>>
      %dma_start3A_252 = arith.constant 0 : i32
      %dma_start3A_253 = arith.constant 0 : i32
      %dma_start3A_254 = tpu.memref_slice %arg6[%dma_start3A_252, %dma_start3A_253] : memref<1000000x32xf32, #tpu.memory_space<hbm>> -> memref<1000000x32xf32, #tpu.memory_space<hbm>>
      tpu.enqueue_indirect_dma source(%dma_start3A_254 : memref<1000000x32xf32, #tpu.memory_space<hbm>>) target(%dma_start3A_250 : memref<128x32xf32, #tpu.memory_space<vmem>>) offsets(%dma_start3A_251 : memref<128xi32, #tpu.memory_space<vmem>>) semaphore(%arg21 : memref<!tpu.dma_semaphore, #tpu.memory_space<semaphore_mem>>)
      %mul3A_255 = arith.constant 20 : i32
      %mul3A_256 = arith.muli %add3A_107, %mul3A_255 : i32
      %add3A_257 = arith.constant 256 : i32
      %add3A_258 = arith.addi %mul3A_256, %add3A_257 : i32
      %dma_start3A_259 = arith.constant 256 : i32
      %dma_start3A_260 = arith.constant 0 : i32
      %dma_start3A_261 = tpu.memref_slice %arg17[%dma_start3A_259, %dma_start3A_260] : memref<1280x32xf32, #tpu.memory_space<vmem>> -> memref<128x32xf32, #tpu.memory_space<vmem>>
      %dma_start3A_262 = tpu.memref_slice %arg11[%add3A_258] : memref<10240xi32, #tpu.memory_space<vmem>> -> memref<128xi32, #tpu.memory_space<vmem>>
      %dma_start3A_263 = arith.constant 0 : i32
      %dma_start3A_264 = arith.constant 0 : i32
      %dma_start3A_265 = tpu.memref_slice %arg6[%dma_start3A_263, %dma_start3A_264] : memref<1000000x32xf32, #tpu.memory_space<hbm>> -> memref<1000000x32xf32, #tpu.memory_space<hbm>>
      tpu.enqueue_indirect_dma source(%dma_start3A_265 : memref<1000000x32xf32, #tpu.memory_space<hbm>>) target(%dma_start3A_261 : memref<128x32xf32, #tpu.memory_space<vmem>>) offsets(%dma_start3A_262 : memref<128xi32, #tpu.memory_space<vmem>>) semaphore(%arg21 : memref<!tpu.dma_semaphore, #tpu.memory_space<semaphore_mem>>)
      %mul3A_266 = arith.constant 20 : i32
      %mul3A_267 = arith.muli %add3A_107, %mul3A_266 : i32
      %add3A_268 = arith.constant 384 : i32
      %add3A_269 = arith.addi %mul3A_267, %add3A_268 : i32
      %dma_start3A_270 = arith.constant 384 : i32
      %dma_start3A_271 = arith.constant 0 : i32
      %dma_start3A_272 = tpu.memref_slice %arg17[%dma_start3A_270, %dma_start3A_271] : memref<1280x32xf32, #tpu.memory_space<vmem>> -> memref<128x32xf32, #tpu.memory_space<vmem>>
      %dma_start3A_273 = tpu.memref_slice %arg11[%add3A_269] : memref<10240xi32, #tpu.memory_space<vmem>> -> memref<128xi32, #tpu.memory_space<vmem>>
      %dma_start3A_274 = arith.constant 0 : i32
      %dma_start3A_275 = arith.constant 0 : i32
      %dma_start3A_276 = tpu.memref_slice %arg6[%dma_start3A_274, %dma_start3A_275] : memref<1000000x32xf32, #tpu.memory_space<hbm>> -> memref<1000000x32xf32, #tpu.memory_space<hbm>>
      tpu.enqueue_indirect_dma source(%dma_start3A_276 : memref<1000000x32xf32, #tpu.memory_space<hbm>>) target(%dma_start3A_272 : memref<128x32xf32, #tpu.memory_space<vmem>>) offsets(%dma_start3A_273 : memref<128xi32, #tpu.memory_space<vmem>>) semaphore(%arg21 : memref<!tpu.dma_semaphore, #tpu.memory_space<semaphore_mem>>)
      %mul3A_277 = arith.constant 20 : i32
      %mul3A_278 = arith.muli %add3A_107, %mul3A_277 : i32
      %add3A_279 = arith.constant 512 : i32
      %add3A_280 = arith.addi %mul3A_278, %add3A_279 : i32
      %dma_start3A_281 = arith.constant 512 : i32
      %dma_start3A_282 = arith.constant 0 : i32
      %dma_start3A_283 = tpu.memref_slice %arg17[%dma_start3A_281, %dma_start3A_282] : memref<1280x32xf32, #tpu.memory_space<vmem>> -> memref<128x32xf32, #tpu.memory_space<vmem>>
      %dma_start3A_284 = tpu.memref_slice %arg11[%add3A_280] : memref<10240xi32, #tpu.memory_space<vmem>> -> memref<128xi32, #tpu.memory_space<vmem>>
      %dma_start3A_285 = arith.constant 0 : i32
      %dma_start3A_286 = arith.constant 0 : i32
      %dma_start3A_287 = tpu.memref_slice %arg6[%dma_start3A_285, %dma_start3A_286] : memref<1000000x32xf32, #tpu.memory_space<hbm>> -> memref<1000000x32xf32, #tpu.memory_space<hbm>>
      tpu.enqueue_indirect_dma source(%dma_start3A_287 : memref<1000000x32xf32, #tpu.memory_space<hbm>>) target(%dma_start3A_283 : memref<128x32xf32, #tpu.memory_space<vmem>>) offsets(%dma_start3A_284 : memref<128xi32, #tpu.memory_space<vmem>>) semaphore(%arg21 : memref<!tpu.dma_semaphore, #tpu.memory_space<semaphore_mem>>)
      %mul3A_288 = arith.constant 20 : i32
      %mul3A_289 = arith.muli %add3A_107, %mul3A_288 : i32
      %add3A_290 = arith.constant 640 : i32
      %add3A_291 = arith.addi %mul3A_289, %add3A_290 : i32
      %dma_start3A_292 = arith.constant 640 : i32
      %dma_start3A_293 = arith.constant 0 : i32
      %dma_start3A_294 = tpu.memref_slice %arg17[%dma_start3A_292, %dma_start3A_293] : memref<1280x32xf32, #tpu.memory_space<vmem>> -> memref<128x32xf32, #tpu.memory_space<vmem>>
      %dma_start3A_295 = tpu.memref_slice %arg11[%add3A_291] : memref<10240xi32, #tpu.memory_space<vmem>> -> memref<128xi32, #tpu.memory_space<vmem>>
      %dma_start3A_296 = arith.constant 0 : i32
      %dma_start3A_297 = arith.constant 0 : i32
      %dma_start3A_298 = tpu.memref_slice %arg6[%dma_start3A_296, %dma_start3A_297] : memref<1000000x32xf32, #tpu.memory_space<hbm>> -> memref<1000000x32xf32, #tpu.memory_space<hbm>>
      tpu.enqueue_indirect_dma source(%dma_start3A_298 : memref<1000000x32xf32, #tpu.memory_space<hbm>>) target(%dma_start3A_294 : memref<128x32xf32, #tpu.memory_space<vmem>>) offsets(%dma_start3A_295 : memref<128xi32, #tpu.memory_space<vmem>>) semaphore(%arg21 : memref<!tpu.dma_semaphore, #tpu.memory_space<semaphore_mem>>)
      %mul3A_299 = arith.constant 20 : i32
      %mul3A_300 = arith.muli %add3A_107, %mul3A_299 : i32
      %add3A_301 = arith.constant 768 : i32
      %add3A_302 = arith.addi %mul3A_300, %add3A_301 : i32
      %dma_start3A_303 = arith.constant 768 : i32
      %dma_start3A_304 = arith.constant 0 : i32
      %dma_start3A_305 = tpu.memref_slice %arg17[%dma_start3A_303, %dma_start3A_304] : memref<1280x32xf32, #tpu.memory_space<vmem>> -> memref<128x32xf32, #tpu.memory_space<vmem>>
      %dma_start3A_306 = tpu.memref_slice %arg11[%add3A_302] : memref<10240xi32, #tpu.memory_space<vmem>> -> memref<128xi32, #tpu.memory_space<vmem>>
      %dma_start3A_307 = arith.constant 0 : i32
      %dma_start3A_308 = arith.constant 0 : i32
      %dma_start3A_309 = tpu.memref_slice %arg6[%dma_start3A_307, %dma_start3A_308] : memref<1000000x32xf32, #tpu.memory_space<hbm>> -> memref<1000000x32xf32, #tpu.memory_space<hbm>>
      tpu.enqueue_indirect_dma source(%dma_start3A_309 : memref<1000000x32xf32, #tpu.memory_space<hbm>>) target(%dma_start3A_305 : memref<128x32xf32, #tpu.memory_space<vmem>>) offsets(%dma_start3A_306 : memref<128xi32, #tpu.memory_space<vmem>>) semaphore(%arg21 : memref<!tpu.dma_semaphore, #tpu.memory_space<semaphore_mem>>)
      %mul3A_310 = arith.constant 20 : i32
      %mul3A_311 = arith.muli %add3A_107, %mul3A_310 : i32
      %add3A_312 = arith.constant 896 : i32
      %add3A_313 = arith.addi %mul3A_311, %add3A_312 : i32
      %dma_start3A_314 = arith.constant 896 : i32
      %dma_start3A_315 = arith.constant 0 : i32
      %dma_start3A_316 = tpu.memref_slice %arg17[%dma_start3A_314, %dma_start3A_315] : memref<1280x32xf32, #tpu.memory_space<vmem>> -> memref<128x32xf32, #tpu.memory_space<vmem>>
      %dma_start3A_317 = tpu.memref_slice %arg11[%add3A_313] : memref<10240xi32, #tpu.memory_space<vmem>> -> memref<128xi32, #tpu.memory_space<vmem>>
      %dma_start3A_318 = arith.constant 0 : i32
      %dma_start3A_319 = arith.constant 0 : i32
      %dma_start3A_320 = tpu.memref_slice %arg6[%dma_start3A_318, %dma_start3A_319] : memref<1000000x32xf32, #tpu.memory_space<hbm>> -> memref<1000000x32xf32, #tpu.memory_space<hbm>>
      tpu.enqueue_indirect_dma source(%dma_start3A_320 : memref<1000000x32xf32, #tpu.memory_space<hbm>>) target(%dma_start3A_316 : memref<128x32xf32, #tpu.memory_space<vmem>>) offsets(%dma_start3A_317 : memref<128xi32, #tpu.memory_space<vmem>>) semaphore(%arg21 : memref<!tpu.dma_semaphore, #tpu.memory_space<semaphore_mem>>)
      %mul3A_321 = arith.constant 20 : i32
      %mul3A_322 = arith.muli %add3A_107, %mul3A_321 : i32
      %add3A_323 = arith.constant 1024 : i32
      %add3A_324 = arith.addi %mul3A_322, %add3A_323 : i32
      %dma_start3A_325 = arith.constant 1024 : i32
      %dma_start3A_326 = arith.constant 0 : i32
      %dma_start3A_327 = tpu.memref_slice %arg17[%dma_start3A_325, %dma_start3A_326] : memref<1280x32xf32, #tpu.memory_space<vmem>> -> memref<128x32xf32, #tpu.memory_space<vmem>>
      %dma_start3A_328 = tpu.memref_slice %arg11[%add3A_324] : memref<10240xi32, #tpu.memory_space<vmem>> -> memref<128xi32, #tpu.memory_space<vmem>>
      %dma_start3A_329 = arith.constant 0 : i32
      %dma_start3A_330 = arith.constant 0 : i32
      %dma_start3A_331 = tpu.memref_slice %arg6[%dma_start3A_329, %dma_start3A_330] : memref<1000000x32xf32, #tpu.memory_space<hbm>> -> memref<1000000x32xf32, #tpu.memory_space<hbm>>
      tpu.enqueue_indirect_dma source(%dma_start3A_331 : memref<1000000x32xf32, #tpu.memory_space<hbm>>) target(%dma_start3A_327 : memref<128x32xf32, #tpu.memory_space<vmem>>) offsets(%dma_start3A_328 : memref<128xi32, #tpu.memory_space<vmem>>) semaphore(%arg21 : memref<!tpu.dma_semaphore, #tpu.memory_space<semaphore_mem>>)
      %mul3A_332 = arith.constant 20 : i32
      %mul3A_333 = arith.muli %add3A_107, %mul3A_332 : i32
      %add3A_334 = arith.constant 1152 : i32
      %add3A_335 = arith.addi %mul3A_333, %add3A_334 : i32
      %dma_start3A_336 = arith.constant 1152 : i32
      %dma_start3A_337 = arith.constant 0 : i32
      %dma_start3A_338 = tpu.memref_slice %arg17[%dma_start3A_336, %dma_start3A_337] : memref<1280x32xf32, #tpu.memory_space<vmem>> -> memref<128x32xf32, #tpu.memory_space<vmem>>
      %dma_start3A_339 = tpu.memref_slice %arg11[%add3A_335] : memref<10240xi32, #tpu.memory_space<vmem>> -> memref<128xi32, #tpu.memory_space<vmem>>
      %dma_start3A_340 = arith.constant 0 : i32
      %dma_start3A_341 = arith.constant 0 : i32
      %dma_start3A_342 = tpu.memref_slice %arg6[%dma_start3A_340, %dma_start3A_341] : memref<1000000x32xf32, #tpu.memory_space<hbm>> -> memref<1000000x32xf32, #tpu.memory_space<hbm>>
      tpu.enqueue_indirect_dma source(%dma_start3A_342 : memref<1000000x32xf32, #tpu.memory_space<hbm>>) target(%dma_start3A_338 : memref<128x32xf32, #tpu.memory_space<vmem>>) offsets(%dma_start3A_339 : memref<128xi32, #tpu.memory_space<vmem>>) semaphore(%arg21 : memref<!tpu.dma_semaphore, #tpu.memory_space<semaphore_mem>>)
      %scan3A_343 = arith.constant 0 : i32
      %scan3A_344 = arith.constant 0 : i32
      %scan3A_345 = arith.constant 4 : i32
      %scan3A_346 = arith.addi %scan3A_344, %scan3A_345 : i32
      %scan3A_347 = arith.constant 1 : i32
      %scan3A_348 = scf.for %scan3A_486 = %scan3A_344 to %scan3A_346 step %scan3A_347 iter_args(%scan3A_487 = %scan3A_343) -> (i32)  : i32 {
        %mul3A_488 = arith.constant 16 : i32
        %mul3A_489 = arith.muli %scan3A_486, %mul3A_488 : i32
        %add3A_490 = vector.broadcast %mul3A_489 : i32 to vector<16xi32>
        %add3A_491 = arith.addi %add3A_490, %iota3A : vector<16xi32>
        %mul3A_492 = arith.constant 20 : i32
        %mul3A_493 = vector.broadcast %mul3A_492 : i32 to vector<16xi32>
        %mul3A_494 = arith.muli %add3A_491, %mul3A_493 : vector<16xi32>
        %broadcast_in_dim3A = arith.constant 0.000000e+00 : f32
        %broadcast_in_dim3A_495 = vector.broadcast %broadcast_in_dim3A : f32 to vector<16xf32>
        %scan3A_496 = arith.constant 0 : i32
        %scan3A_497 = arith.constant 32 : i32
        %scan3A_498 = arith.addi %scan3A_496, %scan3A_497 : i32
        %scan3A_499 = arith.constant 1 : i32
        %scan3A_500 = scf.for %scan3A_612 = %scan3A_496 to %scan3A_498 step %scan3A_499 iter_args(%scan3A_613 = %broadcast_in_dim3A_495) -> (vector<16xf32>)  : i32 {
          %broadcast_in_dim3A_614 = vector.broadcast %scan3A_612 : i32 to vector<16xi32>
          %gather3A_615 = tpu.vector_load_idx %arg12[%add3A_491, %broadcast_in_dim3A_614] : memref<64x32xf32, #tpu.memory_space<vmem>>[vector<16xi32>, vector<16xi32>], vector<16xf32>,
          %gather3A_616 = tpu.vector_load_idx %arg13[%add3A_491, %broadcast_in_dim3A_614] : memref<64x32xf32, #tpu.memory_space<vmem>>[vector<16xi32>, vector<16xi32>], vector<16xf32>,
          %mul3A_617 = arith.mulf %gather3A_615, %gather3A_616 : vector<16xf32>
          %add3A_618 = arith.addf %scan3A_613, %mul3A_617 : vector<16xf32>
          scf.yield %add3A_618 : vector<16xf32>
        }
        %scan3A_501 = arith.constant 32 : i32
        tpu.vector_store_idx %arg18[%add3A_491], %scan3A_500 : memref<64xf32, #tpu.memory_space<vmem>>[vector<16xi32>], vector<16xf32>,
        %broadcast_in_dim3A_502 = arith.constant 0 : i32
        %broadcast_in_dim3A_503 = vector.broadcast %broadcast_in_dim3A_502 : i32 to vector<16xi32>
        %gather3A = tpu.vector_load_idx %arg12[%add3A_491, %broadcast_in_dim3A_503] : memref<64x32xf32, #tpu.memory_space<vmem>>[vector<16xi32>, vector<16xi32>], vector<16xf32>,
        %broadcast_in_dim3A_504 = arith.constant 1 : i32
        %broadcast_in_dim3A_505 = vector.broadcast %broadcast_in_dim3A_504 : i32 to vector<16xi32>
        %gather3A_506 = tpu.vector_load_idx %arg12[%add3A_491, %broadcast_in_dim3A_505] : memref<64x32xf32, #tpu.memory_space<vmem>>[vector<16xi32>, vector<16xi32>], vector<16xf32>,
        %broadcast_in_dim3A_507 = arith.constant 2 : i32
        %broadcast_in_dim3A_508 = vector.broadcast %broadcast_in_dim3A_507 : i32 to vector<16xi32>
        %gather3A_509 = tpu.vector_load_idx %arg12[%add3A_491, %broadcast_in_dim3A_508] : memref<64x32xf32, #tpu.memory_space<vmem>>[vector<16xi32>, vector<16xi32>], vector<16xf32>,
        %broadcast_in_dim3A_510 = arith.constant 3 : i32
        %broadcast_in_dim3A_511 = vector.broadcast %broadcast_in_dim3A_510 : i32 to vector<16xi32>
        %gather3A_512 = tpu.vector_load_idx %arg12[%add3A_491, %broadcast_in_dim3A_511] : memref<64x32xf32, #tpu.memory_space<vmem>>[vector<16xi32>, vector<16xi32>], vector<16xf32>,
        %broadcast_in_dim3A_513 = arith.constant 4 : i32
        %broadcast_in_dim3A_514 = vector.broadcast %broadcast_in_dim3A_513 : i32 to vector<16xi32>
        %gather3A_515 = tpu.vector_load_idx %arg12[%add3A_491, %broadcast_in_dim3A_514] : memref<64x32xf32, #tpu.memory_space<vmem>>[vector<16xi32>, vector<16xi32>], vector<16xf32>,
        %broadcast_in_dim3A_516 = arith.constant 5 : i32
        %broadcast_in_dim3A_517 = vector.broadcast %broadcast_in_dim3A_516 : i32 to vector<16xi32>
        %gather3A_518 = tpu.vector_load_idx %arg12[%add3A_491, %broadcast_in_dim3A_517] : memref<64x32xf32, #tpu.memory_space<vmem>>[vector<16xi32>, vector<16xi32>], vector<16xf32>,
        %broadcast_in_dim3A_519 = arith.constant 6 : i32
        %broadcast_in_dim3A_520 = vector.broadcast %broadcast_in_dim3A_519 : i32 to vector<16xi32>
        %gather3A_521 = tpu.vector_load_idx %arg12[%add3A_491, %broadcast_in_dim3A_520] : memref<64x32xf32, #tpu.memory_space<vmem>>[vector<16xi32>, vector<16xi32>], vector<16xf32>,
        %broadcast_in_dim3A_522 = arith.constant 7 : i32
        %broadcast_in_dim3A_523 = vector.broadcast %broadcast_in_dim3A_522 : i32 to vector<16xi32>
        %gather3A_524 = tpu.vector_load_idx %arg12[%add3A_491, %broadcast_in_dim3A_523] : memref<64x32xf32, #tpu.memory_space<vmem>>[vector<16xi32>, vector<16xi32>], vector<16xf32>,
        %broadcast_in_dim3A_525 = arith.constant 8 : i32
        %broadcast_in_dim3A_526 = vector.broadcast %broadcast_in_dim3A_525 : i32 to vector<16xi32>
        %gather3A_527 = tpu.vector_load_idx %arg12[%add3A_491, %broadcast_in_dim3A_526] : memref<64x32xf32, #tpu.memory_space<vmem>>[vector<16xi32>, vector<16xi32>], vector<16xf32>,
        %broadcast_in_dim3A_528 = arith.constant 9 : i32
        %broadcast_in_dim3A_529 = vector.broadcast %broadcast_in_dim3A_528 : i32 to vector<16xi32>
        %gather3A_530 = tpu.vector_load_idx %arg12[%add3A_491, %broadcast_in_dim3A_529] : memref<64x32xf32, #tpu.memory_space<vmem>>[vector<16xi32>, vector<16xi32>], vector<16xf32>,
        %broadcast_in_dim3A_531 = arith.constant 10 : i32
        %broadcast_in_dim3A_532 = vector.broadcast %broadcast_in_dim3A_531 : i32 to vector<16xi32>
        %gather3A_533 = tpu.vector_load_idx %arg12[%add3A_491, %broadcast_in_dim3A_532] : memref<64x32xf32, #tpu.memory_space<vmem>>[vector<16xi32>, vector<16xi32>], vector<16xf32>,
        %broadcast_in_dim3A_534 = arith.constant 11 : i32
        %broadcast_in_dim3A_535 = vector.broadcast %broadcast_in_dim3A_534 : i32 to vector<16xi32>
        %gather3A_536 = tpu.vector_load_idx %arg12[%add3A_491, %broadcast_in_dim3A_535] : memref<64x32xf32, #tpu.memory_space<vmem>>[vector<16xi32>, vector<16xi32>], vector<16xf32>,
        %broadcast_in_dim3A_537 = arith.constant 12 : i32
        %broadcast_in_dim3A_538 = vector.broadcast %broadcast_in_dim3A_537 : i32 to vector<16xi32>
        %gather3A_539 = tpu.vector_load_idx %arg12[%add3A_491, %broadcast_in_dim3A_538] : memref<64x32xf32, #tpu.memory_space<vmem>>[vector<16xi32>, vector<16xi32>], vector<16xf32>,
        %broadcast_in_dim3A_540 = arith.constant 13 : i32
        %broadcast_in_dim3A_541 = vector.broadcast %broadcast_in_dim3A_540 : i32 to vector<16xi32>
        %gather3A_542 = tpu.vector_load_idx %arg12[%add3A_491, %broadcast_in_dim3A_541] : memref<64x32xf32, #tpu.memory_space<vmem>>[vector<16xi32>, vector<16xi32>], vector<16xf32>,
        %broadcast_in_dim3A_543 = arith.constant 14 : i32
        %broadcast_in_dim3A_544 = vector.broadcast %broadcast_in_dim3A_543 : i32 to vector<16xi32>
        %gather3A_545 = tpu.vector_load_idx %arg12[%add3A_491, %broadcast_in_dim3A_544] : memref<64x32xf32, #tpu.memory_space<vmem>>[vector<16xi32>, vector<16xi32>], vector<16xf32>,
        %broadcast_in_dim3A_546 = arith.constant 15 : i32
        %broadcast_in_dim3A_547 = vector.broadcast %broadcast_in_dim3A_546 : i32 to vector<16xi32>
        %gather3A_548 = tpu.vector_load_idx %arg12[%add3A_491, %broadcast_in_dim3A_547] : memref<64x32xf32, #tpu.memory_space<vmem>>[vector<16xi32>, vector<16xi32>], vector<16xf32>,
        %scan3A_549 = arith.constant 0 : i32
        %scan3A_550 = arith.constant 0 : i32
        %scan3A_551 = arith.constant 20 : i32
        %scan3A_552 = arith.addi %scan3A_550, %scan3A_551 : i32
        %scan3A_553 = arith.constant 1 : i32
        %scan3A_554 = scf.for %scan3A_612 = %scan3A_550 to %scan3A_552 step %scan3A_553 iter_args(%scan3A_613 = %scan3A_549) -> (i32)  : i32 {
          %add3A_614 = vector.broadcast %scan3A_612 : i32 to vector<16xi32>
          %add3A_615 = arith.addi %mul3A_494, %add3A_614 : vector<16xi32>
          %broadcast_in_dim3A_616 = arith.constant 0 : i32
          %broadcast_in_dim3A_617 = vector.broadcast %broadcast_in_dim3A_616 : i32 to vector<16xi32>
          %gather3A_618 = tpu.vector_load_idx %arg14[%add3A_615, %broadcast_in_dim3A_617] : memref<1280x32xf32, #tpu.memory_space<vmem>>[vector<16xi32>, vector<16xi32>], vector<16xf32>,
          %mul3A_619 = arith.mulf %gather3A, %gather3A_618 : vector<16xf32>
          %broadcast_in_dim3A_620 = arith.constant 1 : i32
          %broadcast_in_dim3A_621 = vector.broadcast %broadcast_in_dim3A_620 : i32 to vector<16xi32>
          %gather3A_622 = tpu.vector_load_idx %arg14[%add3A_615, %broadcast_in_dim3A_621] : memref<1280x32xf32, #tpu.memory_space<vmem>>[vector<16xi32>, vector<16xi32>], vector<16xf32>,
          %mul3A_623 = arith.mulf %gather3A_506, %gather3A_622 : vector<16xf32>
          %add3A_624 = arith.addf %mul3A_619, %mul3A_623 : vector<16xf32>
          %broadcast_in_dim3A_625 = arith.constant 2 : i32
          %broadcast_in_dim3A_626 = vector.broadcast %broadcast_in_dim3A_625 : i32 to vector<16xi32>
          %gather3A_627 = tpu.vector_load_idx %arg14[%add3A_615, %broadcast_in_dim3A_626] : memref<1280x32xf32, #tpu.memory_space<vmem>>[vector<16xi32>, vector<16xi32>], vector<16xf32>,
          %mul3A_628 = arith.mulf %gather3A_509, %gather3A_627 : vector<16xf32>
          %add3A_629 = arith.addf %add3A_624, %mul3A_628 : vector<16xf32>
          %broadcast_in_dim3A_630 = arith.constant 3 : i32
          %broadcast_in_dim3A_631 = vector.broadcast %broadcast_in_dim3A_630 : i32 to vector<16xi32>
          %gather3A_632 = tpu.vector_load_idx %arg14[%add3A_615, %broadcast_in_dim3A_631] : memref<1280x32xf32, #tpu.memory_space<vmem>>[vector<16xi32>, vector<16xi32>], vector<16xf32>,
          %mul3A_633 = arith.mulf %gather3A_512, %gather3A_632 : vector<16xf32>
          %add3A_634 = arith.addf %add3A_629, %mul3A_633 : vector<16xf32>
          %broadcast_in_dim3A_635 = arith.constant 4 : i32
          %broadcast_in_dim3A_636 = vector.broadcast %broadcast_in_dim3A_635 : i32 to vector<16xi32>
          %gather3A_637 = tpu.vector_load_idx %arg14[%add3A_615, %broadcast_in_dim3A_636] : memref<1280x32xf32, #tpu.memory_space<vmem>>[vector<16xi32>, vector<16xi32>], vector<16xf32>,
          %mul3A_638 = arith.mulf %gather3A_515, %gather3A_637 : vector<16xf32>
          %broadcast_in_dim3A_639 = arith.constant 5 : i32
          %broadcast_in_dim3A_640 = vector.broadcast %broadcast_in_dim3A_639 : i32 to vector<16xi32>
          %gather3A_641 = tpu.vector_load_idx %arg14[%add3A_615, %broadcast_in_dim3A_640] : memref<1280x32xf32, #tpu.memory_space<vmem>>[vector<16xi32>, vector<16xi32>], vector<16xf32>,
          %mul3A_642 = arith.mulf %gather3A_518, %gather3A_641 : vector<16xf32>
          %add3A_643 = arith.addf %mul3A_638, %mul3A_642 : vector<16xf32>
          %broadcast_in_dim3A_644 = arith.constant 6 : i32
          %broadcast_in_dim3A_645 = vector.broadcast %broadcast_in_dim3A_644 : i32 to vector<16xi32>
          %gather3A_646 = tpu.vector_load_idx %arg14[%add3A_615, %broadcast_in_dim3A_645] : memref<1280x32xf32, #tpu.memory_space<vmem>>[vector<16xi32>, vector<16xi32>], vector<16xf32>,
          %mul3A_647 = arith.mulf %gather3A_521, %gather3A_646 : vector<16xf32>
          %add3A_648 = arith.addf %add3A_643, %mul3A_647 : vector<16xf32>
          %broadcast_in_dim3A_649 = arith.constant 7 : i32
          %broadcast_in_dim3A_650 = vector.broadcast %broadcast_in_dim3A_649 : i32 to vector<16xi32>
          %gather3A_651 = tpu.vector_load_idx %arg14[%add3A_615, %broadcast_in_dim3A_650] : memref<1280x32xf32, #tpu.memory_space<vmem>>[vector<16xi32>, vector<16xi32>], vector<16xf32>,
          %mul3A_652 = arith.mulf %gather3A_524, %gather3A_651 : vector<16xf32>
          %add3A_653 = arith.addf %add3A_648, %mul3A_652 : vector<16xf32>
          %broadcast_in_dim3A_654 = arith.constant 8 : i32
          %broadcast_in_dim3A_655 = vector.broadcast %broadcast_in_dim3A_654 : i32 to vector<16xi32>
          %gather3A_656 = tpu.vector_load_idx %arg14[%add3A_615, %broadcast_in_dim3A_655] : memref<1280x32xf32, #tpu.memory_space<vmem>>[vector<16xi32>, vector<16xi32>], vector<16xf32>,
          %mul3A_657 = arith.mulf %gather3A_527, %gather3A_656 : vector<16xf32>
          %broadcast_in_dim3A_658 = arith.constant 9 : i32
          %broadcast_in_dim3A_659 = vector.broadcast %broadcast_in_dim3A_658 : i32 to vector<16xi32>
          %gather3A_660 = tpu.vector_load_idx %arg14[%add3A_615, %broadcast_in_dim3A_659] : memref<1280x32xf32, #tpu.memory_space<vmem>>[vector<16xi32>, vector<16xi32>], vector<16xf32>,
          %mul3A_661 = arith.mulf %gather3A_530, %gather3A_660 : vector<16xf32>
          %add3A_662 = arith.addf %mul3A_657, %mul3A_661 : vector<16xf32>
          %broadcast_in_dim3A_663 = arith.constant 10 : i32
          %broadcast_in_dim3A_664 = vector.broadcast %broadcast_in_dim3A_663 : i32 to vector<16xi32>
          %gather3A_665 = tpu.vector_load_idx %arg14[%add3A_615, %broadcast_in_dim3A_664] : memref<1280x32xf32, #tpu.memory_space<vmem>>[vector<16xi32>, vector<16xi32>], vector<16xf32>,
          %mul3A_666 = arith.mulf %gather3A_533, %gather3A_665 : vector<16xf32>
          %add3A_667 = arith.addf %add3A_662, %mul3A_666 : vector<16xf32>
          %broadcast_in_dim3A_668 = arith.constant 11 : i32
          %broadcast_in_dim3A_669 = vector.broadcast %broadcast_in_dim3A_668 : i32 to vector<16xi32>
          %gather3A_670 = tpu.vector_load_idx %arg14[%add3A_615, %broadcast_in_dim3A_669] : memref<1280x32xf32, #tpu.memory_space<vmem>>[vector<16xi32>, vector<16xi32>], vector<16xf32>,
          %mul3A_671 = arith.mulf %gather3A_536, %gather3A_670 : vector<16xf32>
          %add3A_672 = arith.addf %add3A_667, %mul3A_671 : vector<16xf32>
          %broadcast_in_dim3A_673 = arith.constant 12 : i32
          %broadcast_in_dim3A_674 = vector.broadcast %broadcast_in_dim3A_673 : i32 to vector<16xi32>
          %gather3A_675 = tpu.vector_load_idx %arg14[%add3A_615, %broadcast_in_dim3A_674] : memref<1280x32xf32, #tpu.memory_space<vmem>>[vector<16xi32>, vector<16xi32>], vector<16xf32>,
          %mul3A_676 = arith.mulf %gather3A_539, %gather3A_675 : vector<16xf32>
          %broadcast_in_dim3A_677 = arith.constant 13 : i32
          %broadcast_in_dim3A_678 = vector.broadcast %broadcast_in_dim3A_677 : i32 to vector<16xi32>
          %gather3A_679 = tpu.vector_load_idx %arg14[%add3A_615, %broadcast_in_dim3A_678] : memref<1280x32xf32, #tpu.memory_space<vmem>>[vector<16xi32>, vector<16xi32>], vector<16xf32>,
          %mul3A_680 = arith.mulf %gather3A_542, %gather3A_679 : vector<16xf32>
          %add3A_681 = arith.addf %mul3A_676, %mul3A_680 : vector<16xf32>
          %broadcast_in_dim3A_682 = arith.constant 14 : i32
          %broadcast_in_dim3A_683 = vector.broadcast %broadcast_in_dim3A_682 : i32 to vector<16xi32>
          %gather3A_684 = tpu.vector_load_idx %arg14[%add3A_615, %broadcast_in_dim3A_683] : memref<1280x32xf32, #tpu.memory_space<vmem>>[vector<16xi32>, vector<16xi32>], vector<16xf32>,
          %mul3A_685 = arith.mulf %gather3A_545, %gather3A_684 : vector<16xf32>
          %add3A_686 = arith.addf %add3A_681, %mul3A_685 : vector<16xf32>
          %broadcast_in_dim3A_687 = arith.constant 15 : i32
          %broadcast_in_dim3A_688 = vector.broadcast %broadcast_in_dim3A_687 : i32 to vector<16xi32>
          %gather3A_689 = tpu.vector_load_idx %arg14[%add3A_615, %broadcast_in_dim3A_688] : memref<1280x32xf32, #tpu.memory_space<vmem>>[vector<16xi32>, vector<16xi32>], vector<16xf32>,
          %mul3A_690 = arith.mulf %gather3A_548, %gather3A_689 : vector<16xf32>
          %add3A_691 = arith.addf %add3A_686, %mul3A_690 : vector<16xf32>
          %add3A_692 = arith.addf %add3A_634, %add3A_653 : vector<16xf32>
          %add3A_693 = arith.addf %add3A_672, %add3A_691 : vector<16xf32>
          %add3A_694 = arith.addf %add3A_692, %add3A_693 : vector<16xf32>
          tpu.vector_store_idx %arg19[%add3A_615], %add3A_694 : memref<1280xf32, #tpu.memory_space<vmem>>[vector<16xi32>], vector<16xf32>,
          %scan3A_695 = arith.constant 0 : i32
          scf.yield %scan3A_695 : i32
        }
        %scan3A_555 = arith.constant 20 : i32
        %broadcast_in_dim3A_556 = arith.constant 16 : i32
        %broadcast_in_dim3A_557 = vector.broadcast %broadcast_in_dim3A_556 : i32 to vector<16xi32>
        %gather3A_558 = tpu.vector_load_idx %arg12[%add3A_491, %broadcast_in_dim3A_557] : memref<64x32xf32, #tpu.memory_space<vmem>>[vector<16xi32>, vector<16xi32>], vector<16xf32>,
        %broadcast_in_dim3A_559 = arith.constant 17 : i32
        %broadcast_in_dim3A_560 = vector.broadcast %broadcast_in_dim3A_559 : i32 to vector<16xi32>
        %gather3A_561 = tpu.vector_load_idx %arg12[%add3A_491, %broadcast_in_dim3A_560] : memref<64x32xf32, #tpu.memory_space<vmem>>[vector<16xi32>, vector<16xi32>], vector<16xf32>,
        %broadcast_in_dim3A_562 = arith.constant 18 : i32
        %broadcast_in_dim3A_563 = vector.broadcast %broadcast_in_dim3A_562 : i32 to vector<16xi32>
        %gather3A_564 = tpu.vector_load_idx %arg12[%add3A_491, %broadcast_in_dim3A_563] : memref<64x32xf32, #tpu.memory_space<vmem>>[vector<16xi32>, vector<16xi32>], vector<16xf32>,
        %broadcast_in_dim3A_565 = arith.constant 19 : i32
        %broadcast_in_dim3A_566 = vector.broadcast %broadcast_in_dim3A_565 : i32 to vector<16xi32>
        %gather3A_567 = tpu.vector_load_idx %arg12[%add3A_491, %broadcast_in_dim3A_566] : memref<64x32xf32, #tpu.memory_space<vmem>>[vector<16xi32>, vector<16xi32>], vector<16xf32>,
        %broadcast_in_dim3A_568 = arith.constant 20 : i32
        %broadcast_in_dim3A_569 = vector.broadcast %broadcast_in_dim3A_568 : i32 to vector<16xi32>
        %gather3A_570 = tpu.vector_load_idx %arg12[%add3A_491, %broadcast_in_dim3A_569] : memref<64x32xf32, #tpu.memory_space<vmem>>[vector<16xi32>, vector<16xi32>], vector<16xf32>,
        %broadcast_in_dim3A_571 = arith.constant 21 : i32
        %broadcast_in_dim3A_572 = vector.broadcast %broadcast_in_dim3A_571 : i32 to vector<16xi32>
        %gather3A_573 = tpu.vector_load_idx %arg12[%add3A_491, %broadcast_in_dim3A_572] : memref<64x32xf32, #tpu.memory_space<vmem>>[vector<16xi32>, vector<16xi32>], vector<16xf32>,
        %broadcast_in_dim3A_574 = arith.constant 22 : i32
        %broadcast_in_dim3A_575 = vector.broadcast %broadcast_in_dim3A_574 : i32 to vector<16xi32>
        %gather3A_576 = tpu.vector_load_idx %arg12[%add3A_491, %broadcast_in_dim3A_575] : memref<64x32xf32, #tpu.memory_space<vmem>>[vector<16xi32>, vector<16xi32>], vector<16xf32>,
        %broadcast_in_dim3A_577 = arith.constant 23 : i32
        %broadcast_in_dim3A_578 = vector.broadcast %broadcast_in_dim3A_577 : i32 to vector<16xi32>
        %gather3A_579 = tpu.vector_load_idx %arg12[%add3A_491, %broadcast_in_dim3A_578] : memref<64x32xf32, #tpu.memory_space<vmem>>[vector<16xi32>, vector<16xi32>], vector<16xf32>,
        %broadcast_in_dim3A_580 = arith.constant 24 : i32
        %broadcast_in_dim3A_581 = vector.broadcast %broadcast_in_dim3A_580 : i32 to vector<16xi32>
        %gather3A_582 = tpu.vector_load_idx %arg12[%add3A_491, %broadcast_in_dim3A_581] : memref<64x32xf32, #tpu.memory_space<vmem>>[vector<16xi32>, vector<16xi32>], vector<16xf32>,
        %broadcast_in_dim3A_583 = arith.constant 25 : i32
        %broadcast_in_dim3A_584 = vector.broadcast %broadcast_in_dim3A_583 : i32 to vector<16xi32>
        %gather3A_585 = tpu.vector_load_idx %arg12[%add3A_491, %broadcast_in_dim3A_584] : memref<64x32xf32, #tpu.memory_space<vmem>>[vector<16xi32>, vector<16xi32>], vector<16xf32>,
        %broadcast_in_dim3A_586 = arith.constant 26 : i32
        %broadcast_in_dim3A_587 = vector.broadcast %broadcast_in_dim3A_586 : i32 to vector<16xi32>
        %gather3A_588 = tpu.vector_load_idx %arg12[%add3A_491, %broadcast_in_dim3A_587] : memref<64x32xf32, #tpu.memory_space<vmem>>[vector<16xi32>, vector<16xi32>], vector<16xf32>,
        %broadcast_in_dim3A_589 = arith.constant 27 : i32
        %broadcast_in_dim3A_590 = vector.broadcast %broadcast_in_dim3A_589 : i32 to vector<16xi32>
        %gather3A_591 = tpu.vector_load_idx %arg12[%add3A_491, %broadcast_in_dim3A_590] : memref<64x32xf32, #tpu.memory_space<vmem>>[vector<16xi32>, vector<16xi32>], vector<16xf32>,
        %broadcast_in_dim3A_592 = arith.constant 28 : i32
        %broadcast_in_dim3A_593 = vector.broadcast %broadcast_in_dim3A_592 : i32 to vector<16xi32>
        %gather3A_594 = tpu.vector_load_idx %arg12[%add3A_491, %broadcast_in_dim3A_593] : memref<64x32xf32, #tpu.memory_space<vmem>>[vector<16xi32>, vector<16xi32>], vector<16xf32>,
        %broadcast_in_dim3A_595 = arith.constant 29 : i32
        %broadcast_in_dim3A_596 = vector.broadcast %broadcast_in_dim3A_595 : i32 to vector<16xi32>
        %gather3A_597 = tpu.vector_load_idx %arg12[%add3A_491, %broadcast_in_dim3A_596] : memref<64x32xf32, #tpu.memory_space<vmem>>[vector<16xi32>, vector<16xi32>], vector<16xf32>,
        %broadcast_in_dim3A_598 = arith.constant 30 : i32
        %broadcast_in_dim3A_599 = vector.broadcast %broadcast_in_dim3A_598 : i32 to vector<16xi32>
        %gather3A_600 = tpu.vector_load_idx %arg12[%add3A_491, %broadcast_in_dim3A_599] : memref<64x32xf32, #tpu.memory_space<vmem>>[vector<16xi32>, vector<16xi32>], vector<16xf32>,
        %broadcast_in_dim3A_601 = arith.constant 31 : i32
        %broadcast_in_dim3A_602 = vector.broadcast %broadcast_in_dim3A_601 : i32 to vector<16xi32>
        %gather3A_603 = tpu.vector_load_idx %arg12[%add3A_491, %broadcast_in_dim3A_602] : memref<64x32xf32, #tpu.memory_space<vmem>>[vector<16xi32>, vector<16xi32>], vector<16xf32>,
        %scan3A_604 = arith.constant 0 : i32
        %scan3A_605 = arith.constant 0 : i32
        %scan3A_606 = arith.constant 20 : i32
        %scan3A_607 = arith.addi %scan3A_605, %scan3A_606 : i32
        %scan3A_608 = arith.constant 1 : i32
        %scan3A_609 = scf.for %scan3A_612 = %scan3A_605 to %scan3A_607 step %scan3A_608 iter_args(%scan3A_613 = %scan3A_604) -> (i32)  : i32 {
          %add3A_614 = vector.broadcast %scan3A_612 : i32 to vector<16xi32>
          %add3A_615 = arith.addi %mul3A_494, %add3A_614 : vector<16xi32>
          %broadcast_in_dim3A_616 = arith.constant 16 : i32
          %broadcast_in_dim3A_617 = vector.broadcast %broadcast_in_dim3A_616 : i32 to vector<16xi32>
          %gather3A_618 = tpu.vector_load_idx %arg14[%add3A_615, %broadcast_in_dim3A_617] : memref<1280x32xf32, #tpu.memory_space<vmem>>[vector<16xi32>, vector<16xi32>], vector<16xf32>,
          %mul3A_619 = arith.mulf %gather3A_558, %gather3A_618 : vector<16xf32>
          %broadcast_in_dim3A_620 = arith.constant 17 : i32
          %broadcast_in_dim3A_621 = vector.broadcast %broadcast_in_dim3A_620 : i32 to vector<16xi32>
          %gather3A_622 = tpu.vector_load_idx %arg14[%add3A_615, %broadcast_in_dim3A_621] : memref<1280x32xf32, #tpu.memory_space<vmem>>[vector<16xi32>, vector<16xi32>], vector<16xf32>,
          %mul3A_623 = arith.mulf %gather3A_561, %gather3A_622 : vector<16xf32>
          %add3A_624 = arith.addf %mul3A_619, %mul3A_623 : vector<16xf32>
          %broadcast_in_dim3A_625 = arith.constant 18 : i32
          %broadcast_in_dim3A_626 = vector.broadcast %broadcast_in_dim3A_625 : i32 to vector<16xi32>
          %gather3A_627 = tpu.vector_load_idx %arg14[%add3A_615, %broadcast_in_dim3A_626] : memref<1280x32xf32, #tpu.memory_space<vmem>>[vector<16xi32>, vector<16xi32>], vector<16xf32>,
          %mul3A_628 = arith.mulf %gather3A_564, %gather3A_627 : vector<16xf32>
          %add3A_629 = arith.addf %add3A_624, %mul3A_628 : vector<16xf32>
          %broadcast_in_dim3A_630 = arith.constant 19 : i32
          %broadcast_in_dim3A_631 = vector.broadcast %broadcast_in_dim3A_630 : i32 to vector<16xi32>
          %gather3A_632 = tpu.vector_load_idx %arg14[%add3A_615, %broadcast_in_dim3A_631] : memref<1280x32xf32, #tpu.memory_space<vmem>>[vector<16xi32>, vector<16xi32>], vector<16xf32>,
          %mul3A_633 = arith.mulf %gather3A_567, %gather3A_632 : vector<16xf32>
          %add3A_634 = arith.addf %add3A_629, %mul3A_633 : vector<16xf32>
          %broadcast_in_dim3A_635 = arith.constant 20 : i32
          %broadcast_in_dim3A_636 = vector.broadcast %broadcast_in_dim3A_635 : i32 to vector<16xi32>
          %gather3A_637 = tpu.vector_load_idx %arg14[%add3A_615, %broadcast_in_dim3A_636] : memref<1280x32xf32, #tpu.memory_space<vmem>>[vector<16xi32>, vector<16xi32>], vector<16xf32>,
          %mul3A_638 = arith.mulf %gather3A_570, %gather3A_637 : vector<16xf32>
          %broadcast_in_dim3A_639 = arith.constant 21 : i32
          %broadcast_in_dim3A_640 = vector.broadcast %broadcast_in_dim3A_639 : i32 to vector<16xi32>
          %gather3A_641 = tpu.vector_load_idx %arg14[%add3A_615, %broadcast_in_dim3A_640] : memref<1280x32xf32, #tpu.memory_space<vmem>>[vector<16xi32>, vector<16xi32>], vector<16xf32>,
          %mul3A_642 = arith.mulf %gather3A_573, %gather3A_641 : vector<16xf32>
          %add3A_643 = arith.addf %mul3A_638, %mul3A_642 : vector<16xf32>
          %broadcast_in_dim3A_644 = arith.constant 22 : i32
          %broadcast_in_dim3A_645 = vector.broadcast %broadcast_in_dim3A_644 : i32 to vector<16xi32>
          %gather3A_646 = tpu.vector_load_idx %arg14[%add3A_615, %broadcast_in_dim3A_645] : memref<1280x32xf32, #tpu.memory_space<vmem>>[vector<16xi32>, vector<16xi32>], vector<16xf32>,
          %mul3A_647 = arith.mulf %gather3A_576, %gather3A_646 : vector<16xf32>
          %add3A_648 = arith.addf %add3A_643, %mul3A_647 : vector<16xf32>
          %broadcast_in_dim3A_649 = arith.constant 23 : i32
          %broadcast_in_dim3A_650 = vector.broadcast %broadcast_in_dim3A_649 : i32 to vector<16xi32>
          %gather3A_651 = tpu.vector_load_idx %arg14[%add3A_615, %broadcast_in_dim3A_650] : memref<1280x32xf32, #tpu.memory_space<vmem>>[vector<16xi32>, vector<16xi32>], vector<16xf32>,
          %mul3A_652 = arith.mulf %gather3A_579, %gather3A_651 : vector<16xf32>
          %add3A_653 = arith.addf %add3A_648, %mul3A_652 : vector<16xf32>
          %broadcast_in_dim3A_654 = arith.constant 24 : i32
          %broadcast_in_dim3A_655 = vector.broadcast %broadcast_in_dim3A_654 : i32 to vector<16xi32>
          %gather3A_656 = tpu.vector_load_idx %arg14[%add3A_615, %broadcast_in_dim3A_655] : memref<1280x32xf32, #tpu.memory_space<vmem>>[vector<16xi32>, vector<16xi32>], vector<16xf32>,
          %mul3A_657 = arith.mulf %gather3A_582, %gather3A_656 : vector<16xf32>
          %broadcast_in_dim3A_658 = arith.constant 25 : i32
          %broadcast_in_dim3A_659 = vector.broadcast %broadcast_in_dim3A_658 : i32 to vector<16xi32>
          %gather3A_660 = tpu.vector_load_idx %arg14[%add3A_615, %broadcast_in_dim3A_659] : memref<1280x32xf32, #tpu.memory_space<vmem>>[vector<16xi32>, vector<16xi32>], vector<16xf32>,
          %mul3A_661 = arith.mulf %gather3A_585, %gather3A_660 : vector<16xf32>
          %add3A_662 = arith.addf %mul3A_657, %mul3A_661 : vector<16xf32>
          %broadcast_in_dim3A_663 = arith.constant 26 : i32
          %broadcast_in_dim3A_664 = vector.broadcast %broadcast_in_dim3A_663 : i32 to vector<16xi32>
          %gather3A_665 = tpu.vector_load_idx %arg14[%add3A_615, %broadcast_in_dim3A_664] : memref<1280x32xf32, #tpu.memory_space<vmem>>[vector<16xi32>, vector<16xi32>], vector<16xf32>,
          %mul3A_666 = arith.mulf %gather3A_588, %gather3A_665 : vector<16xf32>
          %add3A_667 = arith.addf %add3A_662, %mul3A_666 : vector<16xf32>
          %broadcast_in_dim3A_668 = arith.constant 27 : i32
          %broadcast_in_dim3A_669 = vector.broadcast %broadcast_in_dim3A_668 : i32 to vector<16xi32>
          %gather3A_670 = tpu.vector_load_idx %arg14[%add3A_615, %broadcast_in_dim3A_669] : memref<1280x32xf32, #tpu.memory_space<vmem>>[vector<16xi32>, vector<16xi32>], vector<16xf32>,
          %mul3A_671 = arith.mulf %gather3A_591, %gather3A_670 : vector<16xf32>
          %add3A_672 = arith.addf %add3A_667, %mul3A_671 : vector<16xf32>
          %broadcast_in_dim3A_673 = arith.constant 28 : i32
          %broadcast_in_dim3A_674 = vector.broadcast %broadcast_in_dim3A_673 : i32 to vector<16xi32>
          %gather3A_675 = tpu.vector_load_idx %arg14[%add3A_615, %broadcast_in_dim3A_674] : memref<1280x32xf32, #tpu.memory_space<vmem>>[vector<16xi32>, vector<16xi32>], vector<16xf32>,
          %mul3A_676 = arith.mulf %gather3A_594, %gather3A_675 : vector<16xf32>
          %broadcast_in_dim3A_677 = arith.constant 29 : i32
          %broadcast_in_dim3A_678 = vector.broadcast %broadcast_in_dim3A_677 : i32 to vector<16xi32>
          %gather3A_679 = tpu.vector_load_idx %arg14[%add3A_615, %broadcast_in_dim3A_678] : memref<1280x32xf32, #tpu.memory_space<vmem>>[vector<16xi32>, vector<16xi32>], vector<16xf32>,
          %mul3A_680 = arith.mulf %gather3A_597, %gather3A_679 : vector<16xf32>
          %add3A_681 = arith.addf %mul3A_676, %mul3A_680 : vector<16xf32>
          %broadcast_in_dim3A_682 = arith.constant 30 : i32
          %broadcast_in_dim3A_683 = vector.broadcast %broadcast_in_dim3A_682 : i32 to vector<16xi32>
          %gather3A_684 = tpu.vector_load_idx %arg14[%add3A_615, %broadcast_in_dim3A_683] : memref<1280x32xf32, #tpu.memory_space<vmem>>[vector<16xi32>, vector<16xi32>], vector<16xf32>,
          %mul3A_685 = arith.mulf %gather3A_600, %gather3A_684 : vector<16xf32>
          %add3A_686 = arith.addf %add3A_681, %mul3A_685 : vector<16xf32>
          %broadcast_in_dim3A_687 = arith.constant 31 : i32
          %broadcast_in_dim3A_688 = vector.broadcast %broadcast_in_dim3A_687 : i32 to vector<16xi32>
          %gather3A_689 = tpu.vector_load_idx %arg14[%add3A_615, %broadcast_in_dim3A_688] : memref<1280x32xf32, #tpu.memory_space<vmem>>[vector<16xi32>, vector<16xi32>], vector<16xf32>,
          %mul3A_690 = arith.mulf %gather3A_603, %gather3A_689 : vector<16xf32>
          %add3A_691 = arith.addf %add3A_686, %mul3A_690 : vector<16xf32>
          %add3A_692 = arith.addf %add3A_634, %add3A_653 : vector<16xf32>
          %add3A_693 = arith.addf %add3A_672, %add3A_691 : vector<16xf32>
          %add3A_694 = arith.addf %add3A_692, %add3A_693 : vector<16xf32>
          tpu.vector_store_idx %arg19[%add3A_615], %add3A_694 {add = true} : memref<1280xf32, #tpu.memory_space<vmem>>[vector<16xi32>], vector<16xf32>,
          %scan3A_695 = arith.constant 0 : i32
          scf.yield %scan3A_695 : i32
        }
        %scan3A_610 = arith.constant 20 : i32
        %scan3A_611 = arith.constant 0 : i32
        scf.yield %scan3A_611 : i32
      }
      %scan3A_349 = arith.constant 4 : i32
      %add3A_350 = arith.addi %mul3A_2, %mul3A_105 : i32
      "tpu.region"() ({
        %run_scoped3A = tpu.sem_alloc : memref<!tpu.dma_semaphore, #tpu.memory_space<semaphore_mem>>
        %dma_start3A_486 = tpu.memref_slice %arg7[%add3A_350] : memref<16384xf32, #tpu.memory_space<hbm>> -> memref<64xf32, #tpu.memory_space<hbm>>
        %dma_start3A_487 = tpu.memref_slice %arg7[%add3A_350] : memref<16384xf32, #tpu.memory_space<hbm>> -> memref<64xf32, #tpu.memory_space<hbm>>
        tpu.enqueue_dma source(%arg18 : memref<64xf32, #tpu.memory_space<vmem>>) target(%dma_start3A_487 : memref<64xf32, #tpu.memory_space<hbm>>) target_semaphore(%run_scoped3A : memref<!tpu.dma_semaphore, #tpu.memory_space<semaphore_mem>>)
        %dma_wait3A_488 = tpu.memref_slice %arg7[%add3A_350] : memref<16384xf32, #tpu.memory_space<hbm>> -> memref<64xf32, #tpu.memory_space<hbm>>
        %dma_wait3A_489 = tpu.memref_slice %arg7[%add3A_350] : memref<16384xf32, #tpu.memory_space<hbm>> -> memref<64xf32, #tpu.memory_space<hbm>>
        tpu.wait_dma2 semaphore(%run_scoped3A : memref<!tpu.dma_semaphore, #tpu.memory_space<semaphore_mem>>) src(%arg18 : memref<64xf32, #tpu.memory_space<vmem>>) dst(%dma_wait3A_489 : memref<64xf32, #tpu.memory_space<hbm>>)
        tpu.yield
      }) : () -> ()
      %add3A_351 = arith.addi %mul3A_2, %mul3A_105 : i32
      %mul3A_352 = arith.constant 20 : i32
      %mul3A_353 = arith.muli %add3A_351, %mul3A_352 : i32
      "tpu.region"() ({
        %run_scoped3A = tpu.sem_alloc : memref<!tpu.dma_semaphore, #tpu.memory_space<semaphore_mem>>
        %dma_start3A_486 = tpu.memref_slice %arg8[%mul3A_353] : memref<327680xf32, #tpu.memory_space<hbm>> -> memref<1280xf32, #tpu.memory_space<hbm>>
        %dma_start3A_487 = tpu.memref_slice %arg8[%mul3A_353] : memref<327680xf32, #tpu.memory_space<hbm>> -> memref<1280xf32, #tpu.memory_space<hbm>>
        tpu.enqueue_dma source(%arg19 : memref<1280xf32, #tpu.memory_space<vmem>>) target(%dma_start3A_487 : memref<1280xf32, #tpu.memory_space<hbm>>) target_semaphore(%run_scoped3A : memref<!tpu.dma_semaphore, #tpu.memory_space<semaphore_mem>>)
        %dma_wait3A_488 = tpu.memref_slice %arg8[%mul3A_353] : memref<327680xf32, #tpu.memory_space<hbm>> -> memref<1280xf32, #tpu.memory_space<hbm>>
        %dma_wait3A_489 = tpu.memref_slice %arg8[%mul3A_353] : memref<327680xf32, #tpu.memory_space<hbm>> -> memref<1280xf32, #tpu.memory_space<hbm>>
        tpu.wait_dma2 semaphore(%run_scoped3A : memref<!tpu.dma_semaphore, #tpu.memory_space<semaphore_mem>>) src(%arg19 : memref<1280xf32, #tpu.memory_space<vmem>>) dst(%dma_wait3A_489 : memref<1280xf32, #tpu.memory_space<hbm>>)
        tpu.yield
      }) : () -> ()
      %dma_wait3A_354 = tpu.memref_slice %arg9[%add3A_107] : memref<512xi32, #tpu.memory_space<vmem>> -> memref<64xi32, #tpu.memory_space<vmem>>
      %dma_wait3A_355 = arith.constant 0 : i32
      %dma_wait3A_356 = arith.constant 0 : i32
      %dma_wait3A_357 = tpu.memref_slice %arg5[%dma_wait3A_355, %dma_wait3A_356] : memref<1000000x32xf32, #tpu.memory_space<hbm>> -> memref<1000000x32xf32, #tpu.memory_space<hbm>>
      tpu.wait_indirect_dma semaphore(%arg21 : memref<!tpu.dma_semaphore, #tpu.memory_space<semaphore_mem>>) src(%dma_wait3A_357 : memref<1000000x32xf32, #tpu.memory_space<hbm>>) dst(%arg15 : memref<64x32xf32, #tpu.memory_space<vmem>>)
      %dma_wait3A_358 = tpu.memref_slice %arg10[%add3A_107] : memref<512xi32, #tpu.memory_space<vmem>> -> memref<64xi32, #tpu.memory_space<vmem>>
      %dma_wait3A_359 = arith.constant 0 : i32
      %dma_wait3A_360 = arith.constant 0 : i32
      %dma_wait3A_361 = tpu.memref_slice %arg6[%dma_wait3A_359, %dma_wait3A_360] : memref<1000000x32xf32, #tpu.memory_space<hbm>> -> memref<1000000x32xf32, #tpu.memory_space<hbm>>
      tpu.wait_indirect_dma semaphore(%arg21 : memref<!tpu.dma_semaphore, #tpu.memory_space<semaphore_mem>>) src(%dma_wait3A_361 : memref<1000000x32xf32, #tpu.memory_space<hbm>>) dst(%arg16 : memref<64x32xf32, #tpu.memory_space<vmem>>)
      %mul3A_362 = arith.constant 20 : i32
      %mul3A_363 = arith.muli %add3A_107, %mul3A_362 : i32
      %add3A_364 = arith.constant 0 : i32
      %add3A_365 = arith.addi %mul3A_363, %add3A_364 : i32
      %dma_wait3A_366 = arith.constant 0 : i32
      %dma_wait3A_367 = arith.constant 0 : i32
      %dma_wait3A_368 = tpu.memref_slice %arg17[%dma_wait3A_366, %dma_wait3A_367] : memref<1280x32xf32, #tpu.memory_space<vmem>> -> memref<128x32xf32, #tpu.memory_space<vmem>>
      %dma_wait3A_369 = tpu.memref_slice %arg11[%add3A_365] : memref<10240xi32, #tpu.memory_space<vmem>> -> memref<128xi32, #tpu.memory_space<vmem>>
      %dma_wait3A_370 = arith.constant 0 : i32
      %dma_wait3A_371 = arith.constant 0 : i32
      %dma_wait3A_372 = tpu.memref_slice %arg6[%dma_wait3A_370, %dma_wait3A_371] : memref<1000000x32xf32, #tpu.memory_space<hbm>> -> memref<1000000x32xf32, #tpu.memory_space<hbm>>
      tpu.wait_indirect_dma semaphore(%arg21 : memref<!tpu.dma_semaphore, #tpu.memory_space<semaphore_mem>>) src(%dma_wait3A_372 : memref<1000000x32xf32, #tpu.memory_space<hbm>>) dst(%dma_wait3A_368 : memref<128x32xf32, #tpu.memory_space<vmem>>)
      %mul3A_373 = arith.constant 20 : i32
      %mul3A_374 = arith.muli %add3A_107, %mul3A_373 : i32
      %add3A_375 = arith.constant 128 : i32
      %add3A_376 = arith.addi %mul3A_374, %add3A_375 : i32
      %dma_wait3A_377 = arith.constant 128 : i32
      %dma_wait3A_378 = arith.constant 0 : i32
      %dma_wait3A_379 = tpu.memref_slice %arg17[%dma_wait3A_377, %dma_wait3A_378] : memref<1280x32xf32, #tpu.memory_space<vmem>> -> memref<128x32xf32, #tpu.memory_space<vmem>>
      %dma_wait3A_380 = tpu.memref_slice %arg11[%add3A_376] : memref<10240xi32, #tpu.memory_space<vmem>> -> memref<128xi32, #tpu.memory_space<vmem>>
      %dma_wait3A_381 = arith.constant 0 : i32
      %dma_wait3A_382 = arith.constant 0 : i32
      %dma_wait3A_383 = tpu.memref_slice %arg6[%dma_wait3A_381, %dma_wait3A_382] : memref<1000000x32xf32, #tpu.memory_space<hbm>> -> memref<1000000x32xf32, #tpu.memory_space<hbm>>
      tpu.wait_indirect_dma semaphore(%arg21 : memref<!tpu.dma_semaphore, #tpu.memory_space<semaphore_mem>>) src(%dma_wait3A_383 : memref<1000000x32xf32, #tpu.memory_space<hbm>>) dst(%dma_wait3A_379 : memref<128x32xf32, #tpu.memory_space<vmem>>)
      %mul3A_384 = arith.constant 20 : i32
      %mul3A_385 = arith.muli %add3A_107, %mul3A_384 : i32
      %add3A_386 = arith.constant 256 : i32
      %add3A_387 = arith.addi %mul3A_385, %add3A_386 : i32
      %dma_wait3A_388 = arith.constant 256 : i32
      %dma_wait3A_389 = arith.constant 0 : i32
      %dma_wait3A_390 = tpu.memref_slice %arg17[%dma_wait3A_388, %dma_wait3A_389] : memref<1280x32xf32, #tpu.memory_space<vmem>> -> memref<128x32xf32, #tpu.memory_space<vmem>>
      %dma_wait3A_391 = tpu.memref_slice %arg11[%add3A_387] : memref<10240xi32, #tpu.memory_space<vmem>> -> memref<128xi32, #tpu.memory_space<vmem>>
      %dma_wait3A_392 = arith.constant 0 : i32
      %dma_wait3A_393 = arith.constant 0 : i32
      %dma_wait3A_394 = tpu.memref_slice %arg6[%dma_wait3A_392, %dma_wait3A_393] : memref<1000000x32xf32, #tpu.memory_space<hbm>> -> memref<1000000x32xf32, #tpu.memory_space<hbm>>
      tpu.wait_indirect_dma semaphore(%arg21 : memref<!tpu.dma_semaphore, #tpu.memory_space<semaphore_mem>>) src(%dma_wait3A_394 : memref<1000000x32xf32, #tpu.memory_space<hbm>>) dst(%dma_wait3A_390 : memref<128x32xf32, #tpu.memory_space<vmem>>)
      %mul3A_395 = arith.constant 20 : i32
      %mul3A_396 = arith.muli %add3A_107, %mul3A_395 : i32
      %add3A_397 = arith.constant 384 : i32
      %add3A_398 = arith.addi %mul3A_396, %add3A_397 : i32
      %dma_wait3A_399 = arith.constant 384 : i32
      %dma_wait3A_400 = arith.constant 0 : i32
      %dma_wait3A_401 = tpu.memref_slice %arg17[%dma_wait3A_399, %dma_wait3A_400] : memref<1280x32xf32, #tpu.memory_space<vmem>> -> memref<128x32xf32, #tpu.memory_space<vmem>>
      %dma_wait3A_402 = tpu.memref_slice %arg11[%add3A_398] : memref<10240xi32, #tpu.memory_space<vmem>> -> memref<128xi32, #tpu.memory_space<vmem>>
      %dma_wait3A_403 = arith.constant 0 : i32
      %dma_wait3A_404 = arith.constant 0 : i32
      %dma_wait3A_405 = tpu.memref_slice %arg6[%dma_wait3A_403, %dma_wait3A_404] : memref<1000000x32xf32, #tpu.memory_space<hbm>> -> memref<1000000x32xf32, #tpu.memory_space<hbm>>
      tpu.wait_indirect_dma semaphore(%arg21 : memref<!tpu.dma_semaphore, #tpu.memory_space<semaphore_mem>>) src(%dma_wait3A_405 : memref<1000000x32xf32, #tpu.memory_space<hbm>>) dst(%dma_wait3A_401 : memref<128x32xf32, #tpu.memory_space<vmem>>)
      %mul3A_406 = arith.constant 20 : i32
      %mul3A_407 = arith.muli %add3A_107, %mul3A_406 : i32
      %add3A_408 = arith.constant 512 : i32
      %add3A_409 = arith.addi %mul3A_407, %add3A_408 : i32
      %dma_wait3A_410 = arith.constant 512 : i32
      %dma_wait3A_411 = arith.constant 0 : i32
      %dma_wait3A_412 = tpu.memref_slice %arg17[%dma_wait3A_410, %dma_wait3A_411] : memref<1280x32xf32, #tpu.memory_space<vmem>> -> memref<128x32xf32, #tpu.memory_space<vmem>>
      %dma_wait3A_413 = tpu.memref_slice %arg11[%add3A_409] : memref<10240xi32, #tpu.memory_space<vmem>> -> memref<128xi32, #tpu.memory_space<vmem>>
      %dma_wait3A_414 = arith.constant 0 : i32
      %dma_wait3A_415 = arith.constant 0 : i32
      %dma_wait3A_416 = tpu.memref_slice %arg6[%dma_wait3A_414, %dma_wait3A_415] : memref<1000000x32xf32, #tpu.memory_space<hbm>> -> memref<1000000x32xf32, #tpu.memory_space<hbm>>
      tpu.wait_indirect_dma semaphore(%arg21 : memref<!tpu.dma_semaphore, #tpu.memory_space<semaphore_mem>>) src(%dma_wait3A_416 : memref<1000000x32xf32, #tpu.memory_space<hbm>>) dst(%dma_wait3A_412 : memref<128x32xf32, #tpu.memory_space<vmem>>)
      %mul3A_417 = arith.constant 20 : i32
      %mul3A_418 = arith.muli %add3A_107, %mul3A_417 : i32
      %add3A_419 = arith.constant 640 : i32
      %add3A_420 = arith.addi %mul3A_418, %add3A_419 : i32
      %dma_wait3A_421 = arith.constant 640 : i32
      %dma_wait3A_422 = arith.constant 0 : i32
      %dma_wait3A_423 = tpu.memref_slice %arg17[%dma_wait3A_421, %dma_wait3A_422] : memref<1280x32xf32, #tpu.memory_space<vmem>> -> memref<128x32xf32, #tpu.memory_space<vmem>>
      %dma_wait3A_424 = tpu.memref_slice %arg11[%add3A_420] : memref<10240xi32, #tpu.memory_space<vmem>> -> memref<128xi32, #tpu.memory_space<vmem>>
      %dma_wait3A_425 = arith.constant 0 : i32
      %dma_wait3A_426 = arith.constant 0 : i32
      %dma_wait3A_427 = tpu.memref_slice %arg6[%dma_wait3A_425, %dma_wait3A_426] : memref<1000000x32xf32, #tpu.memory_space<hbm>> -> memref<1000000x32xf32, #tpu.memory_space<hbm>>
      tpu.wait_indirect_dma semaphore(%arg21 : memref<!tpu.dma_semaphore, #tpu.memory_space<semaphore_mem>>) src(%dma_wait3A_427 : memref<1000000x32xf32, #tpu.memory_space<hbm>>) dst(%dma_wait3A_423 : memref<128x32xf32, #tpu.memory_space<vmem>>)
      %mul3A_428 = arith.constant 20 : i32
      %mul3A_429 = arith.muli %add3A_107, %mul3A_428 : i32
      %add3A_430 = arith.constant 768 : i32
      %add3A_431 = arith.addi %mul3A_429, %add3A_430 : i32
      %dma_wait3A_432 = arith.constant 768 : i32
      %dma_wait3A_433 = arith.constant 0 : i32
      %dma_wait3A_434 = tpu.memref_slice %arg17[%dma_wait3A_432, %dma_wait3A_433] : memref<1280x32xf32, #tpu.memory_space<vmem>> -> memref<128x32xf32, #tpu.memory_space<vmem>>
      %dma_wait3A_435 = tpu.memref_slice %arg11[%add3A_431] : memref<10240xi32, #tpu.memory_space<vmem>> -> memref<128xi32, #tpu.memory_space<vmem>>
      %dma_wait3A_436 = arith.constant 0 : i32
      %dma_wait3A_437 = arith.constant 0 : i32
      %dma_wait3A_438 = tpu.memref_slice %arg6[%dma_wait3A_436, %dma_wait3A_437] : memref<1000000x32xf32, #tpu.memory_space<hbm>> -> memref<1000000x32xf32, #tpu.memory_space<hbm>>
      tpu.wait_indirect_dma semaphore(%arg21 : memref<!tpu.dma_semaphore, #tpu.memory_space<semaphore_mem>>) src(%dma_wait3A_438 : memref<1000000x32xf32, #tpu.memory_space<hbm>>) dst(%dma_wait3A_434 : memref<128x32xf32, #tpu.memory_space<vmem>>)
      %mul3A_439 = arith.constant 20 : i32
      %mul3A_440 = arith.muli %add3A_107, %mul3A_439 : i32
      %add3A_441 = arith.constant 896 : i32
      %add3A_442 = arith.addi %mul3A_440, %add3A_441 : i32
      %dma_wait3A_443 = arith.constant 896 : i32
      %dma_wait3A_444 = arith.constant 0 : i32
      %dma_wait3A_445 = tpu.memref_slice %arg17[%dma_wait3A_443, %dma_wait3A_444] : memref<1280x32xf32, #tpu.memory_space<vmem>> -> memref<128x32xf32, #tpu.memory_space<vmem>>
      %dma_wait3A_446 = tpu.memref_slice %arg11[%add3A_442] : memref<10240xi32, #tpu.memory_space<vmem>> -> memref<128xi32, #tpu.memory_space<vmem>>
      %dma_wait3A_447 = arith.constant 0 : i32
      %dma_wait3A_448 = arith.constant 0 : i32
      %dma_wait3A_449 = tpu.memref_slice %arg6[%dma_wait3A_447, %dma_wait3A_448] : memref<1000000x32xf32, #tpu.memory_space<hbm>> -> memref<1000000x32xf32, #tpu.memory_space<hbm>>
      tpu.wait_indirect_dma semaphore(%arg21 : memref<!tpu.dma_semaphore, #tpu.memory_space<semaphore_mem>>) src(%dma_wait3A_449 : memref<1000000x32xf32, #tpu.memory_space<hbm>>) dst(%dma_wait3A_445 : memref<128x32xf32, #tpu.memory_space<vmem>>)
      %mul3A_450 = arith.constant 20 : i32
      %mul3A_451 = arith.muli %add3A_107, %mul3A_450 : i32
      %add3A_452 = arith.constant 1024 : i32
      %add3A_453 = arith.addi %mul3A_451, %add3A_452 : i32
      %dma_wait3A_454 = arith.constant 1024 : i32
      %dma_wait3A_455 = arith.constant 0 : i32
      %dma_wait3A_456 = tpu.memref_slice %arg17[%dma_wait3A_454, %dma_wait3A_455] : memref<1280x32xf32, #tpu.memory_space<vmem>> -> memref<128x32xf32, #tpu.memory_space<vmem>>
      %dma_wait3A_457 = tpu.memref_slice %arg11[%add3A_453] : memref<10240xi32, #tpu.memory_space<vmem>> -> memref<128xi32, #tpu.memory_space<vmem>>
      %dma_wait3A_458 = arith.constant 0 : i32
      %dma_wait3A_459 = arith.constant 0 : i32
      %dma_wait3A_460 = tpu.memref_slice %arg6[%dma_wait3A_458, %dma_wait3A_459] : memref<1000000x32xf32, #tpu.memory_space<hbm>> -> memref<1000000x32xf32, #tpu.memory_space<hbm>>
      tpu.wait_indirect_dma semaphore(%arg21 : memref<!tpu.dma_semaphore, #tpu.memory_space<semaphore_mem>>) src(%dma_wait3A_460 : memref<1000000x32xf32, #tpu.memory_space<hbm>>) dst(%dma_wait3A_456 : memref<128x32xf32, #tpu.memory_space<vmem>>)
      %mul3A_461 = arith.constant 20 : i32
      %mul3A_462 = arith.muli %add3A_107, %mul3A_461 : i32
      %add3A_463 = arith.constant 1152 : i32
      %add3A_464 = arith.addi %mul3A_462, %add3A_463 : i32
      %dma_wait3A_465 = arith.constant 1152 : i32
      %dma_wait3A_466 = arith.constant 0 : i32
      %dma_wait3A_467 = tpu.memref_slice %arg17[%dma_wait3A_465, %dma_wait3A_466] : memref<1280x32xf32, #tpu.memory_space<vmem>> -> memref<128x32xf32, #tpu.memory_space<vmem>>
      %dma_wait3A_468 = tpu.memref_slice %arg11[%add3A_464] : memref<10240xi32, #tpu.memory_space<vmem>> -> memref<128xi32, #tpu.memory_space<vmem>>
      %dma_wait3A_469 = arith.constant 0 : i32
      %dma_wait3A_470 = arith.constant 0 : i32
      %dma_wait3A_471 = tpu.memref_slice %arg6[%dma_wait3A_469, %dma_wait3A_470] : memref<1000000x32xf32, #tpu.memory_space<hbm>> -> memref<1000000x32xf32, #tpu.memory_space<hbm>>
      tpu.wait_indirect_dma semaphore(%arg21 : memref<!tpu.dma_semaphore, #tpu.memory_space<semaphore_mem>>) src(%dma_wait3A_471 : memref<1000000x32xf32, #tpu.memory_space<hbm>>) dst(%dma_wait3A_467 : memref<128x32xf32, #tpu.memory_space<vmem>>)
      %lt3A = arith.constant 3 : i32
      %lt3A_472 = arith.cmpi slt, %scan3A_100, %lt3A : i32
      %convert_element_type3A = arith.extui %lt3A_472 : i1 to i32
      %cond3A = arith.constant 0 : i32
      %cond3A_473 = arith.cmpi ne, %convert_element_type3A, %cond3A : i32
      scf.if %cond3A_473 {
        %add3A_486 = arith.constant 64 : i32
        %add3A_487 = arith.addi %add3A_107, %add3A_486 : i32
        %dma_start3A_488 = tpu.memref_slice %arg9[%add3A_487] : memref<512xi32, #tpu.memory_space<vmem>> -> memref<64xi32, #tpu.memory_space<vmem>>
        %dma_start3A_489 = arith.constant 0 : i32
        %dma_start3A_490 = arith.constant 0 : i32
        %dma_start3A_491 = tpu.memref_slice %arg5[%dma_start3A_489, %dma_start3A_490] : memref<1000000x32xf32, #tpu.memory_space<hbm>> -> memref<1000000x32xf32, #tpu.memory_space<hbm>>
        tpu.enqueue_indirect_dma source(%dma_start3A_491 : memref<1000000x32xf32, #tpu.memory_space<hbm>>) target(%arg12 : memref<64x32xf32, #tpu.memory_space<vmem>>) offsets(%dma_start3A_488 : memref<64xi32, #tpu.memory_space<vmem>>) semaphore(%arg20 : memref<!tpu.dma_semaphore, #tpu.memory_space<semaphore_mem>>)
        %dma_start3A_492 = tpu.memref_slice %arg10[%add3A_487] : memref<512xi32, #tpu.memory_space<vmem>> -> memref<64xi32, #tpu.memory_space<vmem>>
        %dma_start3A_493 = arith.constant 0 : i32
        %dma_start3A_494 = arith.constant 0 : i32
        %dma_start3A_495 = tpu.memref_slice %arg6[%dma_start3A_493, %dma_start3A_494] : memref<1000000x32xf32, #tpu.memory_space<hbm>> -> memref<1000000x32xf32, #tpu.memory_space<hbm>>
        tpu.enqueue_indirect_dma source(%dma_start3A_495 : memref<1000000x32xf32, #tpu.memory_space<hbm>>) target(%arg13 : memref<64x32xf32, #tpu.memory_space<vmem>>) offsets(%dma_start3A_492 : memref<64xi32, #tpu.memory_space<vmem>>) semaphore(%arg20 : memref<!tpu.dma_semaphore, #tpu.memory_space<semaphore_mem>>)
        %mul3A_496 = arith.constant 20 : i32
        %mul3A_497 = arith.muli %add3A_487, %mul3A_496 : i32
        %add3A_498 = arith.constant 0 : i32
        %add3A_499 = arith.addi %mul3A_497, %add3A_498 : i32
        %dma_start3A_500 = arith.constant 0 : i32
        %dma_start3A_501 = arith.constant 0 : i32
        %dma_start3A_502 = tpu.memref_slice %arg14[%dma_start3A_500, %dma_start3A_501] : memref<1280x32xf32, #tpu.memory_space<vmem>> -> memref<128x32xf32, #tpu.memory_space<vmem>>
        %dma_start3A_503 = tpu.memref_slice %arg11[%add3A_499] : memref<10240xi32, #tpu.memory_space<vmem>> -> memref<128xi32, #tpu.memory_space<vmem>>
        %dma_start3A_504 = arith.constant 0 : i32
        %dma_start3A_505 = arith.constant 0 : i32
        %dma_start3A_506 = tpu.memref_slice %arg6[%dma_start3A_504, %dma_start3A_505] : memref<1000000x32xf32, #tpu.memory_space<hbm>> -> memref<1000000x32xf32, #tpu.memory_space<hbm>>
        tpu.enqueue_indirect_dma source(%dma_start3A_506 : memref<1000000x32xf32, #tpu.memory_space<hbm>>) target(%dma_start3A_502 : memref<128x32xf32, #tpu.memory_space<vmem>>) offsets(%dma_start3A_503 : memref<128xi32, #tpu.memory_space<vmem>>) semaphore(%arg20 : memref<!tpu.dma_semaphore, #tpu.memory_space<semaphore_mem>>)
        %mul3A_507 = arith.constant 20 : i32
        %mul3A_508 = arith.muli %add3A_487, %mul3A_507 : i32
        %add3A_509 = arith.constant 128 : i32
        %add3A_510 = arith.addi %mul3A_508, %add3A_509 : i32
        %dma_start3A_511 = arith.constant 128 : i32
        %dma_start3A_512 = arith.constant 0 : i32
        %dma_start3A_513 = tpu.memref_slice %arg14[%dma_start3A_511, %dma_start3A_512] : memref<1280x32xf32, #tpu.memory_space<vmem>> -> memref<128x32xf32, #tpu.memory_space<vmem>>
        %dma_start3A_514 = tpu.memref_slice %arg11[%add3A_510] : memref<10240xi32, #tpu.memory_space<vmem>> -> memref<128xi32, #tpu.memory_space<vmem>>
        %dma_start3A_515 = arith.constant 0 : i32
        %dma_start3A_516 = arith.constant 0 : i32
        %dma_start3A_517 = tpu.memref_slice %arg6[%dma_start3A_515, %dma_start3A_516] : memref<1000000x32xf32, #tpu.memory_space<hbm>> -> memref<1000000x32xf32, #tpu.memory_space<hbm>>
        tpu.enqueue_indirect_dma source(%dma_start3A_517 : memref<1000000x32xf32, #tpu.memory_space<hbm>>) target(%dma_start3A_513 : memref<128x32xf32, #tpu.memory_space<vmem>>) offsets(%dma_start3A_514 : memref<128xi32, #tpu.memory_space<vmem>>) semaphore(%arg20 : memref<!tpu.dma_semaphore, #tpu.memory_space<semaphore_mem>>)
        %mul3A_518 = arith.constant 20 : i32
        %mul3A_519 = arith.muli %add3A_487, %mul3A_518 : i32
        %add3A_520 = arith.constant 256 : i32
        %add3A_521 = arith.addi %mul3A_519, %add3A_520 : i32
        %dma_start3A_522 = arith.constant 256 : i32
        %dma_start3A_523 = arith.constant 0 : i32
        %dma_start3A_524 = tpu.memref_slice %arg14[%dma_start3A_522, %dma_start3A_523] : memref<1280x32xf32, #tpu.memory_space<vmem>> -> memref<128x32xf32, #tpu.memory_space<vmem>>
        %dma_start3A_525 = tpu.memref_slice %arg11[%add3A_521] : memref<10240xi32, #tpu.memory_space<vmem>> -> memref<128xi32, #tpu.memory_space<vmem>>
        %dma_start3A_526 = arith.constant 0 : i32
        %dma_start3A_527 = arith.constant 0 : i32
        %dma_start3A_528 = tpu.memref_slice %arg6[%dma_start3A_526, %dma_start3A_527] : memref<1000000x32xf32, #tpu.memory_space<hbm>> -> memref<1000000x32xf32, #tpu.memory_space<hbm>>
        tpu.enqueue_indirect_dma source(%dma_start3A_528 : memref<1000000x32xf32, #tpu.memory_space<hbm>>) target(%dma_start3A_524 : memref<128x32xf32, #tpu.memory_space<vmem>>) offsets(%dma_start3A_525 : memref<128xi32, #tpu.memory_space<vmem>>) semaphore(%arg20 : memref<!tpu.dma_semaphore, #tpu.memory_space<semaphore_mem>>)
        %mul3A_529 = arith.constant 20 : i32
        %mul3A_530 = arith.muli %add3A_487, %mul3A_529 : i32
        %add3A_531 = arith.constant 384 : i32
        %add3A_532 = arith.addi %mul3A_530, %add3A_531 : i32
        %dma_start3A_533 = arith.constant 384 : i32
        %dma_start3A_534 = arith.constant 0 : i32
        %dma_start3A_535 = tpu.memref_slice %arg14[%dma_start3A_533, %dma_start3A_534] : memref<1280x32xf32, #tpu.memory_space<vmem>> -> memref<128x32xf32, #tpu.memory_space<vmem>>
        %dma_start3A_536 = tpu.memref_slice %arg11[%add3A_532] : memref<10240xi32, #tpu.memory_space<vmem>> -> memref<128xi32, #tpu.memory_space<vmem>>
        %dma_start3A_537 = arith.constant 0 : i32
        %dma_start3A_538 = arith.constant 0 : i32
        %dma_start3A_539 = tpu.memref_slice %arg6[%dma_start3A_537, %dma_start3A_538] : memref<1000000x32xf32, #tpu.memory_space<hbm>> -> memref<1000000x32xf32, #tpu.memory_space<hbm>>
        tpu.enqueue_indirect_dma source(%dma_start3A_539 : memref<1000000x32xf32, #tpu.memory_space<hbm>>) target(%dma_start3A_535 : memref<128x32xf32, #tpu.memory_space<vmem>>) offsets(%dma_start3A_536 : memref<128xi32, #tpu.memory_space<vmem>>) semaphore(%arg20 : memref<!tpu.dma_semaphore, #tpu.memory_space<semaphore_mem>>)
        %mul3A_540 = arith.constant 20 : i32
        %mul3A_541 = arith.muli %add3A_487, %mul3A_540 : i32
        %add3A_542 = arith.constant 512 : i32
        %add3A_543 = arith.addi %mul3A_541, %add3A_542 : i32
        %dma_start3A_544 = arith.constant 512 : i32
        %dma_start3A_545 = arith.constant 0 : i32
        %dma_start3A_546 = tpu.memref_slice %arg14[%dma_start3A_544, %dma_start3A_545] : memref<1280x32xf32, #tpu.memory_space<vmem>> -> memref<128x32xf32, #tpu.memory_space<vmem>>
        %dma_start3A_547 = tpu.memref_slice %arg11[%add3A_543] : memref<10240xi32, #tpu.memory_space<vmem>> -> memref<128xi32, #tpu.memory_space<vmem>>
        %dma_start3A_548 = arith.constant 0 : i32
        %dma_start3A_549 = arith.constant 0 : i32
        %dma_start3A_550 = tpu.memref_slice %arg6[%dma_start3A_548, %dma_start3A_549] : memref<1000000x32xf32, #tpu.memory_space<hbm>> -> memref<1000000x32xf32, #tpu.memory_space<hbm>>
        tpu.enqueue_indirect_dma source(%dma_start3A_550 : memref<1000000x32xf32, #tpu.memory_space<hbm>>) target(%dma_start3A_546 : memref<128x32xf32, #tpu.memory_space<vmem>>) offsets(%dma_start3A_547 : memref<128xi32, #tpu.memory_space<vmem>>) semaphore(%arg20 : memref<!tpu.dma_semaphore, #tpu.memory_space<semaphore_mem>>)
        %mul3A_551 = arith.constant 20 : i32
        %mul3A_552 = arith.muli %add3A_487, %mul3A_551 : i32
        %add3A_553 = arith.constant 640 : i32
        %add3A_554 = arith.addi %mul3A_552, %add3A_553 : i32
        %dma_start3A_555 = arith.constant 640 : i32
        %dma_start3A_556 = arith.constant 0 : i32
        %dma_start3A_557 = tpu.memref_slice %arg14[%dma_start3A_555, %dma_start3A_556] : memref<1280x32xf32, #tpu.memory_space<vmem>> -> memref<128x32xf32, #tpu.memory_space<vmem>>
        %dma_start3A_558 = tpu.memref_slice %arg11[%add3A_554] : memref<10240xi32, #tpu.memory_space<vmem>> -> memref<128xi32, #tpu.memory_space<vmem>>
        %dma_start3A_559 = arith.constant 0 : i32
        %dma_start3A_560 = arith.constant 0 : i32
        %dma_start3A_561 = tpu.memref_slice %arg6[%dma_start3A_559, %dma_start3A_560] : memref<1000000x32xf32, #tpu.memory_space<hbm>> -> memref<1000000x32xf32, #tpu.memory_space<hbm>>
        tpu.enqueue_indirect_dma source(%dma_start3A_561 : memref<1000000x32xf32, #tpu.memory_space<hbm>>) target(%dma_start3A_557 : memref<128x32xf32, #tpu.memory_space<vmem>>) offsets(%dma_start3A_558 : memref<128xi32, #tpu.memory_space<vmem>>) semaphore(%arg20 : memref<!tpu.dma_semaphore, #tpu.memory_space<semaphore_mem>>)
        %mul3A_562 = arith.constant 20 : i32
        %mul3A_563 = arith.muli %add3A_487, %mul3A_562 : i32
        %add3A_564 = arith.constant 768 : i32
        %add3A_565 = arith.addi %mul3A_563, %add3A_564 : i32
        %dma_start3A_566 = arith.constant 768 : i32
        %dma_start3A_567 = arith.constant 0 : i32
        %dma_start3A_568 = tpu.memref_slice %arg14[%dma_start3A_566, %dma_start3A_567] : memref<1280x32xf32, #tpu.memory_space<vmem>> -> memref<128x32xf32, #tpu.memory_space<vmem>>
        %dma_start3A_569 = tpu.memref_slice %arg11[%add3A_565] : memref<10240xi32, #tpu.memory_space<vmem>> -> memref<128xi32, #tpu.memory_space<vmem>>
        %dma_start3A_570 = arith.constant 0 : i32
        %dma_start3A_571 = arith.constant 0 : i32
        %dma_start3A_572 = tpu.memref_slice %arg6[%dma_start3A_570, %dma_start3A_571] : memref<1000000x32xf32, #tpu.memory_space<hbm>> -> memref<1000000x32xf32, #tpu.memory_space<hbm>>
        tpu.enqueue_indirect_dma source(%dma_start3A_572 : memref<1000000x32xf32, #tpu.memory_space<hbm>>) target(%dma_start3A_568 : memref<128x32xf32, #tpu.memory_space<vmem>>) offsets(%dma_start3A_569 : memref<128xi32, #tpu.memory_space<vmem>>) semaphore(%arg20 : memref<!tpu.dma_semaphore, #tpu.memory_space<semaphore_mem>>)
        %mul3A_573 = arith.constant 20 : i32
        %mul3A_574 = arith.muli %add3A_487, %mul3A_573 : i32
        %add3A_575 = arith.constant 896 : i32
        %add3A_576 = arith.addi %mul3A_574, %add3A_575 : i32
        %dma_start3A_577 = arith.constant 896 : i32
        %dma_start3A_578 = arith.constant 0 : i32
        %dma_start3A_579 = tpu.memref_slice %arg14[%dma_start3A_577, %dma_start3A_578] : memref<1280x32xf32, #tpu.memory_space<vmem>> -> memref<128x32xf32, #tpu.memory_space<vmem>>
        %dma_start3A_580 = tpu.memref_slice %arg11[%add3A_576] : memref<10240xi32, #tpu.memory_space<vmem>> -> memref<128xi32, #tpu.memory_space<vmem>>
        %dma_start3A_581 = arith.constant 0 : i32
        %dma_start3A_582 = arith.constant 0 : i32
        %dma_start3A_583 = tpu.memref_slice %arg6[%dma_start3A_581, %dma_start3A_582] : memref<1000000x32xf32, #tpu.memory_space<hbm>> -> memref<1000000x32xf32, #tpu.memory_space<hbm>>
        tpu.enqueue_indirect_dma source(%dma_start3A_583 : memref<1000000x32xf32, #tpu.memory_space<hbm>>) target(%dma_start3A_579 : memref<128x32xf32, #tpu.memory_space<vmem>>) offsets(%dma_start3A_580 : memref<128xi32, #tpu.memory_space<vmem>>) semaphore(%arg20 : memref<!tpu.dma_semaphore, #tpu.memory_space<semaphore_mem>>)
        %mul3A_584 = arith.constant 20 : i32
        %mul3A_585 = arith.muli %add3A_487, %mul3A_584 : i32
        %add3A_586 = arith.constant 1024 : i32
        %add3A_587 = arith.addi %mul3A_585, %add3A_586 : i32
        %dma_start3A_588 = arith.constant 1024 : i32
        %dma_start3A_589 = arith.constant 0 : i32
        %dma_start3A_590 = tpu.memref_slice %arg14[%dma_start3A_588, %dma_start3A_589] : memref<1280x32xf32, #tpu.memory_space<vmem>> -> memref<128x32xf32, #tpu.memory_space<vmem>>
        %dma_start3A_591 = tpu.memref_slice %arg11[%add3A_587] : memref<10240xi32, #tpu.memory_space<vmem>> -> memref<128xi32, #tpu.memory_space<vmem>>
        %dma_start3A_592 = arith.constant 0 : i32
        %dma_start3A_593 = arith.constant 0 : i32
        %dma_start3A_594 = tpu.memref_slice %arg6[%dma_start3A_592, %dma_start3A_593] : memref<1000000x32xf32, #tpu.memory_space<hbm>> -> memref<1000000x32xf32, #tpu.memory_space<hbm>>
        tpu.enqueue_indirect_dma source(%dma_start3A_594 : memref<1000000x32xf32, #tpu.memory_space<hbm>>) target(%dma_start3A_590 : memref<128x32xf32, #tpu.memory_space<vmem>>) offsets(%dma_start3A_591 : memref<128xi32, #tpu.memory_space<vmem>>) semaphore(%arg20 : memref<!tpu.dma_semaphore, #tpu.memory_space<semaphore_mem>>)
        %mul3A_595 = arith.constant 20 : i32
        %mul3A_596 = arith.muli %add3A_487, %mul3A_595 : i32
        %add3A_597 = arith.constant 1152 : i32
        %add3A_598 = arith.addi %mul3A_596, %add3A_597 : i32
        %dma_start3A_599 = arith.constant 1152 : i32
        %dma_start3A_600 = arith.constant 0 : i32
        %dma_start3A_601 = tpu.memref_slice %arg14[%dma_start3A_599, %dma_start3A_600] : memref<1280x32xf32, #tpu.memory_space<vmem>> -> memref<128x32xf32, #tpu.memory_space<vmem>>
        %dma_start3A_602 = tpu.memref_slice %arg11[%add3A_598] : memref<10240xi32, #tpu.memory_space<vmem>> -> memref<128xi32, #tpu.memory_space<vmem>>
        %dma_start3A_603 = arith.constant 0 : i32
        %dma_start3A_604 = arith.constant 0 : i32
        %dma_start3A_605 = tpu.memref_slice %arg6[%dma_start3A_603, %dma_start3A_604] : memref<1000000x32xf32, #tpu.memory_space<hbm>> -> memref<1000000x32xf32, #tpu.memory_space<hbm>>
        tpu.enqueue_indirect_dma source(%dma_start3A_605 : memref<1000000x32xf32, #tpu.memory_space<hbm>>) target(%dma_start3A_601 : memref<128x32xf32, #tpu.memory_space<vmem>>) offsets(%dma_start3A_602 : memref<128xi32, #tpu.memory_space<vmem>>) semaphore(%arg20 : memref<!tpu.dma_semaphore, #tpu.memory_space<semaphore_mem>>)
      } else {
      }
      %scan3A_474 = arith.constant 0 : i32
      %scan3A_475 = arith.constant 0 : i32
      %scan3A_476 = arith.constant 4 : i32
      %scan3A_477 = arith.addi %scan3A_475, %scan3A_476 : i32
      %scan3A_478 = arith.constant 1 : i32
      %scan3A_479 = scf.for %scan3A_486 = %scan3A_475 to %scan3A_477 step %scan3A_478 iter_args(%scan3A_487 = %scan3A_474) -> (i32)  : i32 {
        %mul3A_488 = arith.constant 16 : i32
        %mul3A_489 = arith.muli %scan3A_486, %mul3A_488 : i32
        %add3A_490 = vector.broadcast %mul3A_489 : i32 to vector<16xi32>
        %add3A_491 = arith.addi %add3A_490, %iota3A : vector<16xi32>
        %mul3A_492 = arith.constant 20 : i32
        %mul3A_493 = vector.broadcast %mul3A_492 : i32 to vector<16xi32>
        %mul3A_494 = arith.muli %add3A_491, %mul3A_493 : vector<16xi32>
        %broadcast_in_dim3A = arith.constant 0.000000e+00 : f32
        %broadcast_in_dim3A_495 = vector.broadcast %broadcast_in_dim3A : f32 to vector<16xf32>
        %scan3A_496 = arith.constant 0 : i32
        %scan3A_497 = arith.constant 32 : i32
        %scan3A_498 = arith.addi %scan3A_496, %scan3A_497 : i32
        %scan3A_499 = arith.constant 1 : i32
        %scan3A_500 = scf.for %scan3A_612 = %scan3A_496 to %scan3A_498 step %scan3A_499 iter_args(%scan3A_613 = %broadcast_in_dim3A_495) -> (vector<16xf32>)  : i32 {
          %broadcast_in_dim3A_614 = vector.broadcast %scan3A_612 : i32 to vector<16xi32>
          %gather3A_615 = tpu.vector_load_idx %arg15[%add3A_491, %broadcast_in_dim3A_614] : memref<64x32xf32, #tpu.memory_space<vmem>>[vector<16xi32>, vector<16xi32>], vector<16xf32>,
          %gather3A_616 = tpu.vector_load_idx %arg16[%add3A_491, %broadcast_in_dim3A_614] : memref<64x32xf32, #tpu.memory_space<vmem>>[vector<16xi32>, vector<16xi32>], vector<16xf32>,
          %mul3A_617 = arith.mulf %gather3A_615, %gather3A_616 : vector<16xf32>
          %add3A_618 = arith.addf %scan3A_613, %mul3A_617 : vector<16xf32>
          scf.yield %add3A_618 : vector<16xf32>
        }
        %scan3A_501 = arith.constant 32 : i32
        tpu.vector_store_idx %arg18[%add3A_491], %scan3A_500 : memref<64xf32, #tpu.memory_space<vmem>>[vector<16xi32>], vector<16xf32>,
        %broadcast_in_dim3A_502 = arith.constant 0 : i32
        %broadcast_in_dim3A_503 = vector.broadcast %broadcast_in_dim3A_502 : i32 to vector<16xi32>
        %gather3A = tpu.vector_load_idx %arg15[%add3A_491, %broadcast_in_dim3A_503] : memref<64x32xf32, #tpu.memory_space<vmem>>[vector<16xi32>, vector<16xi32>], vector<16xf32>,
        %broadcast_in_dim3A_504 = arith.constant 1 : i32
        %broadcast_in_dim3A_505 = vector.broadcast %broadcast_in_dim3A_504 : i32 to vector<16xi32>
        %gather3A_506 = tpu.vector_load_idx %arg15[%add3A_491, %broadcast_in_dim3A_505] : memref<64x32xf32, #tpu.memory_space<vmem>>[vector<16xi32>, vector<16xi32>], vector<16xf32>,
        %broadcast_in_dim3A_507 = arith.constant 2 : i32
        %broadcast_in_dim3A_508 = vector.broadcast %broadcast_in_dim3A_507 : i32 to vector<16xi32>
        %gather3A_509 = tpu.vector_load_idx %arg15[%add3A_491, %broadcast_in_dim3A_508] : memref<64x32xf32, #tpu.memory_space<vmem>>[vector<16xi32>, vector<16xi32>], vector<16xf32>,
        %broadcast_in_dim3A_510 = arith.constant 3 : i32
        %broadcast_in_dim3A_511 = vector.broadcast %broadcast_in_dim3A_510 : i32 to vector<16xi32>
        %gather3A_512 = tpu.vector_load_idx %arg15[%add3A_491, %broadcast_in_dim3A_511] : memref<64x32xf32, #tpu.memory_space<vmem>>[vector<16xi32>, vector<16xi32>], vector<16xf32>,
        %broadcast_in_dim3A_513 = arith.constant 4 : i32
        %broadcast_in_dim3A_514 = vector.broadcast %broadcast_in_dim3A_513 : i32 to vector<16xi32>
        %gather3A_515 = tpu.vector_load_idx %arg15[%add3A_491, %broadcast_in_dim3A_514] : memref<64x32xf32, #tpu.memory_space<vmem>>[vector<16xi32>, vector<16xi32>], vector<16xf32>,
        %broadcast_in_dim3A_516 = arith.constant 5 : i32
        %broadcast_in_dim3A_517 = vector.broadcast %broadcast_in_dim3A_516 : i32 to vector<16xi32>
        %gather3A_518 = tpu.vector_load_idx %arg15[%add3A_491, %broadcast_in_dim3A_517] : memref<64x32xf32, #tpu.memory_space<vmem>>[vector<16xi32>, vector<16xi32>], vector<16xf32>,
        %broadcast_in_dim3A_519 = arith.constant 6 : i32
        %broadcast_in_dim3A_520 = vector.broadcast %broadcast_in_dim3A_519 : i32 to vector<16xi32>
        %gather3A_521 = tpu.vector_load_idx %arg15[%add3A_491, %broadcast_in_dim3A_520] : memref<64x32xf32, #tpu.memory_space<vmem>>[vector<16xi32>, vector<16xi32>], vector<16xf32>,
        %broadcast_in_dim3A_522 = arith.constant 7 : i32
        %broadcast_in_dim3A_523 = vector.broadcast %broadcast_in_dim3A_522 : i32 to vector<16xi32>
        %gather3A_524 = tpu.vector_load_idx %arg15[%add3A_491, %broadcast_in_dim3A_523] : memref<64x32xf32, #tpu.memory_space<vmem>>[vector<16xi32>, vector<16xi32>], vector<16xf32>,
        %broadcast_in_dim3A_525 = arith.constant 8 : i32
        %broadcast_in_dim3A_526 = vector.broadcast %broadcast_in_dim3A_525 : i32 to vector<16xi32>
        %gather3A_527 = tpu.vector_load_idx %arg15[%add3A_491, %broadcast_in_dim3A_526] : memref<64x32xf32, #tpu.memory_space<vmem>>[vector<16xi32>, vector<16xi32>], vector<16xf32>,
        %broadcast_in_dim3A_528 = arith.constant 9 : i32
        %broadcast_in_dim3A_529 = vector.broadcast %broadcast_in_dim3A_528 : i32 to vector<16xi32>
        %gather3A_530 = tpu.vector_load_idx %arg15[%add3A_491, %broadcast_in_dim3A_529] : memref<64x32xf32, #tpu.memory_space<vmem>>[vector<16xi32>, vector<16xi32>], vector<16xf32>,
        %broadcast_in_dim3A_531 = arith.constant 10 : i32
        %broadcast_in_dim3A_532 = vector.broadcast %broadcast_in_dim3A_531 : i32 to vector<16xi32>
        %gather3A_533 = tpu.vector_load_idx %arg15[%add3A_491, %broadcast_in_dim3A_532] : memref<64x32xf32, #tpu.memory_space<vmem>>[vector<16xi32>, vector<16xi32>], vector<16xf32>,
        %broadcast_in_dim3A_534 = arith.constant 11 : i32
        %broadcast_in_dim3A_535 = vector.broadcast %broadcast_in_dim3A_534 : i32 to vector<16xi32>
        %gather3A_536 = tpu.vector_load_idx %arg15[%add3A_491, %broadcast_in_dim3A_535] : memref<64x32xf32, #tpu.memory_space<vmem>>[vector<16xi32>, vector<16xi32>], vector<16xf32>,
        %broadcast_in_dim3A_537 = arith.constant 12 : i32
        %broadcast_in_dim3A_538 = vector.broadcast %broadcast_in_dim3A_537 : i32 to vector<16xi32>
        %gather3A_539 = tpu.vector_load_idx %arg15[%add3A_491, %broadcast_in_dim3A_538] : memref<64x32xf32, #tpu.memory_space<vmem>>[vector<16xi32>, vector<16xi32>], vector<16xf32>,
        %broadcast_in_dim3A_540 = arith.constant 13 : i32
        %broadcast_in_dim3A_541 = vector.broadcast %broadcast_in_dim3A_540 : i32 to vector<16xi32>
        %gather3A_542 = tpu.vector_load_idx %arg15[%add3A_491, %broadcast_in_dim3A_541] : memref<64x32xf32, #tpu.memory_space<vmem>>[vector<16xi32>, vector<16xi32>], vector<16xf32>,
        %broadcast_in_dim3A_543 = arith.constant 14 : i32
        %broadcast_in_dim3A_544 = vector.broadcast %broadcast_in_dim3A_543 : i32 to vector<16xi32>
        %gather3A_545 = tpu.vector_load_idx %arg15[%add3A_491, %broadcast_in_dim3A_544] : memref<64x32xf32, #tpu.memory_space<vmem>>[vector<16xi32>, vector<16xi32>], vector<16xf32>,
        %broadcast_in_dim3A_546 = arith.constant 15 : i32
        %broadcast_in_dim3A_547 = vector.broadcast %broadcast_in_dim3A_546 : i32 to vector<16xi32>
        %gather3A_548 = tpu.vector_load_idx %arg15[%add3A_491, %broadcast_in_dim3A_547] : memref<64x32xf32, #tpu.memory_space<vmem>>[vector<16xi32>, vector<16xi32>], vector<16xf32>,
        %scan3A_549 = arith.constant 0 : i32
        %scan3A_550 = arith.constant 0 : i32
        %scan3A_551 = arith.constant 20 : i32
        %scan3A_552 = arith.addi %scan3A_550, %scan3A_551 : i32
        %scan3A_553 = arith.constant 1 : i32
        %scan3A_554 = scf.for %scan3A_612 = %scan3A_550 to %scan3A_552 step %scan3A_553 iter_args(%scan3A_613 = %scan3A_549) -> (i32)  : i32 {
          %add3A_614 = vector.broadcast %scan3A_612 : i32 to vector<16xi32>
          %add3A_615 = arith.addi %mul3A_494, %add3A_614 : vector<16xi32>
          %broadcast_in_dim3A_616 = arith.constant 0 : i32
          %broadcast_in_dim3A_617 = vector.broadcast %broadcast_in_dim3A_616 : i32 to vector<16xi32>
          %gather3A_618 = tpu.vector_load_idx %arg17[%add3A_615, %broadcast_in_dim3A_617] : memref<1280x32xf32, #tpu.memory_space<vmem>>[vector<16xi32>, vector<16xi32>], vector<16xf32>,
          %mul3A_619 = arith.mulf %gather3A, %gather3A_618 : vector<16xf32>
          %broadcast_in_dim3A_620 = arith.constant 1 : i32
          %broadcast_in_dim3A_621 = vector.broadcast %broadcast_in_dim3A_620 : i32 to vector<16xi32>
          %gather3A_622 = tpu.vector_load_idx %arg17[%add3A_615, %broadcast_in_dim3A_621] : memref<1280x32xf32, #tpu.memory_space<vmem>>[vector<16xi32>, vector<16xi32>], vector<16xf32>,
          %mul3A_623 = arith.mulf %gather3A_506, %gather3A_622 : vector<16xf32>
          %add3A_624 = arith.addf %mul3A_619, %mul3A_623 : vector<16xf32>
          %broadcast_in_dim3A_625 = arith.constant 2 : i32
          %broadcast_in_dim3A_626 = vector.broadcast %broadcast_in_dim3A_625 : i32 to vector<16xi32>
          %gather3A_627 = tpu.vector_load_idx %arg17[%add3A_615, %broadcast_in_dim3A_626] : memref<1280x32xf32, #tpu.memory_space<vmem>>[vector<16xi32>, vector<16xi32>], vector<16xf32>,
          %mul3A_628 = arith.mulf %gather3A_509, %gather3A_627 : vector<16xf32>
          %add3A_629 = arith.addf %add3A_624, %mul3A_628 : vector<16xf32>
          %broadcast_in_dim3A_630 = arith.constant 3 : i32
          %broadcast_in_dim3A_631 = vector.broadcast %broadcast_in_dim3A_630 : i32 to vector<16xi32>
          %gather3A_632 = tpu.vector_load_idx %arg17[%add3A_615, %broadcast_in_dim3A_631] : memref<1280x32xf32, #tpu.memory_space<vmem>>[vector<16xi32>, vector<16xi32>], vector<16xf32>,
          %mul3A_633 = arith.mulf %gather3A_512, %gather3A_632 : vector<16xf32>
          %add3A_634 = arith.addf %add3A_629, %mul3A_633 : vector<16xf32>
          %broadcast_in_dim3A_635 = arith.constant 4 : i32
          %broadcast_in_dim3A_636 = vector.broadcast %broadcast_in_dim3A_635 : i32 to vector<16xi32>
          %gather3A_637 = tpu.vector_load_idx %arg17[%add3A_615, %broadcast_in_dim3A_636] : memref<1280x32xf32, #tpu.memory_space<vmem>>[vector<16xi32>, vector<16xi32>], vector<16xf32>,
          %mul3A_638 = arith.mulf %gather3A_515, %gather3A_637 : vector<16xf32>
          %broadcast_in_dim3A_639 = arith.constant 5 : i32
          %broadcast_in_dim3A_640 = vector.broadcast %broadcast_in_dim3A_639 : i32 to vector<16xi32>
          %gather3A_641 = tpu.vector_load_idx %arg17[%add3A_615, %broadcast_in_dim3A_640] : memref<1280x32xf32, #tpu.memory_space<vmem>>[vector<16xi32>, vector<16xi32>], vector<16xf32>,
          %mul3A_642 = arith.mulf %gather3A_518, %gather3A_641 : vector<16xf32>
          %add3A_643 = arith.addf %mul3A_638, %mul3A_642 : vector<16xf32>
          %broadcast_in_dim3A_644 = arith.constant 6 : i32
          %broadcast_in_dim3A_645 = vector.broadcast %broadcast_in_dim3A_644 : i32 to vector<16xi32>
          %gather3A_646 = tpu.vector_load_idx %arg17[%add3A_615, %broadcast_in_dim3A_645] : memref<1280x32xf32, #tpu.memory_space<vmem>>[vector<16xi32>, vector<16xi32>], vector<16xf32>,
          %mul3A_647 = arith.mulf %gather3A_521, %gather3A_646 : vector<16xf32>
          %add3A_648 = arith.addf %add3A_643, %mul3A_647 : vector<16xf32>
          %broadcast_in_dim3A_649 = arith.constant 7 : i32
          %broadcast_in_dim3A_650 = vector.broadcast %broadcast_in_dim3A_649 : i32 to vector<16xi32>
          %gather3A_651 = tpu.vector_load_idx %arg17[%add3A_615, %broadcast_in_dim3A_650] : memref<1280x32xf32, #tpu.memory_space<vmem>>[vector<16xi32>, vector<16xi32>], vector<16xf32>,
          %mul3A_652 = arith.mulf %gather3A_524, %gather3A_651 : vector<16xf32>
          %add3A_653 = arith.addf %add3A_648, %mul3A_652 : vector<16xf32>
          %broadcast_in_dim3A_654 = arith.constant 8 : i32
          %broadcast_in_dim3A_655 = vector.broadcast %broadcast_in_dim3A_654 : i32 to vector<16xi32>
          %gather3A_656 = tpu.vector_load_idx %arg17[%add3A_615, %broadcast_in_dim3A_655] : memref<1280x32xf32, #tpu.memory_space<vmem>>[vector<16xi32>, vector<16xi32>], vector<16xf32>,
          %mul3A_657 = arith.mulf %gather3A_527, %gather3A_656 : vector<16xf32>
          %broadcast_in_dim3A_658 = arith.constant 9 : i32
          %broadcast_in_dim3A_659 = vector.broadcast %broadcast_in_dim3A_658 : i32 to vector<16xi32>
          %gather3A_660 = tpu.vector_load_idx %arg17[%add3A_615, %broadcast_in_dim3A_659] : memref<1280x32xf32, #tpu.memory_space<vmem>>[vector<16xi32>, vector<16xi32>], vector<16xf32>,
          %mul3A_661 = arith.mulf %gather3A_530, %gather3A_660 : vector<16xf32>
          %add3A_662 = arith.addf %mul3A_657, %mul3A_661 : vector<16xf32>
          %broadcast_in_dim3A_663 = arith.constant 10 : i32
          %broadcast_in_dim3A_664 = vector.broadcast %broadcast_in_dim3A_663 : i32 to vector<16xi32>
          %gather3A_665 = tpu.vector_load_idx %arg17[%add3A_615, %broadcast_in_dim3A_664] : memref<1280x32xf32, #tpu.memory_space<vmem>>[vector<16xi32>, vector<16xi32>], vector<16xf32>,
          %mul3A_666 = arith.mulf %gather3A_533, %gather3A_665 : vector<16xf32>
          %add3A_667 = arith.addf %add3A_662, %mul3A_666 : vector<16xf32>
          %broadcast_in_dim3A_668 = arith.constant 11 : i32
          %broadcast_in_dim3A_669 = vector.broadcast %broadcast_in_dim3A_668 : i32 to vector<16xi32>
          %gather3A_670 = tpu.vector_load_idx %arg17[%add3A_615, %broadcast_in_dim3A_669] : memref<1280x32xf32, #tpu.memory_space<vmem>>[vector<16xi32>, vector<16xi32>], vector<16xf32>,
          %mul3A_671 = arith.mulf %gather3A_536, %gather3A_670 : vector<16xf32>
          %add3A_672 = arith.addf %add3A_667, %mul3A_671 : vector<16xf32>
          %broadcast_in_dim3A_673 = arith.constant 12 : i32
          %broadcast_in_dim3A_674 = vector.broadcast %broadcast_in_dim3A_673 : i32 to vector<16xi32>
          %gather3A_675 = tpu.vector_load_idx %arg17[%add3A_615, %broadcast_in_dim3A_674] : memref<1280x32xf32, #tpu.memory_space<vmem>>[vector<16xi32>, vector<16xi32>], vector<16xf32>,
          %mul3A_676 = arith.mulf %gather3A_539, %gather3A_675 : vector<16xf32>
          %broadcast_in_dim3A_677 = arith.constant 13 : i32
          %broadcast_in_dim3A_678 = vector.broadcast %broadcast_in_dim3A_677 : i32 to vector<16xi32>
          %gather3A_679 = tpu.vector_load_idx %arg17[%add3A_615, %broadcast_in_dim3A_678] : memref<1280x32xf32, #tpu.memory_space<vmem>>[vector<16xi32>, vector<16xi32>], vector<16xf32>,
          %mul3A_680 = arith.mulf %gather3A_542, %gather3A_679 : vector<16xf32>
          %add3A_681 = arith.addf %mul3A_676, %mul3A_680 : vector<16xf32>
          %broadcast_in_dim3A_682 = arith.constant 14 : i32
          %broadcast_in_dim3A_683 = vector.broadcast %broadcast_in_dim3A_682 : i32 to vector<16xi32>
          %gather3A_684 = tpu.vector_load_idx %arg17[%add3A_615, %broadcast_in_dim3A_683] : memref<1280x32xf32, #tpu.memory_space<vmem>>[vector<16xi32>, vector<16xi32>], vector<16xf32>,
          %mul3A_685 = arith.mulf %gather3A_545, %gather3A_684 : vector<16xf32>
          %add3A_686 = arith.addf %add3A_681, %mul3A_685 : vector<16xf32>
          %broadcast_in_dim3A_687 = arith.constant 15 : i32
          %broadcast_in_dim3A_688 = vector.broadcast %broadcast_in_dim3A_687 : i32 to vector<16xi32>
          %gather3A_689 = tpu.vector_load_idx %arg17[%add3A_615, %broadcast_in_dim3A_688] : memref<1280x32xf32, #tpu.memory_space<vmem>>[vector<16xi32>, vector<16xi32>], vector<16xf32>,
          %mul3A_690 = arith.mulf %gather3A_548, %gather3A_689 : vector<16xf32>
          %add3A_691 = arith.addf %add3A_686, %mul3A_690 : vector<16xf32>
          %add3A_692 = arith.addf %add3A_634, %add3A_653 : vector<16xf32>
          %add3A_693 = arith.addf %add3A_672, %add3A_691 : vector<16xf32>
          %add3A_694 = arith.addf %add3A_692, %add3A_693 : vector<16xf32>
          tpu.vector_store_idx %arg19[%add3A_615], %add3A_694 : memref<1280xf32, #tpu.memory_space<vmem>>[vector<16xi32>], vector<16xf32>,
          %scan3A_695 = arith.constant 0 : i32
          scf.yield %scan3A_695 : i32
        }
        %scan3A_555 = arith.constant 20 : i32
        %broadcast_in_dim3A_556 = arith.constant 16 : i32
        %broadcast_in_dim3A_557 = vector.broadcast %broadcast_in_dim3A_556 : i32 to vector<16xi32>
        %gather3A_558 = tpu.vector_load_idx %arg15[%add3A_491, %broadcast_in_dim3A_557] : memref<64x32xf32, #tpu.memory_space<vmem>>[vector<16xi32>, vector<16xi32>], vector<16xf32>,
        %broadcast_in_dim3A_559 = arith.constant 17 : i32
        %broadcast_in_dim3A_560 = vector.broadcast %broadcast_in_dim3A_559 : i32 to vector<16xi32>
        %gather3A_561 = tpu.vector_load_idx %arg15[%add3A_491, %broadcast_in_dim3A_560] : memref<64x32xf32, #tpu.memory_space<vmem>>[vector<16xi32>, vector<16xi32>], vector<16xf32>,
        %broadcast_in_dim3A_562 = arith.constant 18 : i32
        %broadcast_in_dim3A_563 = vector.broadcast %broadcast_in_dim3A_562 : i32 to vector<16xi32>
        %gather3A_564 = tpu.vector_load_idx %arg15[%add3A_491, %broadcast_in_dim3A_563] : memref<64x32xf32, #tpu.memory_space<vmem>>[vector<16xi32>, vector<16xi32>], vector<16xf32>,
        %broadcast_in_dim3A_565 = arith.constant 19 : i32
        %broadcast_in_dim3A_566 = vector.broadcast %broadcast_in_dim3A_565 : i32 to vector<16xi32>
        %gather3A_567 = tpu.vector_load_idx %arg15[%add3A_491, %broadcast_in_dim3A_566] : memref<64x32xf32, #tpu.memory_space<vmem>>[vector<16xi32>, vector<16xi32>], vector<16xf32>,
        %broadcast_in_dim3A_568 = arith.constant 20 : i32
        %broadcast_in_dim3A_569 = vector.broadcast %broadcast_in_dim3A_568 : i32 to vector<16xi32>
        %gather3A_570 = tpu.vector_load_idx %arg15[%add3A_491, %broadcast_in_dim3A_569] : memref<64x32xf32, #tpu.memory_space<vmem>>[vector<16xi32>, vector<16xi32>], vector<16xf32>,
        %broadcast_in_dim3A_571 = arith.constant 21 : i32
        %broadcast_in_dim3A_572 = vector.broadcast %broadcast_in_dim3A_571 : i32 to vector<16xi32>
        %gather3A_573 = tpu.vector_load_idx %arg15[%add3A_491, %broadcast_in_dim3A_572] : memref<64x32xf32, #tpu.memory_space<vmem>>[vector<16xi32>, vector<16xi32>], vector<16xf32>,
        %broadcast_in_dim3A_574 = arith.constant 22 : i32
        %broadcast_in_dim3A_575 = vector.broadcast %broadcast_in_dim3A_574 : i32 to vector<16xi32>
        %gather3A_576 = tpu.vector_load_idx %arg15[%add3A_491, %broadcast_in_dim3A_575] : memref<64x32xf32, #tpu.memory_space<vmem>>[vector<16xi32>, vector<16xi32>], vector<16xf32>,
        %broadcast_in_dim3A_577 = arith.constant 23 : i32
        %broadcast_in_dim3A_578 = vector.broadcast %broadcast_in_dim3A_577 : i32 to vector<16xi32>
        %gather3A_579 = tpu.vector_load_idx %arg15[%add3A_491, %broadcast_in_dim3A_578] : memref<64x32xf32, #tpu.memory_space<vmem>>[vector<16xi32>, vector<16xi32>], vector<16xf32>,
        %broadcast_in_dim3A_580 = arith.constant 24 : i32
        %broadcast_in_dim3A_581 = vector.broadcast %broadcast_in_dim3A_580 : i32 to vector<16xi32>
        %gather3A_582 = tpu.vector_load_idx %arg15[%add3A_491, %broadcast_in_dim3A_581] : memref<64x32xf32, #tpu.memory_space<vmem>>[vector<16xi32>, vector<16xi32>], vector<16xf32>,
        %broadcast_in_dim3A_583 = arith.constant 25 : i32
        %broadcast_in_dim3A_584 = vector.broadcast %broadcast_in_dim3A_583 : i32 to vector<16xi32>
        %gather3A_585 = tpu.vector_load_idx %arg15[%add3A_491, %broadcast_in_dim3A_584] : memref<64x32xf32, #tpu.memory_space<vmem>>[vector<16xi32>, vector<16xi32>], vector<16xf32>,
        %broadcast_in_dim3A_586 = arith.constant 26 : i32
        %broadcast_in_dim3A_587 = vector.broadcast %broadcast_in_dim3A_586 : i32 to vector<16xi32>
        %gather3A_588 = tpu.vector_load_idx %arg15[%add3A_491, %broadcast_in_dim3A_587] : memref<64x32xf32, #tpu.memory_space<vmem>>[vector<16xi32>, vector<16xi32>], vector<16xf32>,
        %broadcast_in_dim3A_589 = arith.constant 27 : i32
        %broadcast_in_dim3A_590 = vector.broadcast %broadcast_in_dim3A_589 : i32 to vector<16xi32>
        %gather3A_591 = tpu.vector_load_idx %arg15[%add3A_491, %broadcast_in_dim3A_590] : memref<64x32xf32, #tpu.memory_space<vmem>>[vector<16xi32>, vector<16xi32>], vector<16xf32>,
        %broadcast_in_dim3A_592 = arith.constant 28 : i32
        %broadcast_in_dim3A_593 = vector.broadcast %broadcast_in_dim3A_592 : i32 to vector<16xi32>
        %gather3A_594 = tpu.vector_load_idx %arg15[%add3A_491, %broadcast_in_dim3A_593] : memref<64x32xf32, #tpu.memory_space<vmem>>[vector<16xi32>, vector<16xi32>], vector<16xf32>,
        %broadcast_in_dim3A_595 = arith.constant 29 : i32
        %broadcast_in_dim3A_596 = vector.broadcast %broadcast_in_dim3A_595 : i32 to vector<16xi32>
        %gather3A_597 = tpu.vector_load_idx %arg15[%add3A_491, %broadcast_in_dim3A_596] : memref<64x32xf32, #tpu.memory_space<vmem>>[vector<16xi32>, vector<16xi32>], vector<16xf32>,
        %broadcast_in_dim3A_598 = arith.constant 30 : i32
        %broadcast_in_dim3A_599 = vector.broadcast %broadcast_in_dim3A_598 : i32 to vector<16xi32>
        %gather3A_600 = tpu.vector_load_idx %arg15[%add3A_491, %broadcast_in_dim3A_599] : memref<64x32xf32, #tpu.memory_space<vmem>>[vector<16xi32>, vector<16xi32>], vector<16xf32>,
        %broadcast_in_dim3A_601 = arith.constant 31 : i32
        %broadcast_in_dim3A_602 = vector.broadcast %broadcast_in_dim3A_601 : i32 to vector<16xi32>
        %gather3A_603 = tpu.vector_load_idx %arg15[%add3A_491, %broadcast_in_dim3A_602] : memref<64x32xf32, #tpu.memory_space<vmem>>[vector<16xi32>, vector<16xi32>], vector<16xf32>,
        %scan3A_604 = arith.constant 0 : i32
        %scan3A_605 = arith.constant 0 : i32
        %scan3A_606 = arith.constant 20 : i32
        %scan3A_607 = arith.addi %scan3A_605, %scan3A_606 : i32
        %scan3A_608 = arith.constant 1 : i32
        %scan3A_609 = scf.for %scan3A_612 = %scan3A_605 to %scan3A_607 step %scan3A_608 iter_args(%scan3A_613 = %scan3A_604) -> (i32)  : i32 {
          %add3A_614 = vector.broadcast %scan3A_612 : i32 to vector<16xi32>
          %add3A_615 = arith.addi %mul3A_494, %add3A_614 : vector<16xi32>
          %broadcast_in_dim3A_616 = arith.constant 16 : i32
          %broadcast_in_dim3A_617 = vector.broadcast %broadcast_in_dim3A_616 : i32 to vector<16xi32>
          %gather3A_618 = tpu.vector_load_idx %arg17[%add3A_615, %broadcast_in_dim3A_617] : memref<1280x32xf32, #tpu.memory_space<vmem>>[vector<16xi32>, vector<16xi32>], vector<16xf32>,
          %mul3A_619 = arith.mulf %gather3A_558, %gather3A_618 : vector<16xf32>
          %broadcast_in_dim3A_620 = arith.constant 17 : i32
          %broadcast_in_dim3A_621 = vector.broadcast %broadcast_in_dim3A_620 : i32 to vector<16xi32>
          %gather3A_622 = tpu.vector_load_idx %arg17[%add3A_615, %broadcast_in_dim3A_621] : memref<1280x32xf32, #tpu.memory_space<vmem>>[vector<16xi32>, vector<16xi32>], vector<16xf32>,
          %mul3A_623 = arith.mulf %gather3A_561, %gather3A_622 : vector<16xf32>
          %add3A_624 = arith.addf %mul3A_619, %mul3A_623 : vector<16xf32>
          %broadcast_in_dim3A_625 = arith.constant 18 : i32
          %broadcast_in_dim3A_626 = vector.broadcast %broadcast_in_dim3A_625 : i32 to vector<16xi32>
          %gather3A_627 = tpu.vector_load_idx %arg17[%add3A_615, %broadcast_in_dim3A_626] : memref<1280x32xf32, #tpu.memory_space<vmem>>[vector<16xi32>, vector<16xi32>], vector<16xf32>,
          %mul3A_628 = arith.mulf %gather3A_564, %gather3A_627 : vector<16xf32>
          %add3A_629 = arith.addf %add3A_624, %mul3A_628 : vector<16xf32>
          %broadcast_in_dim3A_630 = arith.constant 19 : i32
          %broadcast_in_dim3A_631 = vector.broadcast %broadcast_in_dim3A_630 : i32 to vector<16xi32>
          %gather3A_632 = tpu.vector_load_idx %arg17[%add3A_615, %broadcast_in_dim3A_631] : memref<1280x32xf32, #tpu.memory_space<vmem>>[vector<16xi32>, vector<16xi32>], vector<16xf32>,
          %mul3A_633 = arith.mulf %gather3A_567, %gather3A_632 : vector<16xf32>
          %add3A_634 = arith.addf %add3A_629, %mul3A_633 : vector<16xf32>
          %broadcast_in_dim3A_635 = arith.constant 20 : i32
          %broadcast_in_dim3A_636 = vector.broadcast %broadcast_in_dim3A_635 : i32 to vector<16xi32>
          %gather3A_637 = tpu.vector_load_idx %arg17[%add3A_615, %broadcast_in_dim3A_636] : memref<1280x32xf32, #tpu.memory_space<vmem>>[vector<16xi32>, vector<16xi32>], vector<16xf32>,
          %mul3A_638 = arith.mulf %gather3A_570, %gather3A_637 : vector<16xf32>
          %broadcast_in_dim3A_639 = arith.constant 21 : i32
          %broadcast_in_dim3A_640 = vector.broadcast %broadcast_in_dim3A_639 : i32 to vector<16xi32>
          %gather3A_641 = tpu.vector_load_idx %arg17[%add3A_615, %broadcast_in_dim3A_640] : memref<1280x32xf32, #tpu.memory_space<vmem>>[vector<16xi32>, vector<16xi32>], vector<16xf32>,
          %mul3A_642 = arith.mulf %gather3A_573, %gather3A_641 : vector<16xf32>
          %add3A_643 = arith.addf %mul3A_638, %mul3A_642 : vector<16xf32>
          %broadcast_in_dim3A_644 = arith.constant 22 : i32
          %broadcast_in_dim3A_645 = vector.broadcast %broadcast_in_dim3A_644 : i32 to vector<16xi32>
          %gather3A_646 = tpu.vector_load_idx %arg17[%add3A_615, %broadcast_in_dim3A_645] : memref<1280x32xf32, #tpu.memory_space<vmem>>[vector<16xi32>, vector<16xi32>], vector<16xf32>,
          %mul3A_647 = arith.mulf %gather3A_576, %gather3A_646 : vector<16xf32>
          %add3A_648 = arith.addf %add3A_643, %mul3A_647 : vector<16xf32>
          %broadcast_in_dim3A_649 = arith.constant 23 : i32
          %broadcast_in_dim3A_650 = vector.broadcast %broadcast_in_dim3A_649 : i32 to vector<16xi32>
          %gather3A_651 = tpu.vector_load_idx %arg17[%add3A_615, %broadcast_in_dim3A_650] : memref<1280x32xf32, #tpu.memory_space<vmem>>[vector<16xi32>, vector<16xi32>], vector<16xf32>,
          %mul3A_652 = arith.mulf %gather3A_579, %gather3A_651 : vector<16xf32>
          %add3A_653 = arith.addf %add3A_648, %mul3A_652 : vector<16xf32>
          %broadcast_in_dim3A_654 = arith.constant 24 : i32
          %broadcast_in_dim3A_655 = vector.broadcast %broadcast_in_dim3A_654 : i32 to vector<16xi32>
          %gather3A_656 = tpu.vector_load_idx %arg17[%add3A_615, %broadcast_in_dim3A_655] : memref<1280x32xf32, #tpu.memory_space<vmem>>[vector<16xi32>, vector<16xi32>], vector<16xf32>,
          %mul3A_657 = arith.mulf %gather3A_582, %gather3A_656 : vector<16xf32>
          %broadcast_in_dim3A_658 = arith.constant 25 : i32
          %broadcast_in_dim3A_659 = vector.broadcast %broadcast_in_dim3A_658 : i32 to vector<16xi32>
          %gather3A_660 = tpu.vector_load_idx %arg17[%add3A_615, %broadcast_in_dim3A_659] : memref<1280x32xf32, #tpu.memory_space<vmem>>[vector<16xi32>, vector<16xi32>], vector<16xf32>,
          %mul3A_661 = arith.mulf %gather3A_585, %gather3A_660 : vector<16xf32>
          %add3A_662 = arith.addf %mul3A_657, %mul3A_661 : vector<16xf32>
          %broadcast_in_dim3A_663 = arith.constant 26 : i32
          %broadcast_in_dim3A_664 = vector.broadcast %broadcast_in_dim3A_663 : i32 to vector<16xi32>
          %gather3A_665 = tpu.vector_load_idx %arg17[%add3A_615, %broadcast_in_dim3A_664] : memref<1280x32xf32, #tpu.memory_space<vmem>>[vector<16xi32>, vector<16xi32>], vector<16xf32>,
          %mul3A_666 = arith.mulf %gather3A_588, %gather3A_665 : vector<16xf32>
          %add3A_667 = arith.addf %add3A_662, %mul3A_666 : vector<16xf32>
          %broadcast_in_dim3A_668 = arith.constant 27 : i32
          %broadcast_in_dim3A_669 = vector.broadcast %broadcast_in_dim3A_668 : i32 to vector<16xi32>
          %gather3A_670 = tpu.vector_load_idx %arg17[%add3A_615, %broadcast_in_dim3A_669] : memref<1280x32xf32, #tpu.memory_space<vmem>>[vector<16xi32>, vector<16xi32>], vector<16xf32>,
          %mul3A_671 = arith.mulf %gather3A_591, %gather3A_670 : vector<16xf32>
          %add3A_672 = arith.addf %add3A_667, %mul3A_671 : vector<16xf32>
          %broadcast_in_dim3A_673 = arith.constant 28 : i32
          %broadcast_in_dim3A_674 = vector.broadcast %broadcast_in_dim3A_673 : i32 to vector<16xi32>
          %gather3A_675 = tpu.vector_load_idx %arg17[%add3A_615, %broadcast_in_dim3A_674] : memref<1280x32xf32, #tpu.memory_space<vmem>>[vector<16xi32>, vector<16xi32>], vector<16xf32>,
          %mul3A_676 = arith.mulf %gather3A_594, %gather3A_675 : vector<16xf32>
          %broadcast_in_dim3A_677 = arith.constant 29 : i32
          %broadcast_in_dim3A_678 = vector.broadcast %broadcast_in_dim3A_677 : i32 to vector<16xi32>
          %gather3A_679 = tpu.vector_load_idx %arg17[%add3A_615, %broadcast_in_dim3A_678] : memref<1280x32xf32, #tpu.memory_space<vmem>>[vector<16xi32>, vector<16xi32>], vector<16xf32>,
          %mul3A_680 = arith.mulf %gather3A_597, %gather3A_679 : vector<16xf32>
          %add3A_681 = arith.addf %mul3A_676, %mul3A_680 : vector<16xf32>
          %broadcast_in_dim3A_682 = arith.constant 30 : i32
          %broadcast_in_dim3A_683 = vector.broadcast %broadcast_in_dim3A_682 : i32 to vector<16xi32>
          %gather3A_684 = tpu.vector_load_idx %arg17[%add3A_615, %broadcast_in_dim3A_683] : memref<1280x32xf32, #tpu.memory_space<vmem>>[vector<16xi32>, vector<16xi32>], vector<16xf32>,
          %mul3A_685 = arith.mulf %gather3A_600, %gather3A_684 : vector<16xf32>
          %add3A_686 = arith.addf %add3A_681, %mul3A_685 : vector<16xf32>
          %broadcast_in_dim3A_687 = arith.constant 31 : i32
          %broadcast_in_dim3A_688 = vector.broadcast %broadcast_in_dim3A_687 : i32 to vector<16xi32>
          %gather3A_689 = tpu.vector_load_idx %arg17[%add3A_615, %broadcast_in_dim3A_688] : memref<1280x32xf32, #tpu.memory_space<vmem>>[vector<16xi32>, vector<16xi32>], vector<16xf32>,
          %mul3A_690 = arith.mulf %gather3A_603, %gather3A_689 : vector<16xf32>
          %add3A_691 = arith.addf %add3A_686, %mul3A_690 : vector<16xf32>
          %add3A_692 = arith.addf %add3A_634, %add3A_653 : vector<16xf32>
          %add3A_693 = arith.addf %add3A_672, %add3A_691 : vector<16xf32>
          %add3A_694 = arith.addf %add3A_692, %add3A_693 : vector<16xf32>
          tpu.vector_store_idx %arg19[%add3A_615], %add3A_694 {add = true} : memref<1280xf32, #tpu.memory_space<vmem>>[vector<16xi32>], vector<16xf32>,
          %scan3A_695 = arith.constant 0 : i32
          scf.yield %scan3A_695 : i32
        }
        %scan3A_610 = arith.constant 20 : i32
        %scan3A_611 = arith.constant 0 : i32
        scf.yield %scan3A_611 : i32
      }
      %scan3A_480 = arith.constant 4 : i32
      %add3A_481 = arith.addi %mul3A_2, %add3A_107 : i32
      "tpu.region"() ({
        %run_scoped3A = tpu.sem_alloc : memref<!tpu.dma_semaphore, #tpu.memory_space<semaphore_mem>>
        %dma_start3A_486 = tpu.memref_slice %arg7[%add3A_481] : memref<16384xf32, #tpu.memory_space<hbm>> -> memref<64xf32, #tpu.memory_space<hbm>>
        %dma_start3A_487 = tpu.memref_slice %arg7[%add3A_481] : memref<16384xf32, #tpu.memory_space<hbm>> -> memref<64xf32, #tpu.memory_space<hbm>>
        tpu.enqueue_dma source(%arg18 : memref<64xf32, #tpu.memory_space<vmem>>) target(%dma_start3A_487 : memref<64xf32, #tpu.memory_space<hbm>>) target_semaphore(%run_scoped3A : memref<!tpu.dma_semaphore, #tpu.memory_space<semaphore_mem>>)
        %dma_wait3A_488 = tpu.memref_slice %arg7[%add3A_481] : memref<16384xf32, #tpu.memory_space<hbm>> -> memref<64xf32, #tpu.memory_space<hbm>>
        %dma_wait3A_489 = tpu.memref_slice %arg7[%add3A_481] : memref<16384xf32, #tpu.memory_space<hbm>> -> memref<64xf32, #tpu.memory_space<hbm>>
        tpu.wait_dma2 semaphore(%run_scoped3A : memref<!tpu.dma_semaphore, #tpu.memory_space<semaphore_mem>>) src(%arg18 : memref<64xf32, #tpu.memory_space<vmem>>) dst(%dma_wait3A_489 : memref<64xf32, #tpu.memory_space<hbm>>)
        tpu.yield
      }) : () -> ()
      %add3A_482 = arith.addi %mul3A_2, %add3A_107 : i32
      %mul3A_483 = arith.constant 20 : i32
      %mul3A_484 = arith.muli %add3A_482, %mul3A_483 : i32
      "tpu.region"() ({
        %run_scoped3A = tpu.sem_alloc : memref<!tpu.dma_semaphore, #tpu.memory_space<semaphore_mem>>
        %dma_start3A_486 = tpu.memref_slice %arg8[%mul3A_484] : memref<327680xf32, #tpu.memory_space<hbm>> -> memref<1280xf32, #tpu.memory_space<hbm>>
        %dma_start3A_487 = tpu.memref_slice %arg8[%mul3A_484] : memref<327680xf32, #tpu.memory_space<hbm>> -> memref<1280xf32, #tpu.memory_space<hbm>>
        tpu.enqueue_dma source(%arg19 : memref<1280xf32, #tpu.memory_space<vmem>>) target(%dma_start3A_487 : memref<1280xf32, #tpu.memory_space<hbm>>) target_semaphore(%run_scoped3A : memref<!tpu.dma_semaphore, #tpu.memory_space<semaphore_mem>>)
        %dma_wait3A_488 = tpu.memref_slice %arg8[%mul3A_484] : memref<327680xf32, #tpu.memory_space<hbm>> -> memref<1280xf32, #tpu.memory_space<hbm>>
        %dma_wait3A_489 = tpu.memref_slice %arg8[%mul3A_484] : memref<327680xf32, #tpu.memory_space<hbm>> -> memref<1280xf32, #tpu.memory_space<hbm>>
        tpu.wait_dma2 semaphore(%run_scoped3A : memref<!tpu.dma_semaphore, #tpu.memory_space<semaphore_mem>>) src(%arg19 : memref<1280xf32, #tpu.memory_space<vmem>>) dst(%dma_wait3A_489 : memref<1280xf32, #tpu.memory_space<hbm>>)
        tpu.yield
      }) : () -> ()
      %scan3A_485 = arith.constant 0 : i32
      scf.yield %scan3A_485 : i32
    }
    %scan3A_99 = arith.constant 4 : i32
    return
  }
}

module attributes {stable_mosaic.version = 14 : i64} {
  func.func @_loss_body(%arg0: memref<128x128xf32, #tpu.memory_space<vmem>>, %arg1: memref<2560x128xf32, #tpu.memory_space<vmem>>, %arg2: memref<1x1xf32, #tpu.memory_space<vmem>>) attributes {dimension_semantics = [], scalar_prefetch = 0 : i64, scratch_operands = 0 : i64, tpu.core_type = #tpu.core_type<tc>} {
    %get3A = arith.constant 0 : index
    %get3A_0 = arith.constant 0 : index
    %get3A_1 = vector.load %arg0[%get3A, %get3A_0] : memref<128x128xf32, #tpu.memory_space<vmem>>, vector<128x128xf32>
    %get3A_2 = arith.constant 0 : index
    %get3A_3 = arith.constant 0 : index
    %get3A_4 = vector.load %arg1[%get3A_2, %get3A_3] : memref<2560x128xf32, #tpu.memory_space<vmem>>, vector<2560x128xf32>
    %neg3A = arith.constant 0.000000e+00 : f32
    %neg3A_5 = vector.broadcast %neg3A : f32 to vector<128x128xf32>
    %neg3A_6 = arith.subf %neg3A_5, %get3A_1 : vector<128x128xf32>
    %exp3A = math.exp %neg3A_6 : vector<128x128xf32>
    %add3A = arith.constant 1.000000e+00 : f32
    %add3A_7 = vector.broadcast %add3A : f32 to vector<128x128xf32>
    %add3A_8 = arith.addf %add3A_7, %exp3A : vector<128x128xf32>
    %div3A = arith.constant 1.000000e+00 : f32
    %div3A_9 = vector.broadcast %div3A : f32 to vector<128x128xf32>
    %div3A_10 = arith.divf %div3A_9, %add3A_8 : vector<128x128xf32>
    %neg3A_11 = arith.constant 0.000000e+00 : f32
    %neg3A_12 = vector.broadcast %neg3A_11 : f32 to vector<2560x128xf32>
    %neg3A_13 = arith.subf %neg3A_12, %get3A_4 : vector<2560x128xf32>
    %exp3A_14 = math.exp %neg3A_13 : vector<2560x128xf32>
    %add3A_15 = arith.constant 1.000000e+00 : f32
    %add3A_16 = vector.broadcast %add3A_15 : f32 to vector<2560x128xf32>
    %add3A_17 = arith.addf %add3A_16, %exp3A_14 : vector<2560x128xf32>
    %div3A_18 = arith.constant 1.000000e+00 : f32
    %div3A_19 = vector.broadcast %div3A_18 : f32 to vector<2560x128xf32>
    %div3A_20 = arith.divf %div3A_19, %add3A_17 : vector<2560x128xf32>
    %add3A_21 = arith.constant 9.99999971E-10 : f32
    %add3A_22 = vector.broadcast %add3A_21 : f32 to vector<128x128xf32>
    %add3A_23 = arith.addf %div3A_10, %add3A_22 : vector<128x128xf32>
    %log3A = math.log %add3A_23 : vector<128x128xf32>
    %sub3A = arith.constant 1.000000e+00 : f32
    %sub3A_24 = vector.broadcast %sub3A : f32 to vector<2560x128xf32>
    %sub3A_25 = arith.subf %sub3A_24, %div3A_20 : vector<2560x128xf32>
    %add3A_26 = arith.constant 9.99999971E-10 : f32
    %add3A_27 = vector.broadcast %add3A_26 : f32 to vector<2560x128xf32>
    %add3A_28 = arith.addf %sub3A_25, %add3A_27 : vector<2560x128xf32>
    %log3A_29 = math.log %add3A_28 : vector<2560x128xf32>
    %reduce_sum3A = vector.shape_cast %log3A : vector<128x128xf32> to vector<1x128x128xf32>
    %reduce_sum3A_30 = arith.constant dense<0.000000e+00> : vector<1xf32>
    %reduce_sum3A_31 = vector.multi_reduction <add>, %reduce_sum3A, %reduce_sum3A_30 [1, 2] : vector<1x128x128xf32> to vector<1xf32>
    %reduce_sum3A_32 = vector.shape_cast %reduce_sum3A_31 : vector<1xf32> to vector<1x1x1xf32>
    %reduce_sum3A_33 = vector.extract %reduce_sum3A_32[0, 0, 0] : f32 from vector<1x1x1xf32>
    %div3A_34 = arith.constant 1.638400e+04 : f32
    %div3A_35 = arith.divf %reduce_sum3A_33, %div3A_34 : f32
    %neg3A_36 = arith.constant 0.000000e+00 : f32
    %neg3A_37 = arith.subf %neg3A_36, %div3A_35 : f32
    %reduce_sum3A_38 = vector.shape_cast %log3A_29 : vector<2560x128xf32> to vector<1x2560x128xf32>
    %reduce_sum3A_39 = arith.constant dense<0.000000e+00> : vector<1xf32>
    %reduce_sum3A_40 = vector.multi_reduction <add>, %reduce_sum3A_38, %reduce_sum3A_39 [1, 2] : vector<1x2560x128xf32> to vector<1xf32>
    %reduce_sum3A_41 = vector.shape_cast %reduce_sum3A_40 : vector<1xf32> to vector<1x1x1xf32>
    %reduce_sum3A_42 = vector.extract %reduce_sum3A_41[0, 0, 0] : f32 from vector<1x1x1xf32>
    %div3A_43 = arith.constant 3.276800e+05 : f32
    %div3A_44 = arith.divf %reduce_sum3A_42, %div3A_43 : f32
    %sub3A_45 = arith.subf %neg3A_37, %div3A_44 : f32
    %broadcast_in_dim3A = vector.broadcast %sub3A_45 : f32 to vector<1x1xf32>
    %swap3A = arith.constant 0 : index
    %swap3A_46 = arith.constant 0 : index
    %swap3A_47 = vector.load %arg2[%swap3A, %swap3A_46] : memref<1x1xf32, #tpu.memory_space<vmem>>, vector<1x1xf32>
    tpu.vector_store %arg2[%swap3A, %swap3A_46], %broadcast_in_dim3A {strides = array<i32>} : memref<1x1xf32, #tpu.memory_space<vmem>>, vector<1x1xf32>,
    return
  }
}

</mosaic_0001>

<sc_bundles>
// kernel: w2v_sc_scores.3.cloned.1.call-start
scs
__scs_entry_jumppad:
0x0: {  	(pc) =	sbr.rel $0x88, $3  }
0x1: {  	(tag) =	ssettag $0x0;
	lr =	simm.s32 $0x1  }
0x2: {  	[smem:$0x3F9C] =	sst lr;
	_ =	strace $0xD0000000  }
0x3: {  	_ = 	snop  }
0x4: {  	_ = 	snop  }
0x5: {  	_ = 	snop  }
0x6: {  	_ = 	snop  }
0x7: {  	_ = 	snop  }
__scs_overlays_trampoline_lowered:
0x8: {  	[smem:$0x3FAB] =	sst s0  }
0x9: {  	[smem:$0x3FAC] =	sst s1  }
0xa: {  	[smem:$0x3FAD] =	sst s2  }
0xb: {  	[smem:$0x3FAE] =	sst s3  }
0xc: {  	[smem:$0x3FAF] =	sst s4  }
0xd: {  	[smem:$0x3FB0] =	sst s5  }
0xe: {  	[smem:$0x3FB1] =	sst s6  }
0xf: {  	[smem:$0x3FB2] =	sst s7  }
0x10: {  	[smem:$0x3FB3] =	sst s8  }
0x11: {  	[smem:$0x3FB4] =	sst s9;
	s0 =	simm.s32 @!p0 $0x0  }
0x12: {  	s1 =	sld [smem:$0x3F9A];
	s0 =	simm.s32 @p0 $0x1  }
0x13: {  	[smem:$0x3FB5] =	sst s0;
	s0 =	simm.s32 @!p1 $0x0  }
0x14: {  	s2 =	sld [smem:$0x3F99];
	s0 =	simm.s32 @p1 $0x1  }
0x15: {  	[smem:$0x3FB6] =	sst s0;
	s0 =	simm.s32 @!p2 $0x0  }
0x16: {  	s3 =	sld [smem:$0x3FDB];
	s0 =	simm.s32 @p2 $0x1  }
0x17: {  	s4 =	simm.s32 $0x1BF5;
	[smem:$0x3FB8] =	sst s0  }
0x18: {  	s0 =	sld [smem:$0x3F9B];
	_ =	swait.ge [sflag:s4], $0x0  }
0x19: {  	s7 =	sld [smem:$0x3F9C]  }
0x1a: {  	s8 =	sadd.s32 $0xFFFFE003, lr  }
0x1b: {  	s9 =	sadd.s32 $0xFFFFFEF7, lr;
	s5 =	simm.s32 $0xFFFFFFFF;
	p2 =	slt.u32 s8, $0xFFFFF086  }
0x1c: {  	p1 =	slt.u32 s9, $0xF7A;
	s5 =	simm.s32 @!p2 $0x0  }
0x1d: {  	s5 =	simm.s32 @p1 $0x1;
	p0 =	seq.s32 s7, s2  }
0x1e: {  	s7 =	smul.u32 @!p0 $0xF7A, s2;
	p2 =	seq.s32 @!p0 s5, $0x0  }
0x1f: {  	s9 =	smul.u32 $0xF7A, s1;
	s8 =	simm.s32 @!p0 $0x1BF5;
	p2 =	por !p2, p0  }
0x20: {  	[sflag:s8] =	ssyncset.s32 @!p0 $0xFFFFF086;
	s6 =	sadd.s32 @!p0 s3, s7;
	s7 =	simm.s32 @!p0 $0x108  }
0x21: {  	s3 =	sadd.s32 s3, s9;
	s6 =	sadd.s32 @!p0 $0x88, s6;
	s7 =	simm.s32 @p2 $0x1082  }
0x22: {  	[simem:s7], [sflag:s8] =	dma.local @!p0 [hbm:s6], $0xF7A  }
0x23: {  	s9 =	sor.u32 $0xD0000000, s2;
	s6 =	simm.s32 $0x108;
	_ =	swait.ge @!p0 [sflag:s8], $0x0  }
0x24: {  	s3 =	sadd.s32 $0x88, s3;
	s6 =	simm.s32 @!p1 $0x1082;
	[sflag:s4] =	ssyncset.s32 $0xFFFFF086  }
0x25: {  	[simem:s6], [sflag:s4] =	dma.local [hbm:s3], $0xF7A  }
0x26: {  	[smem:$0x3F9C] =	sst s1;
	(tag) =	ssettag s2;
	_ =	strace s9  }
0x27: {  	s1 =	sld [smem:$0x3FAC]  }
0x28: {  	s2 =	sld [smem:$0x3FAD]  }
0x29: {  	s4 =	sld [smem:$0x3FAF]  }
0x2a: {  	p0 =	seq.s32 s5, $0x0;
	s5 =	sld [smem:$0x3FB0]  }
0x2b: {  	s6 =	sld [smem:$0x3FB1]  }
0x2c: {  	s7 =	sld [smem:$0x3FB2]  }
0x2d: {  	s3 =	simm.s32 $0x108;
	s8 =	sld [smem:$0x3FB3]  }
0x2e: {  	s3 =	simm.s32 @!p0 $0x1082;
	s9 =	sld [smem:$0x3FB4]  }
0x2f: {  	lr =	sadd.s32 s0, s3;
	s0 =	sld [smem:$0x3FAB]  }
0x30: {  	s3 =	sld [smem:$0x3FAE]  }
0x31: {  	[smem:$0x3FB7] =	sst s10  }
0x32: {  	s10 =	sld [smem:$0x3FB5];
	_ =	sdelay $0x3  }
0x33: {  	p0 =	seq.s32 s10, $0x1;
	s10 =	sld [smem:$0x3FB7];
	_ =	sdelay $0x3  }
0x34: {  	[smem:$0x3FB7] =	sst s10  }
0x35: {  	s10 =	sld [smem:$0x3FB6];
	_ =	sdelay $0x3  }
0x36: {  	p1 =	seq.s32 s10, $0x1;
	s10 =	sld [smem:$0x3FB7];
	_ =	sdelay $0x3  }
0x37: {  	[smem:$0x3FB7] =	sst s10  }
0x38: {  	s10 =	sld [smem:$0x3FB8]  }
0x39: {  	_ = 	snop;
	(pc) =	sbr.ind lr, $3  }
0x3a: {  	_ = 	snop  }
0x3b: {  	_ = 	snop  }
0x3c: {  	p2 =	seq.s32 s10, $0x1;
	s10 =	sld [smem:$0x3FB7]  }
0x3d: {  	_ =	shalt  }
0x3e: {  	_ =	shalt  }
0x3f: {  	_ =	shalt  }
0x40: {  	_ =	shalt  }
0x41: {  	_ =	shalt  }
0x42: {  	_ =	shalt  }
0x43: {  	_ =	shalt  }
0x44: {  	_ =	shalt  }
0x45: {  	_ =	shalt  }
0x46: {  	_ =	shalt  }
0x47: {  	_ =	shalt  }
0x48: {  	_ =	shalt  }
0x49: {  	_ =	shalt  }
0x4a: {  	_ =	shalt  }
0x4b: {  	_ =	shalt  }
0x4c: {  	_ =	shalt  }
0x4d: {  	_ =	shalt  }
0x4e: {  	_ =	shalt  }
0x4f: {  	_ =	shalt  }
0x50: {  	_ =	shalt  }
0x51: {  	_ =	shalt  }
0x52: {  	_ =	shalt  }
0x53: {  	_ =	shalt  }
0x54: {  	_ =	shalt  }
0x55: {  	_ =	shalt  }
0x56: {  	_ =	shalt  }
0x57: {  	_ =	shalt  }
0x58: {  	_ =	shalt  }
0x59: {  	_ =	shalt  }
0x5a: {  	_ =	shalt  }
0x5b: {  	_ =	shalt  }
0x5c: {  	_ =	shalt  }
0x5d: {  	_ =	shalt  }
0x5e: {  	_ =	shalt  }
0x5f: {  	_ =	shalt  }
0x60: {  	_ =	shalt  }
0x61: {  	_ =	shalt  }
0x62: {  	_ =	shalt  }
0x63: {  	_ =	shalt  }
0x64: {  	_ =	shalt  }
0x65: {  	_ =	shalt  }
0x66: {  	_ =	shalt  }
0x67: {  	_ =	shalt  }
0x68: {  	_ =	shalt  }
0x69: {  	_ =	shalt  }
0x6a: {  	_ =	shalt  }
0x6b: {  	_ =	shalt  }
0x6c: {  	_ =	shalt  }
0x6d: {  	_ =	shalt  }
0x6e: {  	_ =	shalt  }
0x6f: {  	_ =	shalt  }
0x70: {  	_ =	shalt  }
0x71: {  	_ =	shalt  }
0x72: {  	_ =	shalt  }
0x73: {  	_ =	shalt  }
0x74: {  	_ =	shalt  }
0x75: {  	_ =	shalt  }
0x76: {  	_ =	shalt  }
0x77: {  	_ =	shalt  }
0x78: {  	_ =	shalt  }
0x79: {  	_ =	shalt  }
0x7a: {  	_ =	shalt  }
0x7b: {  	_ =	shalt  }
0x7c: {  	_ =	shalt  }
0x7d: {  	_ =	shalt  }
0x7e: {  	_ =	shalt  }
0x7f: {  	_ =	shalt  }
0x80: {  	_ =	shalt  }
0x81: {  	_ =	shalt  }
0x82: {  	_ =	shalt  }
0x83: {  	_ =	shalt  }
0x84: {  	_ =	shalt  }
0x85: {  	_ =	shalt  }
0x86: {  	_ =	shalt  }
0x87: {  	_ =	shalt  }
.Lfunc_end0:
.L_simem_size_0:
called_computation_lowered:
.L_overlay_start_0:
0x88: {  	s2 =	sld [smem:$0x3FD9]  }
0x89: {  	s3 =	sld [smem:$0x3FFE];
	_ =	sdelay $0x1  }
0x8a: {  	s1 =	srdreg.scid  }
0x8b: {  	s0 =	sand.u32 $0x1, s1  }
0x8c: {  	s17 =	sshll.u32 s0, $0xA;
	s2 =	sadd.s32 s3, s2  }
0x8d: {  	s2 =	sadd.s32 s2, s17  }
0x8e: {  	[smem:$0x3FC3] =	sst s2  }
0x8f: {  	_ = 	snop  }
0x90: {  	s2 =	sld [smem:$0x3FC9]  }
0x91: {  	s18 =	sld [smem:$0x3FC8];
	(tm) =	ssettm $0x1  }
0x92: {  	s4 =	sld [smem:$0x3FFB];
	_ =	sdelay $0x3  }
0x93: {  	_ =	strace s4  }
0x94: {  	s4 =	sld [smem:$0x3FFC];
	_ =	sdelay $0x3  }
0x95: {  	_ =	strace s4  }
0x96: {  	s4 =	sld [smem:$0x3FFD];
	_ =	sdelay $0x3  }
0x97: {  	_ =	strace s4  }
0x98: {  	_ =	strace $0x8FFFFFFF  }
0x99: {  	s19 =	sld [smem:$0x3FDB];
	_ =	sdelay $0x1  }
0x9a: {  	s5 =	simm.s32 $_scs_section_size  }
0x9b: {  	s6 =	simm.s32 $_size__tile_overlayer_lowered;
	s7 =	simm.s32 $_tile_overlayer_lowered  }
0x9c: {  	s22 =	simm.s32 $0x1BFF;
	s21 =	sshll.u32 s7, $0x1;
	s4 =	sadd.s32 s5, s19  }
0x9d: {  	s8 =	simm.s32 $0x0;
	s20 =	sshll.u32 s6, $0x1;
	s6 =	sadd.s32 s21, s4  }
0x9e: {  	[timem:s8], [sflag:s22] =	dma.local [hbm:s6], s20  }
0x9f: {  	_ =	swait.ge [sflag:s22], s20  }
0xa0: {  	s5 =	ssub.s32 $0x0, s20;
	[sflag:s22] =	ssyncset.done $0x0  }
0xa1: {  	[sflag:s22] =	ssyncadd.s32 s5;
	_ =	sdelay $0x1  }
0xa2: {  	s23 =	simm.s32 $0x1B8B  }
0xa3: {  	_ =	swait.ge [sflag:s23], $0x1  }
0xa4: {  	[sflag:s23] =	ssyncset.done $0x0  }
0xa5: {  	s25 =	simm.s32 $0x1B8E;
	s24 =	sld [smem:$0x3FFE];
	[sflag:s23] =	ssyncadd.s32 $0xFFFFFFFF  }
0xa6: {  	s26 =	simm.s32 $execute0_lowered;
	[smem:$0x3FD2] =	sst s25  }
0xa7: {  	s6 =	sshll.u32 s26, $0x1;
	_ =	strace $0x80000046;
	[dreg:$0x1] =	wrdreg $0xFFFFFFFF  }
0xa8: {  	s28 =	simm.s32 $_size_execute0_lowered;
	s4 =	sadd.s32 s4, s6;
	[dreg:$0x0] =	wrdreg $0x0  }
0xa9: {  	s6 =	sshll.u32 s28, $0x1;
	[dreg:$0x2] =	wrdreg s4  }
0xaa: {  	[dreg:$0x3] =	wrdreg s6  }
0xab: {  	[dreg:$0x4] =	wrdreg $0xC0  }
0xac: {  	_ =	task [dreg:s8], $0x5FFFF  }
0xad: {  	[dreg:$0x1] =	wrdreg $0xFFFFFFFF  }
0xae: {  	[dreg:$0x0] =	wrdreg $0x60  }
0xaf: {  	[dreg:$0x2] =	wrdreg s2  }
0xb0: {  	[dreg:$0x3] =	wrdreg s18  }
0xb1: {  	[dreg:$0x4] =	wrdreg s24  }
0xb2: {  	[dreg:$0x5] =	wrdreg $0x9  }
0xb3: {  	_ =	task.clear_ibuf [dreg:s8], $0x6FFFF;
	_ =	strace $0x90000046  }
0xb4: {  	s29 =	simm.s32 $0x9;
	_ =	strace $0x80000048  }
0xb5: {  	_ =	swait.ge [sflag:s29], $0x1  }
0xb6: {  	[sflag:s29] =	ssyncadd.s32 $0xFFFFFFFF  }
0xb7: {  	_ =	strace $0x90000048  }
0xb8: {  	_ =	sfence  }
0xb9: {  	s30 =	sld [smem:$0x0];
	_ =	sdelay $0x2  }
0xba: {  	s31 =	sshll.u32 s1, $0xD;
	s1 =	sshrl.u32 s1, $0x2  }
0xbb: {  	s3 =	sand.u32 $0x4000, s31;
	s1 =	sadd.s32 s1, s30  }
0xbc: {  	s0 =	sor.u32 s3, s0;
	s1 =	sshll.u32 s1, $0x11  }
0xbd: {  	s0 =	sor.u32 s1, s0  }
0xbe: {  	s0 =	sadd.s32 $0x8F2B, s0  }
0xbf: {  	[sflag:s0] =	ssyncadd.remote.s32 $0x1  }
0xc0: {  	_ =	sfence.sel $0xFFFF  }
0xc1: {  	[dreg:$0x0] =	wrdreg $0xFFFFFFFF;
	(pc) =	sbr.abs _section_cstart, $3  }
0xc2: {  	[dreg:$0x1] =	wrdreg $0xFFFFFFFF  }
0xc3: {  	_ =	task.clear_ibuf [dreg:s8], $0x2FFFF;
	_ =	strace $0x9FFFFFFF  }
0xc4: {  	(tm) =	ssettm $0x7FFFFFFF  }
0xc5: {  	_ =	shalt  }
tec
execute0_lowered:
.L_overlay_start_1:
0x0: {  	(tag) =	ssettag $0x1  }
0x1: {  	s0 =	rddreg [dreg:$0x0]  }
0x2: {  	s1 =	rddreg [dreg:$0x1];
	s2 =	srdreg.scid  }
0x3: {  	s3 =	stileid.u32;
	s6 =	rddreg [dreg:$0x2]  }
0x4: {  	s12 =	simm.s32 $0x3;
	s15 =	simm.s32 $0x40;
	s16 =	simm.s32 $0x2C00  }
0x5: {  	s17 =	simm.s32 $0x3400;
	s18 =	simm.s32 $0x80;
	s19 =	simm.s32 $0x3C00  }
0x6: {  	s28 =	simm.s32 $0xE400;
	s29 =	simm.s32 $0xEC00;
	s20 =	simm.s32 $0x13C00  }
0x7: {  	s21 =	simm.s32 $0x14C00;
	s22 =	simm.s32 $0x15C00;
	s23 =	simm.s32 $0x16C00  }
0x8: {  	s24 =	simm.s32 $0x17C00;
	s13 =	simm.s32 $0x18C00;
	s14 =	simm.s32 $0x18C40  }
0x9: {  	s4 =	sand.u32 $0x1, s2;
	s3 =	sshll.u32 s3, $0x1;
	s2 =	simm.s32 $0x0  }
0xa: {  	s5 =	sadd.s32 $0x14E00, s6;
	s7 =	sor.u32 s4, s3;
	[smem:$0x7FF] =	sst s2  }
0xb: {  	s9 =	ssub.s32 $0x2, s4;
	s4 =	sadd.s32 $0xF43200, s6;
	s3 =	smul.u32 $0x500, s7  }
0xc: {  	_ =	strace $0x80000047;
	s10 =	sshrl.u32 s9, $0x1;
	s25 =	sshll.u32 s7, $0x6  }
0xd: {  	s7 =	sshll.u32 s7, $0x9;
	s9 =	ssub.s32 s9, s10;
	s0 =	sadd.s32 s0, s25  }
0xe: {  	s26 =	sadd.s32 s1, s25;
	s25 =	simm.s32 $0x1;
	s8 =	sadd.s32 s3, s6  }
0xf: {  	s3 =	sadd.s32 $0x1313C00, s6;
	s6 =	sadd.s32 $0xAE00, s6;
	[dreg:$0x4] =	wrdreg s0  }
0x10: {  	[dreg:$0x5] =	wrdreg s26;
	s31 =	smax.u32 s9, $0x1;
	s26 =	simm.s32 $0xDC00  }
0x11: {  	v0 =	vlaneseq.u32;
	s0 =	simm.s32 $0x12C00;
	s30 =	sadd.s32 $0xE00, s8;
	[dreg:$0x7] =	wrdreg s31  }
0x12: {  	v1 =	vor.u32 $0xFFFFFFF8, v0;
	s9 =	simm.s32 $0x0;
	s8 =	simm.s32 $0x2;
	[dreg:$0x6] =	wrdreg s30  }
.LBB2_1:
0x13: {  	[dreg:$0x8] =	wrdreg s9  }
0x14: {  	s1 =	rddreg [dreg:$0x4]  }
0x15: {  	[tilespmem:s2], [sflag:$0x3] =	stream.linear.gather [hbm4b:s1+s2], $0x200, $0x38;
	[tilespmem:$0x19140] =	vst v63  }
0x16: {  	_ =	swait.ge [sflag:s12], $0x200  }
0x17: {  	[sflag:s12] =	ssyncset.done $0x0  }
0x18: {  	s31 =	simm.s32 $0x200;
	s30 =	rddreg [dreg:$0x5];
	[sflag:s12] =	ssyncadd.s32 $0xFFFFFE00  }
0x19: {  	[tilespmem:s31], [sflag:$0x3] =	stream.linear.gather [hbm4b:s30+s2], $0x200, $0x38;
	[tilespmem:$0x19140] =	vst v63  }
0x1a: {  	_ =	swait.ge [sflag:s12], $0x200  }
0x1b: {  	[sflag:s12] =	ssyncset.done $0x0  }
0x1c: {  	s10 =	simm.s32 $0x400;
	s11 =	rddreg [dreg:$0x6];
	[sflag:s12] =	ssyncadd.s32 $0xFFFFFE00  }
0x1d: {  	[tilespmem:s10], [sflag:$0x3] =	stream.linear.gather [hbm4b:s11+s2], $0x2800, $0x38;
	[tilespmem:$0x19140] =	vst v63  }
0x1e: {  	_ =	swait.ge [sflag:s12], $0x2800  }
0x1f: {  	[sflag:s12] =	ssyncset.done $0x0  }
0x20: {  	[sflag:s12] =	ssyncadd.s32 $0xFFFFD800  }
0x21: {  	[tilespmem:s16], [sflag:$0x1] =	stream.indirect.gather [hbm4b:s3+s15], $0x20, s2, s15, $0xb8;
	[tilespmem:$0x19140] =	vst v63  }
0x22: {  	_ = 	snop  }
0x23: {  	[tilespmem:s17], [sflag:$0x1] =	stream.indirect.gather [hbm4b:s4+s15], $0x20, s31, s15, $0xb8;
	[tilespmem:$0x19140] =	vst v63  }
0x24: {  	_ = 	snop  }
0x25: {  	[tilespmem:s19], [sflag:$0x1] =	stream.indirect.gather [hbm4b:s4+s18], $0x20, s10, s18, $0xb8;
	[tilespmem:$0x19140] =	vst v63  }
0x26: {  	s30 =	simm.s32 $0x480;
	s31 =	simm.s32 $0x4C00  }
0x27: {  	[tilespmem:s31], [sflag:$0x1] =	stream.indirect.gather [hbm4b:s4+s18], $0x20, s30, s18, $0xb8;
	[tilespmem:$0x19140] =	vst v63  }
0x28: {  	s11 =	simm.s32 $0x5C00;
	s10 =	simm.s32 $0x500  }
0x29: {  	[tilespmem:s11], [sflag:$0x1] =	stream.indirect.gather [hbm4b:s4+s18], $0x20, s10, s18, $0xb8;
	[tilespmem:$0x19140] =	vst v63  }
0x2a: {  	s30 =	simm.s32 $0x580;
	s31 =	simm.s32 $0x6C00  }
0x2b: {  	[tilespmem:s31], [sflag:$0x1] =	stream.indirect.gather [hbm4b:s4+s18], $0x20, s30, s18, $0xb8;
	[tilespmem:$0x19140] =	vst v63  }
0x2c: {  	s10 =	simm.s32 $0x600;
	s11 =	simm.s32 $0x7C00  }
0x2d: {  	[tilespmem:s11], [sflag:$0x1] =	stream.indirect.gather [hbm4b:s4+s18], $0x20, s10, s18, $0xb8;
	[tilespmem:$0x19140] =	vst v63  }
0x2e: {  	s30 =	simm.s32 $0x680;
	s31 =	simm.s32 $0x8C00  }
0x2f: {  	[tilespmem:s31], [sflag:$0x1] =	stream.indirect.gather [hbm4b:s4+s18], $0x20, s30, s18, $0xb8;
	[tilespmem:$0x19140] =	vst v63  }
0x30: {  	s10 =	simm.s32 $0x700;
	s11 =	simm.s32 $0x9C00  }
0x31: {  	[tilespmem:s11], [sflag:$0x1] =	stream.indirect.gather [hbm4b:s4+s18], $0x20, s10, s18, $0xb8;
	[tilespmem:$0x19140] =	vst v63  }
0x32: {  	s30 =	simm.s32 $0x780;
	s31 =	simm.s32 $0xAC00  }
0x33: {  	[tilespmem:s31], [sflag:$0x1] =	stream.indirect.gather [hbm4b:s4+s18], $0x20, s30, s18, $0xb8;
	[tilespmem:$0x19140] =	vst v63  }
0x34: {  	s10 =	simm.s32 $0x800;
	s11 =	simm.s32 $0xBC00  }
0x35: {  	[tilespmem:s11], [sflag:$0x1] =	stream.indirect.gather [hbm4b:s4+s18], $0x20, s10, s18, $0xb8;
	[tilespmem:$0x19140] =	vst v63  }
0x36: {  	s30 =	simm.s32 $0x880;
	s31 =	simm.s32 $0xCC00;
	s10 =	simm.s32 $0x0  }
0x37: {  	[tilespmem:s31], [sflag:$0x1] =	stream.indirect.gather [hbm4b:s4+s18], $0x20, s30, s18, $0xb8;
	[tilespmem:$0x19140] =	vst v63  }
.LBB2_2:
0x38: {  	_ =	swait.ge [sflag:s25], $0x800  }
0x39: {  	[sflag:s25] =	ssyncset.done $0x0  }
0x3a: {  	[sflag:s25] =	ssyncadd.s32 $0xFFFFF800  }
0x3b: {  	_ =	swait.ge [sflag:s25], $0x800  }
0x3c: {  	[sflag:s25] =	ssyncset.done $0x0  }
0x3d: {  	[sflag:s25] =	ssyncadd.s32 $0xFFFFF800  }
0x3e: {  	_ =	swait.ge [sflag:s25], $0x1000  }
0x3f: {  	[sflag:s25] =	ssyncset.done $0x0  }
0x40: {  	[sflag:s25] =	ssyncadd.s32 $0xFFFFF000  }
0x41: {  	_ =	swait.ge [sflag:s25], $0x1000  }
0x42: {  	[sflag:s25] =	ssyncset.done $0x0  }
0x43: {  	[sflag:s25] =	ssyncadd.s32 $0xFFFFF000  }
0x44: {  	_ =	swait.ge [sflag:s25], $0x1000  }
0x45: {  	[sflag:s25] =	ssyncset.done $0x0  }
0x46: {  	[sflag:s25] =	ssyncadd.s32 $0xFFFFF000  }
0x47: {  	_ =	swait.ge [sflag:s25], $0x1000  }
0x48: {  	[sflag:s25] =	ssyncset.done $0x0  }
0x49: {  	[sflag:s25] =	ssyncadd.s32 $0xFFFFF000  }
0x4a: {  	_ =	swait.ge [sflag:s25], $0x1000  }
0x4b: {  	[sflag:s25] =	ssyncset.done $0x0  }
0x4c: {  	[sflag:s25] =	ssyncadd.s32 $0xFFFFF000  }
0x4d: {  	_ =	swait.ge [sflag:s25], $0x1000  }
0x4e: {  	[sflag:s25] =	ssyncset.done $0x0  }
0x4f: {  	[sflag:s25] =	ssyncadd.s32 $0xFFFFF000  }
0x50: {  	_ =	swait.ge [sflag:s25], $0x1000  }
0x51: {  	[sflag:s25] =	ssyncset.done $0x0  }
0x52: {  	[sflag:s25] =	ssyncadd.s32 $0xFFFFF000  }
0x53: {  	_ =	swait.ge [sflag:s25], $0x1000  }
0x54: {  	[sflag:s25] =	ssyncset.done $0x0  }
0x55: {  	[sflag:s25] =	ssyncadd.s32 $0xFFFFF000  }
0x56: {  	_ =	swait.ge [sflag:s25], $0x1000  }
0x57: {  	[sflag:s25] =	ssyncset.done $0x0  }
0x58: {  	[sflag:s25] =	ssyncadd.s32 $0xFFFFF000  }
0x59: {  	_ =	swait.ge [sflag:s25], $0x1000  }
0x5a: {  	s9 =	sshll.u32 s10, $0x7;
	[sflag:s25] =	ssyncset.done $0x0  }
0x5b: {  	s11 =	sor.u32 $0x40, s9;
	[sflag:s25] =	ssyncadd.s32 $0xFFFFF000  }
0x5c: {  	[tilespmem:s26], [sflag:$0x2] =	stream.indirect.gather [hbm4b:s3+s15], $0x20, s11, s15, $0xb8;
	[tilespmem:$0x19140] =	vst v63  }
0x5d: {  	s1 =	sadd.s32 $0x240, s9;
	s30 =	smul.u32 $0x50, s11  }
0x5e: {  	[tilespmem:s28], [sflag:$0x2] =	stream.indirect.gather [hbm4b:s4+s15], $0x20, s1, s15, $0xb8;
	[tilespmem:$0x19140] =	vst v63  }
0x5f: {  	s1 =	sshra.s32 s30, $0x2  }
0x60: {  	s30 =	sadd.s32 $0x400, s1  }
0x61: {  	[tilespmem:s29], [sflag:$0x2] =	stream.indirect.gather [hbm4b:s4+s18], $0x20, s30, s18, $0xb8;
	[tilespmem:$0x19140] =	vst v63  }
0x62: {  	s31 =	simm.s32 $0xFC00;
	s30 =	sadd.s32 $0x480, s1  }
0x63: {  	[tilespmem:s31], [sflag:$0x2] =	stream.indirect.gather [hbm4b:s4+s18], $0x20, s30, s18, $0xb8;
	[tilespmem:$0x19140] =	vst v63  }
0x64: {  	s30 =	sadd.s32 $0x500, s1;
	s31 =	simm.s32 $0x10C00  }
0x65: {  	[tilespmem:s31], [sflag:$0x2] =	stream.indirect.gather [hbm4b:s4+s18], $0x20, s30, s18, $0xb8;
	[tilespmem:$0x19140] =	vst v63  }
0x66: {  	s30 =	sadd.s32 $0x580, s1;
	s31 =	simm.s32 $0x11C00  }
0x67: {  	[tilespmem:s31], [sflag:$0x2] =	stream.indirect.gather [hbm4b:s4+s18], $0x20, s30, s18, $0xb8;
	[tilespmem:$0x19140] =	vst v63  }
0x68: {  	s30 =	sadd.s32 $0x600, s1  }
0x69: {  	[tilespmem:s0], [sflag:$0x2] =	stream.indirect.gather [hbm4b:s4+s18], $0x20, s30, s18, $0xb8;
	[tilespmem:$0x19140] =	vst v63  }
0x6a: {  	s30 =	sadd.s32 $0x680, s1  }
0x6b: {  	[tilespmem:s20], [sflag:$0x2] =	stream.indirect.gather [hbm4b:s4+s18], $0x20, s30, s18, $0xb8;
	[tilespmem:$0x19140] =	vst v63  }
0x6c: {  	s30 =	sadd.s32 $0x700, s1  }
0x6d: {  	[tilespmem:s21], [sflag:$0x2] =	stream.indirect.gather [hbm4b:s4+s18], $0x20, s30, s18, $0xb8;
	[tilespmem:$0x19140] =	vst v63  }
0x6e: {  	s30 =	sadd.s32 $0x780, s1  }
0x6f: {  	[tilespmem:s22], [sflag:$0x2] =	stream.indirect.gather [hbm4b:s4+s18], $0x20, s30, s18, $0xb8;
	[tilespmem:$0x19140] =	vst v63  }
0x70: {  	s30 =	sadd.s32 $0x800, s1  }
0x71: {  	[tilespmem:s23], [sflag:$0x2] =	stream.indirect.gather [hbm4b:s4+s18], $0x20, s30, s18, $0xb8;
	[tilespmem:$0x19140] =	vst v63  }
0x72: {  	s31 =	simm.s32 $0x0;
	s1 =	sadd.s32 $0x880, s1;
	s30 =	simm.s32 $0x0  }
0x73: {  	[tilespmem:s24], [sflag:$0x2] =	stream.indirect.gather [hbm4b:s4+s18], $0x20, s1, s18, $0xb8;
	[tilespmem:$0x19140] =	vst v63  }
.LBB2_3:
0x74: {  	v2 =	vmov s30  }
0x75: {  	s1 =	sshll.u32 s31, $0x4;
	v3 =	vand.u32 $0x1F, v2  }
0x76: {  	v2 =	vor.u32 s1, v0;
	v4 =	vbroadcast v3, $0x0  }
0x77: {  	v3 =	vshll.u32 v2, $0x5  }
0x78: {  	s1 =	simm.s32 $0x1;
	v4 =	vor.u32 v3, v4  }
0x79: {  	v5 =	vmov s1  }
0x7a: {  	v5 =	vand.u32 $0x1F, v5  }
0x7b: {  	v5 =	vbroadcast v5, $0x0;
	_ =	sdelay $0x1  }
0x7c: {  	v6 =	vor.u32 v3, v5;
	v8 =	vld.idx.msk [tilespmem:v4+s16+$0x0], $0xffff  }
0x7d: {  	s1 =	simm.s32 $0x2;
	v9 =	vld.idx.msk [tilespmem:v4+s17+$0x0], $0xffff  }
0x7e: {  	v4 =	vmov s1  }
0x7f: {  	v4 =	vand.u32 $0x1F, v4  }
0x80: {  	v7 =	vbroadcast v4, $0x0  }
0x81: {  	v4 =	vld.idx.msk [tilespmem:v6+s16+$0x0], $0xffff  }
0x82: {  	v5 =	vimm.f32 $0.0e+00;
	s1 =	simm.s32 $0x3;
	v6 =	vld.idx.msk [tilespmem:v6+s17+$0x0], $0xffff;
	v7 =	vor.u32 v3, v7;
	v8 =	vmul.f32 v9, v8  }
.LBB2_4:
0x83: {  	p0 =	sne.s32 s1, $0x1F  }
.Ltmp0:
0x84: {  	v9 =	vmov s1;
	v5 =	vadd.f32 v8, v5;
	(pc) =	sbr.rel @p0 .LBB2_4-.Ltmp0, $4  }
0x85: {  	s1 =	sadd.s32 $0x1, s1;
	v10 =	vand.u32 $0x1F, v9  }
0x86: {  	v9 =	vbroadcast v10, $0x0  }
0x87: {  	v8 =	vmov v4;
	v4 =	vld.idx.msk [tilespmem:v7+s16+$0x0], $0xffff  }
0x88: {  	v8 =	vmul.f32 v6, v8;
	v6 =	vld.idx.msk [tilespmem:v7+s17+$0x0], $0xffff;
	v7 =	vor.u32 v3, v9  }
0x89: {  	_ =	sdelay $0x3  }
0x8a: {  	v9 =	vld.idx.msk [tilespmem:v7+s16+$0x0], $0xffff  }
0x8b: {  	v7 =	vld.idx.msk [tilespmem:v7+s17+$0x0], $0xffff;
	_ =	sdelay $0x2  }
0x8c: {  	v5 =	vadd.f32 v8, v5;
	v4 =	vmul.f32 v6, v4  }
0x8d: {  	v6 =	vand.u32 v1, v2  }
0x8e: {  	v4 =	vadd.f32 v4, v5;
	v5 =	vmul.f32 v7, v9  }
0x8f: {  	v7 =	vor.u32 $0x1, v3  }
0x90: {  	v8 =	vor.u32 $0x2, v3;
	v4 =	vadd.f32 v5, v4  }
0x91: {  	v10 =	vor.u32 $0x3, v3  }
0x92: {  	[tilespmem:v6+s13+$0x0] =	vst.idx.msk $0xffff, v4;
	v4 =	vor.u32 $0x4, v3  }
0x93: {  	v11 =	vor.u32 $0x5, v3;
	v5 =	vld.idx.msk [tilespmem:v3+s16+$0x0], $0xffff  }
0x94: {  	v12 =	vor.u32 $0x6, v3;
	v6 =	vld.idx.msk [tilespmem:v7+s16+$0x0], $0xffff  }
0x95: {  	v14 =	vor.u32 $0x7, v3;
	v9 =	vld.idx.msk [tilespmem:v8+s16+$0x0], $0xffff  }
0x96: {  	v15 =	vor.u32 $0xA, v3;
	v13 =	vld.idx.msk [tilespmem:v10+s16+$0x0], $0xffff  }
0x97: {  	v7 =	vld.idx.msk [tilespmem:v4+s16+$0x0], $0xffff;
	v4 =	vor.u32 $0x9, v3  }
0x98: {  	v19 =	vor.u32 $0xC, v3;
	v8 =	vld.idx.msk [tilespmem:v11+s16+$0x0], $0xffff  }
0x99: {  	v20 =	vor.u32 $0xD, v3;
	v16 =	vld.idx.msk [tilespmem:v12+s16+$0x0], $0xffff  }
0x9a: {  	v2 =	vmul.u32 $0x14, v2;
	v10 =	vor.u32 $0x8, v3;
	v18 =	vld.idx.msk [tilespmem:v14+s16+$0x0], $0xffff  }
0x9b: {  	v17 =	vor.u32 $0xB, v3;
	s1 =	simm.s32 $0x0;
	v12 =	vld.idx.msk [tilespmem:v15+s16+$0x0], $0xffff  }
0x9c: {  	v22 =	vor.u32 $0xE, v3;
	v14 =	vld.idx.msk [tilespmem:v4+s16+$0x0], $0xffff;
	v4 =	vadd.s32 s1, v2  }
0x9d: {  	v15 =	vor.u32 $0xF, v3;
	v19 =	vld.idx.msk [tilespmem:v19+s16+$0x0], $0xffff;
	v21 =	vshll.u32 v4, $0x5  }
0x9e: {  	v20 =	vld.idx.msk [tilespmem:v20+s16+$0x0], $0xffff;
	v23 =	vor.u32 $0x3, v21  }
0x9f: {  	v11 =	vld.idx.msk [tilespmem:v10+s16+$0x0], $0xffff;
	v24 =	vor.u32 $0x7, v21  }
0xa0: {  	v10 =	vld.idx.msk [tilespmem:v17+s16+$0x0], $0xffff;
	v25 =	vor.u32 $0x2, v21  }
0xa1: {  	v17 =	vld.idx.msk [tilespmem:v22+s16+$0x0], $0xffff;
	v26 =	vor.u32 $0x6, v21  }
0xa2: {  	v15 =	vld.idx.msk [tilespmem:v15+s16+$0x0], $0xffff  }
0xa3: {  	v30 =	vor.u32 $0x1, v21;
	v22 =	vld.idx.msk [tilespmem:v23+s19+$0x0], $0xffff  }
0xa4: {  	v27 =	vor.u32 $0x4, v21;
	v24 =	vld.idx.msk [tilespmem:v24+s19+$0x0], $0xffff  }
0xa5: {  	v31 =	vor.u32 $0x5, v21;
	v23 =	vld.idx.msk [tilespmem:v25+s19+$0x0], $0xffff  }
0xa6: {  	v28 =	vor.u32 $0x8, v21;
	v25 =	vld.idx.msk [tilespmem:v26+s19+$0x0], $0xffff  }
0xa7: {  	s1 =	simm.s32 $0x1;
	v29 =	vor.u32 $0x9, v21;
	v26 =	vld.idx.msk [tilespmem:v21+s19+$0x0], $0xffff  }
.LBB2_6:
0xa8: {  	p0 =	sne.s32 s1, $0x13;
	v30 =	vld.idx.msk [tilespmem:v30+s19+$0x0], $0xffff;
	v32 =	vor.u32 $0xC, v21  }
0xa9: {  	v33 =	vor.u32 $0xD, v21;
	v27 =	vld.idx.msk [tilespmem:v27+s19+$0x0], $0xffff  }
0xaa: {  	v34 =	vor.u32 $0xA, v21;
	v31 =	vld.idx.msk [tilespmem:v31+s19+$0x0], $0xffff  }
0xab: {  	v35 =	vor.u32 $0xE, v21;
	v28 =	vld.idx.msk [tilespmem:v28+s19+$0x0], $0xffff  }
0xac: {  	v36 =	vor.u32 $0xB, v21;
	v29 =	vld.idx.msk [tilespmem:v29+s19+$0x0], $0xffff  }
0xad: {  	v21 =	vor.u32 $0xF, v21;
	v32 =	vld.idx.msk [tilespmem:v32+s19+$0x0], $0xffff  }
0xae: {  	v33 =	vld.idx.msk [tilespmem:v33+s19+$0x0], $0xffff  }
0xaf: {  	v22 =	vmul.f32 v22, v13;
	v24 =	vmul.f32 v24, v18;
	v34 =	vld.idx.msk [tilespmem:v34+s19+$0x0], $0xffff  }
0xb0: {  	v23 =	vmul.f32 v23, v9;
	v25 =	vmul.f32 v25, v16;
	v35 =	vld.idx.msk [tilespmem:v35+s19+$0x0], $0xffff  }
0xb1: {  	v26 =	vmul.f32 v26, v5;
	v30 =	vmul.f32 v30, v6;
	v36 =	vld.idx.msk [tilespmem:v36+s19+$0x0], $0xffff  }
0xb2: {  	v27 =	vmul.f32 v27, v7;
	v31 =	vmul.f32 v31, v8;
	v21 =	vld.idx.msk [tilespmem:v21+s19+$0x0], $0xffff  }
0xb3: {  	v28 =	vmul.f32 v28, v11;
	v29 =	vmul.f32 v29, v14  }
0xb4: {  	v32 =	vmul.f32 v32, v19;
	v33 =	vmul.f32 v33, v20  }
0xb5: {  	v26 =	vadd.f32 v30, v26;
	v27 =	vadd.f32 v31, v27;
	v30 =	vmul.f32 v34, v12  }
0xb6: {  	v28 =	vadd.f32 v29, v28;
	v29 =	vadd.f32 v33, v32;
	v31 =	vmul.f32 v35, v17  }
0xb7: {  	v23 =	vadd.f32 v23, v26;
	v25 =	vadd.f32 v25, v27;
	v26 =	vmul.f32 v36, v10  }
0xb8: {  	v27 =	vadd.f32 v30, v28;
	v28 =	vadd.f32 v31, v29;
	v21 =	vmul.f32 v21, v15  }
0xb9: {  	v22 =	vadd.f32 v22, v23;
	v23 =	vadd.f32 v24, v25  }
0xba: {  	v24 =	vadd.s32 s1, v2;
	v25 =	vadd.f32 v26, v27;
	v26 =	vadd.f32 v21, v28  }
0xbb: {  	v21 =	vshll.u32 v24, $0x5  }
0xbc: {  	v22 =	vadd.f32 v23, v22;
	v27 =	vor.u32 $0x3, v21;
	v23 =	vadd.f32 v26, v25  }
0xbd: {  	v25 =	vor.u32 $0x7, v21  }
0xbe: {  	v26 =	vor.u32 $0x2, v21;
	v22 =	vadd.f32 v23, v22  }
0xbf: {  	v28 =	vor.u32 $0x6, v21  }
0xc0: {  	[tilespmem:v4+s14+$0x0] =	vst.idx.msk $0xffff, v22;
	v4 =	vmov v24  }
.Ltmp1:
0xc1: {  	v30 =	vor.u32 $0x1, v21;
	v22 =	vld.idx.msk [tilespmem:v27+s19+$0x0], $0xffff;
	(pc) =	sbr.rel @p0 .LBB2_6-.Ltmp1, $4  }
0xc2: {  	v27 =	vor.u32 $0x4, v21;
	v24 =	vld.idx.msk [tilespmem:v25+s19+$0x0], $0xffff  }
0xc3: {  	v31 =	vor.u32 $0x5, v21;
	v23 =	vld.idx.msk [tilespmem:v26+s19+$0x0], $0xffff  }
0xc4: {  	v25 =	vld.idx.msk [tilespmem:v28+s19+$0x0], $0xffff;
	v28 =	vor.u32 $0x8, v21  }
0xc5: {  	s1 =	sadd.s32 $0x1, s1;
	v29 =	vor.u32 $0x9, v21;
	v26 =	vld.idx.msk [tilespmem:v21+s19+$0x0], $0xffff  }
0xc6: {  	_ =	sdelay $0x3  }
0xc7: {  	v30 =	vld.idx.msk [tilespmem:v30+s19+$0x0], $0xffff;
	v32 =	vor.u32 $0xC, v21  }
0xc8: {  	v27 =	vld.idx.msk [tilespmem:v27+s19+$0x0], $0xffff;
	v33 =	vor.u32 $0xD, v21  }
0xc9: {  	v31 =	vld.idx.msk [tilespmem:v31+s19+$0x0], $0xffff;
	v34 =	vor.u32 $0xA, v21  }
0xca: {  	v28 =	vld.idx.msk [tilespmem:v28+s19+$0x0], $0xffff;
	v35 =	vor.u32 $0xE, v21  }
0xcb: {  	v29 =	vld.idx.msk [tilespmem:v29+s19+$0x0], $0xffff;
	v36 =	vor.u32 $0xB, v21  }
0xcc: {  	v21 =	vor.u32 $0xF, v21;
	v32 =	vld.idx.msk [tilespmem:v32+s19+$0x0], $0xffff  }
0xcd: {  	v13 =	vmul.f32 v22, v13;
	v33 =	vld.idx.msk [tilespmem:v33+s19+$0x0], $0xffff  }
0xce: {  	v18 =	vmul.f32 v24, v18;
	v9 =	vmul.f32 v23, v9;
	v22 =	vld.idx.msk [tilespmem:v34+s19+$0x0], $0xffff  }
0xcf: {  	v5 =	vmul.f32 v26, v5;
	v23 =	vld.idx.msk [tilespmem:v35+s19+$0x0], $0xffff;
	v6 =	vmul.f32 v30, v6  }
0xd0: {  	v24 =	vld.idx.msk [tilespmem:v36+s19+$0x0], $0xffff;
	v7 =	vmul.f32 v27, v7;
	v8 =	vmul.f32 v31, v8  }
0xd1: {  	v21 =	vld.idx.msk [tilespmem:v21+s19+$0x0], $0xffff;
	v11 =	vmul.f32 v28, v11;
	v14 =	vmul.f32 v29, v14  }
0xd2: {  	v5 =	vadd.f32 v6, v5;
	v19 =	vmul.f32 v32, v19;
	v20 =	vmul.f32 v33, v20  }
0xd3: {  	v16 =	vmul.f32 v25, v16;
	v6 =	vadd.f32 v8, v7;
	v8 =	vadd.f32 v14, v11  }
0xd4: {  	v7 =	vmul.f32 v22, v12;
	v12 =	vmul.f32 v23, v17;
	v11 =	vadd.f32 v20, v19  }
0xd5: {  	v5 =	vadd.f32 v9, v5;
	v6 =	vadd.f32 v16, v6;
	v9 =	vmul.f32 v24, v10  }
0xd6: {  	v10 =	vmul.f32 v21, v15;
	v7 =	vadd.f32 v7, v8;
	v8 =	vadd.f32 v12, v11  }
0xd7: {  	v5 =	vadd.f32 v13, v5;
	v6 =	vadd.f32 v18, v6  }
0xd8: {  	v7 =	vadd.f32 v9, v7;
	v8 =	vadd.f32 v10, v8;
	_ =	sdelay $0x1  }
0xd9: {  	v5 =	vadd.f32 v6, v5;
	v6 =	vadd.f32 v8, v7;
	v7 =	vor.u32 $0x10, v3  }
0xda: {  	v8 =	vor.u32 $0x11, v3  }
0xdb: {  	v9 =	vor.u32 $0x12, v3;
	v5 =	vadd.f32 v6, v5  }
0xdc: {  	v10 =	vor.u32 $0x13, v3  }
0xdd: {  	[tilespmem:v4+s14+$0x0] =	vst.idx.msk $0xffff, v5;
	v4 =	vor.u32 $0x14, v3  }
0xde: {  	v11 =	vor.u32 $0x15, v3;
	v5 =	vld.idx.msk [tilespmem:v7+s16+$0x0], $0xffff  }
0xdf: {  	v13 =	vor.u32 $0x16, v3;
	v6 =	vld.idx.msk [tilespmem:v8+s16+$0x0], $0xffff  }
0xe0: {  	v14 =	vor.u32 $0x17, v3;
	v9 =	vld.idx.msk [tilespmem:v9+s16+$0x0], $0xffff  }
0xe1: {  	v19 =	vor.u32 $0x1D, v3;
	v12 =	vld.idx.msk [tilespmem:v10+s16+$0x0], $0xffff  }
0xe2: {  	v7 =	vld.idx.msk [tilespmem:v4+s16+$0x0], $0xffff;
	v4 =	vor.u32 $0x19, v3  }
0xe3: {  	v16 =	vor.u32 $0x1B, v3;
	v8 =	vld.idx.msk [tilespmem:v11+s16+$0x0], $0xffff  }
0xe4: {  	v21 =	vor.u32 $0x1E, v3;
	v15 =	vld.idx.msk [tilespmem:v13+s16+$0x0], $0xffff  }
0xe5: {  	v10 =	vor.u32 $0x18, v3;
	v17 =	vld.idx.msk [tilespmem:v14+s16+$0x0], $0xffff  }
0xe6: {  	s1 =	simm.s32 $0x0;
	v11 =	vor.u32 $0x1A, v3;
	v19 =	vld.idx.msk [tilespmem:v19+s16+$0x0], $0xffff  }
0xe7: {  	v14 =	vor.u32 $0x1C, v3;
	v13 =	vld.idx.msk [tilespmem:v4+s16+$0x0], $0xffff;
	v4 =	vadd.s32 s1, v2  }
0xe8: {  	v22 =	vor.u32 $0x1F, v3;
	v3 =	vld.idx.msk [tilespmem:v16+s16+$0x0], $0xffff;
	v20 =	vshll.u32 v4, $0x5  }
0xe9: {  	v16 =	vld.idx.msk [tilespmem:v21+s16+$0x0], $0xffff;
	v23 =	vor.u32 $0x13, v20  }
0xea: {  	v10 =	vld.idx.msk [tilespmem:v10+s16+$0x0], $0xffff;
	v24 =	vor.u32 $0x17, v20  }
0xeb: {  	v11 =	vld.idx.msk [tilespmem:v11+s16+$0x0], $0xffff;
	v25 =	vor.u32 $0x12, v20  }
0xec: {  	v18 =	vld.idx.msk [tilespmem:v14+s16+$0x0], $0xffff;
	v27 =	vor.u32 $0x16, v20  }
0xed: {  	v14 =	vld.idx.msk [tilespmem:v22+s16+$0x0], $0xffff;
	v28 =	vor.u32 $0x10, v20  }
0xee: {  	v29 =	vor.u32 $0x11, v20;
	v21 =	vld.idx.msk [tilespmem:v23+s19+$0x0], $0xffff  }
0xef: {  	v26 =	vor.u32 $0x14, v20;
	v23 =	vld.idx.msk [tilespmem:v24+s19+$0x0], $0xffff  }
0xf0: {  	v30 =	vor.u32 $0x15, v20;
	v22 =	vld.idx.msk [tilespmem:v25+s19+$0x0], $0xffff  }
0xf1: {  	v24 =	vld.idx.msk [tilespmem:v27+s19+$0x0], $0xffff;
	v27 =	vor.u32 $0x18, v20  }
0xf2: {  	s1 =	simm.s32 $0x1;
	v25 =	vld.idx.msk [tilespmem:v28+s19+$0x0], $0xffff;
	v28 =	vor.u32 $0x19, v20  }
.LBB2_8:
0xf3: {  	p0 =	sne.s32 s1, $0x13;
	v29 =	vld.idx.msk [tilespmem:v29+s19+$0x0], $0xffff;
	v31 =	vor.u32 $0x1C, v20  }
0xf4: {  	v32 =	vor.u32 $0x1D, v20;
	v26 =	vld.idx.msk [tilespmem:v26+s19+$0x0], $0xffff  }
0xf5: {  	v33 =	vor.u32 $0x1A, v20;
	v30 =	vld.idx.msk [tilespmem:v30+s19+$0x0], $0xffff  }
0xf6: {  	v34 =	vor.u32 $0x1E, v20;
	v27 =	vld.idx.msk [tilespmem:v27+s19+$0x0], $0xffff  }
0xf7: {  	v35 =	vor.u32 $0x1B, v20;
	v28 =	vld.idx.msk [tilespmem:v28+s19+$0x0], $0xffff  }
0xf8: {  	v20 =	vor.u32 $0x1F, v20;
	v31 =	vld.idx.msk [tilespmem:v31+s19+$0x0], $0xffff  }
0xf9: {  	v32 =	vld.idx.msk [tilespmem:v32+s19+$0x0], $0xffff  }
0xfa: {  	v21 =	vmul.f32 v21, v12;
	v23 =	vmul.f32 v23, v17;
	v33 =	vld.idx.msk [tilespmem:v33+s19+$0x0], $0xffff  }
0xfb: {  	v22 =	vmul.f32 v22, v9;
	v24 =	vmul.f32 v24, v15;
	v34 =	vld.idx.msk [tilespmem:v34+s19+$0x0], $0xffff  }
0xfc: {  	v25 =	vmul.f32 v25, v5;
	v29 =	vmul.f32 v29, v6;
	v35 =	vld.idx.msk [tilespmem:v35+s19+$0x0], $0xffff  }
0xfd: {  	v26 =	vmul.f32 v26, v7;
	v30 =	vmul.f32 v30, v8;
	v20 =	vld.idx.msk [tilespmem:v20+s19+$0x0], $0xffff  }
0xfe: {  	v27 =	vmul.f32 v27, v10;
	v28 =	vmul.f32 v28, v13  }
0xff: {  	v31 =	vmul.f32 v31, v18;
	v32 =	vmul.f32 v32, v19  }
0x100: {  	v25 =	vadd.f32 v29, v25;
	v26 =	vadd.f32 v30, v26;
	v29 =	vmul.f32 v33, v11  }
0x101: {  	v27 =	vadd.f32 v28, v27;
	v28 =	vadd.f32 v32, v31;
	v30 =	vmul.f32 v34, v16  }
0x102: {  	v22 =	vadd.f32 v22, v25;
	v24 =	vadd.f32 v24, v26;
	v25 =	vmul.f32 v35, v3  }
0x103: {  	v26 =	vadd.f32 v29, v27;
	v27 =	vadd.f32 v30, v28;
	v20 =	vmul.f32 v20, v14  }
0x104: {  	v21 =	vadd.f32 v21, v22;
	v22 =	vadd.f32 v23, v24  }
0x105: {  	v23 =	vadd.s32 s1, v2;
	v24 =	vadd.f32 v25, v26;
	v25 =	vadd.f32 v20, v27  }
0x106: {  	v20 =	vshll.u32 v23, $0x5  }
0x107: {  	v21 =	vadd.f32 v22, v21;
	v26 =	vor.u32 $0x13, v20;
	v22 =	vadd.f32 v25, v24  }
0x108: {  	v24 =	vor.u32 $0x17, v20  }
0x109: {  	v25 =	vor.u32 $0x12, v20;
	v21 =	vadd.f32 v22, v21  }
0x10a: {  	v27 =	vor.u32 $0x16, v20  }
0x10b: {  	v28 =	vor.u32 $0x10, v20;
	[tilespmem:v4+s14+$0x0] =	vst.idx.add.f32.msk $0xffff, v21;
	v4 =	vmov v23  }
.Ltmp2:
0x10c: {  	v29 =	vor.u32 $0x11, v20;
	v21 =	vld.idx.msk [tilespmem:v26+s19+$0x0], $0xffff;
	(pc) =	sbr.rel @p0 .LBB2_8-.Ltmp2, $4  }
0x10d: {  	v26 =	vor.u32 $0x14, v20;
	v23 =	vld.idx.msk [tilespmem:v24+s19+$0x0], $0xffff  }
0x10e: {  	v30 =	vor.u32 $0x15, v20;
	v22 =	vld.idx.msk [tilespmem:v25+s19+$0x0], $0xffff  }
0x10f: {  	v24 =	vld.idx.msk [tilespmem:v27+s19+$0x0], $0xffff;
	v27 =	vor.u32 $0x18, v20  }
0x110: {  	s1 =	sadd.s32 $0x1, s1;
	v25 =	vld.idx.msk [tilespmem:v28+s19+$0x0], $0xffff;
	v28 =	vor.u32 $0x19, v20  }
0x111: {  	_ =	sdelay $0x3  }
0x112: {  	v2 =	vld.idx.msk [tilespmem:v29+s19+$0x0], $0xffff;
	v50 =	vor.u32 $0x1C, v20  }
0x113: {  	v26 =	vld.idx.msk [tilespmem:v26+s19+$0x0], $0xffff;
	v31 =	vor.u32 $0x1D, v20  }
0x114: {  	v30 =	vld.idx.msk [tilespmem:v30+s19+$0x0], $0xffff;
	v32 =	vor.u32 $0x1A, v20  }
0x115: {  	v27 =	vld.idx.msk [tilespmem:v27+s19+$0x0], $0xffff;
	v33 =	vor.u32 $0x1E, v20  }
0x116: {  	v28 =	vld.idx.msk [tilespmem:v28+s19+$0x0], $0xffff;
	v34 =	vor.u32 $0x1B, v20  }
0x117: {  	v51 =	vor.u32 $0x1F, v20;
	v29 =	vld.idx.msk [tilespmem:v50+s19+$0x0], $0xffff  }
0x118: {  	v12 =	vmul.f32 v21, v12;
	v31 =	vld.idx.msk [tilespmem:v31+s19+$0x0], $0xffff  }
0x119: {  	v17 =	vmul.f32 v23, v17;
	v9 =	vmul.f32 v22, v9;
	v52 =	vld.idx.msk [tilespmem:v32+s19+$0x0], $0xffff  }
0x11a: {  	v5 =	vmul.f32 v25, v5;
	v53 =	vld.idx.msk [tilespmem:v33+s19+$0x0], $0xffff;
	v2 =	vmul.f32 v2, v6  }
0x11b: {  	v54 =	vld.idx.msk [tilespmem:v34+s19+$0x0], $0xffff;
	v7 =	vmul.f32 v26, v7;
	v8 =	vmul.f32 v30, v8  }
0x11c: {  	v20 =	vld.idx.msk [tilespmem:v51+s19+$0x0], $0xffff;
	v10 =	vmul.f32 v27, v10;
	v13 =	vmul.f32 v28, v13  }
0x11d: {  	v2 =	vadd.f32 v2, v5;
	v18 =	vmul.f32 v29, v18;
	v19 =	vmul.f32 v31, v19  }
0x11e: {  	v15 =	vmul.f32 v24, v15;
	v55 =	vadd.f32 v8, v7;
	v57 =	vadd.f32 v13, v10  }
0x11f: {  	v56 =	vmul.f32 v52, v11;
	v59 =	vmul.f32 v53, v16;
	v58 =	vadd.f32 v19, v18  }
0x120: {  	v2 =	vadd.f32 v9, v2;
	v5 =	vadd.f32 v15, v55;
	v3 =	vmul.f32 v54, v3  }
0x121: {  	v62 =	vmul.f32 v20, v14;
	v60 =	vadd.f32 v56, v57;
	v61 =	vadd.f32 v59, v58  }
0x122: {  	v2 =	vadd.f32 v12, v2;
	v5 =	vadd.f32 v17, v5  }
0x123: {  	s31 =	sadd.s32 $0x1, s31;
	v3 =	vadd.f32 v3, v60;
	v63 =	vadd.f32 v62, v61  }
0x124: {  	p0 =	sne.s32 s31, $0x4  }
.Ltmp3:
0x125: {  	v2 =	vadd.f32 v5, v2;
	v3 =	vadd.f32 v63, v3;
	(pc) =	sbr.rel @p0 .LBB2_3-.Ltmp3, $3  }
0x126: {  	_ = 	snop  }
0x127: {  	v2 =	vadd.f32 v3, v2;
	_ =	sdelay $0x1  }
0x128: {  	[tilespmem:v4+s14+$0x0] =	vst.idx.add.f32.msk $0xffff, v2  }
0x129: {  	s1 =	sor.u32 s7, s9  }
0x12a: {  	s30 =	sshrl.u32 s1, $0x3  }
0x12b: {  	s1 =	smul.u32 $0x14, s1;
	s30 =	sadd.s32 s5, s30  }
0x12c: {  	[hbm4b:s30+s2] =	stream.linear.scatter [tilespmem:s13], [sflag:$0x3], $0x40, $0x38;
	[tilespmem:$0x19140] =	vst v63  }
0x12d: {  	_ =	swait.ge [sflag:s12], $0x40  }
0x12e: {  	s1 =	sshrl.u32 s1, $0x3;
	[sflag:s12] =	ssyncset.done $0x0  }
0x12f: {  	s1 =	sadd.s32 s6, s1;
	[sflag:s12] =	ssyncadd.s32 $0xFFFFFFC0  }
0x130: {  	[hbm4b:s1+s2] =	stream.linear.scatter [tilespmem:s14], [sflag:$0x3], $0x500, $0x38;
	[tilespmem:$0x19140] =	vst v63  }
0x131: {  	_ =	swait.ge [sflag:s12], $0x500  }
0x132: {  	[sflag:s12] =	ssyncset.done $0x0  }
0x133: {  	[sflag:s12] =	ssyncadd.s32 $0xFFFFFB00  }
0x134: {  	_ =	swait.ge [sflag:s8], $0x800  }
0x135: {  	[sflag:s8] =	ssyncset.done $0x0  }
0x136: {  	[sflag:s8] =	ssyncadd.s32 $0xFFFFF800  }
0x137: {  	_ =	swait.ge [sflag:s8], $0x800  }
0x138: {  	[sflag:s8] =	ssyncset.done $0x0  }
0x139: {  	[sflag:s8] =	ssyncadd.s32 $0xFFFFF800  }
0x13a: {  	_ =	swait.ge [sflag:s8], $0x1000  }
0x13b: {  	[sflag:s8] =	ssyncset.done $0x0  }
0x13c: {  	[sflag:s8] =	ssyncadd.s32 $0xFFFFF000  }
0x13d: {  	_ =	swait.ge [sflag:s8], $0x1000  }
0x13e: {  	[sflag:s8] =	ssyncset.done $0x0  }
0x13f: {  	[sflag:s8] =	ssyncadd.s32 $0xFFFFF000  }
0x140: {  	_ =	swait.ge [sflag:s8], $0x1000  }
0x141: {  	[sflag:s8] =	ssyncset.done $0x0  }
0x142: {  	[sflag:s8] =	ssyncadd.s32 $0xFFFFF000  }
0x143: {  	_ =	swait.ge [sflag:s8], $0x1000  }
0x144: {  	[sflag:s8] =	ssyncset.done $0x0  }
0x145: {  	[sflag:s8] =	ssyncadd.s32 $0xFFFFF000  }
0x146: {  	_ =	swait.ge [sflag:s8], $0x1000  }
0x147: {  	[sflag:s8] =	ssyncset.done $0x0  }
0x148: {  	[sflag:s8] =	ssyncadd.s32 $0xFFFFF000  }
0x149: {  	_ =	swait.ge [sflag:s8], $0x1000  }
0x14a: {  	[sflag:s8] =	ssyncset.done $0x0  }
0x14b: {  	[sflag:s8] =	ssyncadd.s32 $0xFFFFF000  }
0x14c: {  	_ =	swait.ge [sflag:s8], $0x1000  }
0x14d: {  	[sflag:s8] =	ssyncset.done $0x0  }
0x14e: {  	[sflag:s8] =	ssyncadd.s32 $0xFFFFF000  }
0x14f: {  	_ =	swait.ge [sflag:s8], $0x1000  }
0x150: {  	[sflag:s8] =	ssyncset.done $0x0  }
0x151: {  	[sflag:s8] =	ssyncadd.s32 $0xFFFFF000  }
0x152: {  	_ =	swait.ge [sflag:s8], $0x1000  }
0x153: {  	[sflag:s8] =	ssyncset.done $0x0  }
0x154: {  	[sflag:s8] =	ssyncadd.s32 $0xFFFFF000  }
0x155: {  	p0 =	seq.s32 s10, $0x3;
	_ =	swait.ge [sflag:s8], $0x1000  }
0x156: {  	s31 =	simm.s32 @!p0 $0x2C00;
	[sflag:s8] =	ssyncset.done $0x0  }
0x157: {  	s30 =	simm.s32 @!p0 $0x40;
	s1 =	sadd.s32 @!p0 $0x80, s9;
	[sflag:s8] =	ssyncadd.s32 $0xFFFFF000  }
0x158: {  	[tilespmem:s31], [sflag:$0x1] =	stream.indirect.gather @!p0 [hbm4b:s3+s30], $0x20, s1, s30, $0xb8;
	[tilespmem:$0x19140] =	vst v63  }
0x159: {  	s9 =	sadd.s32 @!p0 $0x280, s9;
	s31 =	simm.s32 @!p0 $0x3400;
	s1 =	smul.u32 @!p0 $0x50, s1  }
0x15a: {  	[tilespmem:s31], [sflag:$0x1] =	stream.indirect.gather @!p0 [hbm4b:s4+s30], $0x20, s9, s30, $0xb8;
	[tilespmem:$0x19140] =	vst v63  }
0x15b: {  	s1 =	sshra.s32 @!p0 s1, $0x2  }
0x15c: {  	s30 =	simm.s32 @!p0 $0x80;
	s31 =	simm.s32 @!p0 $0x3C00;
	s9 =	sadd.s32 @!p0 $0x400, s1  }
0x15d: {  	[tilespmem:s31], [sflag:$0x1] =	stream.indirect.gather @!p0 [hbm4b:s4+s30], $0x20, s9, s30, $0xb8;
	[tilespmem:$0x19140] =	vst v63  }
0x15e: {  	s9 =	sadd.s32 @!p0 $0x480, s1;
	s31 =	simm.s32 @!p0 $0x4C00  }
0x15f: {  	[tilespmem:s31], [sflag:$0x1] =	stream.indirect.gather @!p0 [hbm4b:s4+s30], $0x20, s9, s30, $0xb8;
	[tilespmem:$0x19140] =	vst v63  }
0x160: {  	s9 =	sadd.s32 @!p0 $0x500, s1;
	s31 =	simm.s32 @!p0 $0x5C00  }
0x161: {  	[tilespmem:s31], [sflag:$0x1] =	stream.indirect.gather @!p0 [hbm4b:s4+s30], $0x20, s9, s30, $0xb8;
	[tilespmem:$0x19140] =	vst v63  }
0x162: {  	s9 =	sadd.s32 @!p0 $0x580, s1;
	s31 =	simm.s32 @!p0 $0x6C00  }
0x163: {  	[tilespmem:s31], [sflag:$0x1] =	stream.indirect.gather @!p0 [hbm4b:s4+s30], $0x20, s9, s30, $0xb8;
	[tilespmem:$0x19140] =	vst v63  }
0x164: {  	s9 =	sadd.s32 @!p0 $0x600, s1;
	s31 =	simm.s32 @!p0 $0x7C00  }
0x165: {  	[tilespmem:s31], [sflag:$0x1] =	stream.indirect.gather @!p0 [hbm4b:s4+s30], $0x20, s9, s30, $0xb8;
	[tilespmem:$0x19140] =	vst v63  }
0x166: {  	s9 =	sadd.s32 @!p0 $0x680, s1;
	s31 =	simm.s32 @!p0 $0x8C00  }
0x167: {  	[tilespmem:s31], [sflag:$0x1] =	stream.indirect.gather @!p0 [hbm4b:s4+s30], $0x20, s9, s30, $0xb8;
	[tilespmem:$0x19140] =	vst v63  }
0x168: {  	s9 =	sadd.s32 @!p0 $0x700, s1;
	s31 =	simm.s32 @!p0 $0x9C00  }
0x169: {  	[tilespmem:s31], [sflag:$0x1] =	stream.indirect.gather @!p0 [hbm4b:s4+s30], $0x20, s9, s30, $0xb8;
	[tilespmem:$0x19140] =	vst v63  }
0x16a: {  	s9 =	sadd.s32 @!p0 $0x780, s1;
	s31 =	simm.s32 @!p0 $0xAC00  }
0x16b: {  	[tilespmem:s31], [sflag:$0x1] =	stream.indirect.gather @!p0 [hbm4b:s4+s30], $0x20, s9, s30, $0xb8;
	[tilespmem:$0x19140] =	vst v63  }
0x16c: {  	s9 =	sadd.s32 @!p0 $0x800, s1;
	s31 =	simm.s32 @!p0 $0xBC00  }
0x16d: {  	[tilespmem:s31], [sflag:$0x1] =	stream.indirect.gather @!p0 [hbm4b:s4+s30], $0x20, s9, s30, $0xb8;
	[tilespmem:$0x19140] =	vst v63  }
0x16e: {  	s1 =	sadd.s32 @!p0 $0x880, s1;
	s9 =	simm.s32 @!p0 $0xCC00  }
0x16f: {  	[tilespmem:s9], [sflag:$0x1] =	stream.indirect.gather @!p0 [hbm4b:s4+s30], $0x20, s1, s30, $0xb8;
	[tilespmem:$0x19140] =	vst v63  }
0x170: {  	s9 =	simm.s32 $0x0;
	s30 =	simm.s32 $0x0  }
.LBB2_11:
0x171: {  	v2 =	vmov s9  }
0x172: {  	s1 =	sshll.u32 s30, $0x4;
	v3 =	vand.u32 $0x1F, v2  }
0x173: {  	v2 =	vor.u32 s1, v0;
	v4 =	vbroadcast v3, $0x0  }
0x174: {  	v3 =	vshll.u32 v2, $0x5  }
0x175: {  	s31 =	simm.s32 $0x1;
	v4 =	vor.u32 v3, v4  }
0x176: {  	v5 =	vmov s31  }
0x177: {  	v5 =	vand.u32 $0x1F, v5  }
0x178: {  	v5 =	vbroadcast v5, $0x0;
	_ =	sdelay $0x1  }
0x179: {  	v6 =	vor.u32 v3, v5;
	v8 =	vld.idx.msk [tilespmem:v4+s26+$0x0], $0xffff  }
0x17a: {  	s31 =	simm.s32 $0x2;
	v9 =	vld.idx.msk [tilespmem:v4+s28+$0x0], $0xffff  }
0x17b: {  	v4 =	vmov s31  }
0x17c: {  	v4 =	vand.u32 $0x1F, v4  }
0x17d: {  	v7 =	vbroadcast v4, $0x0  }
0x17e: {  	v4 =	vld.idx.msk [tilespmem:v6+s26+$0x0], $0xffff  }
0x17f: {  	s1 =	simm.s32 $0x3;
	v5 =	vimm.f32 $0.0e+00;
	v6 =	vld.idx.msk [tilespmem:v6+s28+$0x0], $0xffff;
	v7 =	vor.u32 v3, v7;
	v8 =	vmul.f32 v9, v8  }
.LBB2_12:
0x180: {  	p0 =	sne.s32 s1, $0x1F  }
.Ltmp4:
0x181: {  	v9 =	vmov s1;
	v5 =	vadd.f32 v8, v5;
	(pc) =	sbr.rel @p0 .LBB2_12-.Ltmp4, $4  }
0x182: {  	s1 =	sadd.s32 $0x1, s1;
	v10 =	vand.u32 $0x1F, v9  }
0x183: {  	v9 =	vbroadcast v10, $0x0  }
0x184: {  	v8 =	vmov v4;
	v4 =	vld.idx.msk [tilespmem:v7+s26+$0x0], $0xffff  }
0x185: {  	v8 =	vmul.f32 v6, v8;
	v6 =	vld.idx.msk [tilespmem:v7+s28+$0x0], $0xffff;
	v7 =	vor.u32 v3, v9  }
0x186: {  	_ =	sdelay $0x3  }
0x187: {  	v9 =	vld.idx.msk [tilespmem:v7+s26+$0x0], $0xffff  }
0x188: {  	v7 =	vld.idx.msk [tilespmem:v7+s28+$0x0], $0xffff;
	_ =	sdelay $0x2  }
0x189: {  	v5 =	vadd.f32 v8, v5;
	v4 =	vmul.f32 v6, v4  }
0x18a: {  	v6 =	vand.u32 v1, v2  }
0x18b: {  	v4 =	vadd.f32 v4, v5;
	v5 =	vmul.f32 v7, v9  }
0x18c: {  	v7 =	vor.u32 $0x1, v3  }
0x18d: {  	v8 =	vor.u32 $0x2, v3;
	v4 =	vadd.f32 v5, v4  }
0x18e: {  	v10 =	vor.u32 $0x3, v3  }
0x18f: {  	[tilespmem:v6+s13+$0x0] =	vst.idx.msk $0xffff, v4;
	v4 =	vor.u32 $0x4, v3  }
0x190: {  	v11 =	vor.u32 $0x5, v3;
	v5 =	vld.idx.msk [tilespmem:v3+s26+$0x0], $0xffff  }
0x191: {  	v12 =	vor.u32 $0x6, v3;
	v6 =	vld.idx.msk [tilespmem:v7+s26+$0x0], $0xffff  }
0x192: {  	v14 =	vor.u32 $0x7, v3;
	v9 =	vld.idx.msk [tilespmem:v8+s26+$0x0], $0xffff  }
0x193: {  	v15 =	vor.u32 $0xA, v3;
	v13 =	vld.idx.msk [tilespmem:v10+s26+$0x0], $0xffff  }
0x194: {  	v7 =	vld.idx.msk [tilespmem:v4+s26+$0x0], $0xffff;
	v4 =	vor.u32 $0x9, v3  }
0x195: {  	v19 =	vor.u32 $0xC, v3;
	v8 =	vld.idx.msk [tilespmem:v11+s26+$0x0], $0xffff  }
0x196: {  	v20 =	vor.u32 $0xD, v3;
	v16 =	vld.idx.msk [tilespmem:v12+s26+$0x0], $0xffff  }
0x197: {  	v2 =	vmul.u32 $0x14, v2;
	v10 =	vor.u32 $0x8, v3;
	v18 =	vld.idx.msk [tilespmem:v14+s26+$0x0], $0xffff  }
0x198: {  	v17 =	vor.u32 $0xB, v3;
	s1 =	simm.s32 $0x0;
	v12 =	vld.idx.msk [tilespmem:v15+s26+$0x0], $0xffff  }
0x199: {  	v22 =	vor.u32 $0xE, v3;
	v14 =	vld.idx.msk [tilespmem:v4+s26+$0x0], $0xffff;
	v4 =	vadd.s32 s1, v2  }
0x19a: {  	v15 =	vor.u32 $0xF, v3;
	v19 =	vld.idx.msk [tilespmem:v19+s26+$0x0], $0xffff;
	v21 =	vshll.u32 v4, $0x5  }
0x19b: {  	v20 =	vld.idx.msk [tilespmem:v20+s26+$0x0], $0xffff;
	v23 =	vor.u32 $0x3, v21  }
0x19c: {  	v11 =	vld.idx.msk [tilespmem:v10+s26+$0x0], $0xffff;
	v24 =	vor.u32 $0x7, v21  }
0x19d: {  	v10 =	vld.idx.msk [tilespmem:v17+s26+$0x0], $0xffff;
	v25 =	vor.u32 $0x2, v21  }
0x19e: {  	v17 =	vld.idx.msk [tilespmem:v22+s26+$0x0], $0xffff;
	v26 =	vor.u32 $0x6, v21  }
0x19f: {  	v15 =	vld.idx.msk [tilespmem:v15+s26+$0x0], $0xffff  }
0x1a0: {  	v30 =	vor.u32 $0x1, v21;
	v22 =	vld.idx.msk [tilespmem:v23+s29+$0x0], $0xffff  }
0x1a1: {  	v27 =	vor.u32 $0x4, v21;
	v24 =	vld.idx.msk [tilespmem:v24+s29+$0x0], $0xffff  }
0x1a2: {  	v31 =	vor.u32 $0x5, v21;
	v23 =	vld.idx.msk [tilespmem:v25+s29+$0x0], $0xffff  }
0x1a3: {  	v28 =	vor.u32 $0x8, v21;
	v25 =	vld.idx.msk [tilespmem:v26+s29+$0x0], $0xffff  }
0x1a4: {  	s1 =	simm.s32 $0x1;
	v29 =	vor.u32 $0x9, v21;
	v26 =	vld.idx.msk [tilespmem:v21+s29+$0x0], $0xffff  }
.LBB2_14:
0x1a5: {  	p0 =	sne.s32 s1, $0x13;
	v30 =	vld.idx.msk [tilespmem:v30+s29+$0x0], $0xffff;
	v32 =	vor.u32 $0xC, v21  }
0x1a6: {  	v33 =	vor.u32 $0xD, v21;
	v27 =	vld.idx.msk [tilespmem:v27+s29+$0x0], $0xffff  }
0x1a7: {  	v34 =	vor.u32 $0xA, v21;
	v31 =	vld.idx.msk [tilespmem:v31+s29+$0x0], $0xffff  }
0x1a8: {  	v35 =	vor.u32 $0xE, v21;
	v28 =	vld.idx.msk [tilespmem:v28+s29+$0x0], $0xffff  }
0x1a9: {  	v36 =	vor.u32 $0xB, v21;
	v29 =	vld.idx.msk [tilespmem:v29+s29+$0x0], $0xffff  }
0x1aa: {  	v21 =	vor.u32 $0xF, v21;
	v32 =	vld.idx.msk [tilespmem:v32+s29+$0x0], $0xffff  }
0x1ab: {  	v33 =	vld.idx.msk [tilespmem:v33+s29+$0x0], $0xffff  }
0x1ac: {  	v22 =	vmul.f32 v22, v13;
	v24 =	vmul.f32 v24, v18;
	v34 =	vld.idx.msk [tilespmem:v34+s29+$0x0], $0xffff  }
0x1ad: {  	v23 =	vmul.f32 v23, v9;
	v25 =	vmul.f32 v25, v16;
	v35 =	vld.idx.msk [tilespmem:v35+s29+$0x0], $0xffff  }
0x1ae: {  	v26 =	vmul.f32 v26, v5;
	v30 =	vmul.f32 v30, v6;
	v36 =	vld.idx.msk [tilespmem:v36+s29+$0x0], $0xffff  }
0x1af: {  	v27 =	vmul.f32 v27, v7;
	v31 =	vmul.f32 v31, v8;
	v21 =	vld.idx.msk [tilespmem:v21+s29+$0x0], $0xffff  }
0x1b0: {  	v28 =	vmul.f32 v28, v11;
	v29 =	vmul.f32 v29, v14  }
0x1b1: {  	v32 =	vmul.f32 v32, v19;
	v33 =	vmul.f32 v33, v20  }
0x1b2: {  	v26 =	vadd.f32 v30, v26;
	v27 =	vadd.f32 v31, v27;
	v30 =	vmul.f32 v34, v12  }
0x1b3: {  	v28 =	vadd.f32 v29, v28;
	v29 =	vadd.f32 v33, v32;
	v31 =	vmul.f32 v35, v17  }
0x1b4: {  	v23 =	vadd.f32 v23, v26;
	v25 =	vadd.f32 v25, v27;
	v26 =	vmul.f32 v36, v10  }
0x1b5: {  	v27 =	vadd.f32 v30, v28;
	v28 =	vadd.f32 v31, v29;
	v21 =	vmul.f32 v21, v15  }
0x1b6: {  	v22 =	vadd.f32 v22, v23;
	v23 =	vadd.f32 v24, v25  }
0x1b7: {  	v24 =	vadd.s32 s1, v2;
	v25 =	vadd.f32 v26, v27;
	v26 =	vadd.f32 v21, v28  }
0x1b8: {  	v21 =	vshll.u32 v24, $0x5  }
0x1b9: {  	v22 =	vadd.f32 v23, v22;
	v27 =	vor.u32 $0x3, v21;
	v23 =	vadd.f32 v26, v25  }
0x1ba: {  	v25 =	vor.u32 $0x7, v21  }
0x1bb: {  	v26 =	vor.u32 $0x2, v21;
	v22 =	vadd.f32 v23, v22  }
0x1bc: {  	v28 =	vor.u32 $0x6, v21  }
0x1bd: {  	[tilespmem:v4+s14+$0x0] =	vst.idx.msk $0xffff, v22;
	v4 =	vmov v24  }
.Ltmp5:
0x1be: {  	v30 =	vor.u32 $0x1, v21;
	v22 =	vld.idx.msk [tilespmem:v27+s29+$0x0], $0xffff;
	(pc) =	sbr.rel @p0 .LBB2_14-.Ltmp5, $4  }
0x1bf: {  	v27 =	vor.u32 $0x4, v21;
	v24 =	vld.idx.msk [tilespmem:v25+s29+$0x0], $0xffff  }
0x1c0: {  	v31 =	vor.u32 $0x5, v21;
	v23 =	vld.idx.msk [tilespmem:v26+s29+$0x0], $0xffff  }
0x1c1: {  	v25 =	vld.idx.msk [tilespmem:v28+s29+$0x0], $0xffff;
	v28 =	vor.u32 $0x8, v21  }
0x1c2: {  	s1 =	sadd.s32 $0x1, s1;
	v29 =	vor.u32 $0x9, v21;
	v26 =	vld.idx.msk [tilespmem:v21+s29+$0x0], $0xffff  }
0x1c3: {  	_ =	sdelay $0x3  }
0x1c4: {  	v30 =	vld.idx.msk [tilespmem:v30+s29+$0x0], $0xffff;
	v32 =	vor.u32 $0xC, v21  }
0x1c5: {  	v27 =	vld.idx.msk [tilespmem:v27+s29+$0x0], $0xffff;
	v33 =	vor.u32 $0xD, v21  }
0x1c6: {  	v31 =	vld.idx.msk [tilespmem:v31+s29+$0x0], $0xffff;
	v34 =	vor.u32 $0xA, v21  }
0x1c7: {  	v28 =	vld.idx.msk [tilespmem:v28+s29+$0x0], $0xffff;
	v35 =	vor.u32 $0xE, v21  }
0x1c8: {  	v29 =	vld.idx.msk [tilespmem:v29+s29+$0x0], $0xffff;
	v36 =	vor.u32 $0xB, v21  }
0x1c9: {  	v21 =	vor.u32 $0xF, v21;
	v32 =	vld.idx.msk [tilespmem:v32+s29+$0x0], $0xffff  }
0x1ca: {  	v13 =	vmul.f32 v22, v13;
	v33 =	vld.idx.msk [tilespmem:v33+s29+$0x0], $0xffff  }
0x1cb: {  	v18 =	vmul.f32 v24, v18;
	v9 =	vmul.f32 v23, v9;
	v22 =	vld.idx.msk [tilespmem:v34+s29+$0x0], $0xffff  }
0x1cc: {  	v5 =	vmul.f32 v26, v5;
	v23 =	vld.idx.msk [tilespmem:v35+s29+$0x0], $0xffff;
	v6 =	vmul.f32 v30, v6  }
0x1cd: {  	v24 =	vld.idx.msk [tilespmem:v36+s29+$0x0], $0xffff;
	v7 =	vmul.f32 v27, v7;
	v8 =	vmul.f32 v31, v8  }
0x1ce: {  	v21 =	vld.idx.msk [tilespmem:v21+s29+$0x0], $0xffff;
	v11 =	vmul.f32 v28, v11;
	v14 =	vmul.f32 v29, v14  }
0x1cf: {  	v5 =	vadd.f32 v6, v5;
	v19 =	vmul.f32 v32, v19;
	v20 =	vmul.f32 v33, v20  }
0x1d0: {  	v16 =	vmul.f32 v25, v16;
	v6 =	vadd.f32 v8, v7;
	v8 =	vadd.f32 v14, v11  }
0x1d1: {  	v7 =	vmul.f32 v22, v12;
	v12 =	vmul.f32 v23, v17;
	v11 =	vadd.f32 v20, v19  }
0x1d2: {  	v5 =	vadd.f32 v9, v5;
	v6 =	vadd.f32 v16, v6;
	v9 =	vmul.f32 v24, v10  }
0x1d3: {  	v10 =	vmul.f32 v21, v15;
	v7 =	vadd.f32 v7, v8;
	v8 =	vadd.f32 v12, v11  }
0x1d4: {  	v5 =	vadd.f32 v13, v5;
	v6 =	vadd.f32 v18, v6  }
0x1d5: {  	v7 =	vadd.f32 v9, v7;
	v8 =	vadd.f32 v10, v8;
	_ =	sdelay $0x1  }
0x1d6: {  	v5 =	vadd.f32 v6, v5;
	v6 =	vadd.f32 v8, v7;
	v7 =	vor.u32 $0x10, v3  }
0x1d7: {  	v8 =	vor.u32 $0x11, v3  }
0x1d8: {  	v9 =	vor.u32 $0x12, v3;
	v5 =	vadd.f32 v6, v5  }
0x1d9: {  	v10 =	vor.u32 $0x13, v3  }
0x1da: {  	[tilespmem:v4+s14+$0x0] =	vst.idx.msk $0xffff, v5;
	v4 =	vor.u32 $0x14, v3  }
0x1db: {  	v11 =	vor.u32 $0x15, v3;
	v5 =	vld.idx.msk [tilespmem:v7+s26+$0x0], $0xffff  }
0x1dc: {  	v13 =	vor.u32 $0x16, v3;
	v6 =	vld.idx.msk [tilespmem:v8+s26+$0x0], $0xffff  }
0x1dd: {  	v14 =	vor.u32 $0x17, v3;
	v9 =	vld.idx.msk [tilespmem:v9+s26+$0x0], $0xffff  }
0x1de: {  	v19 =	vor.u32 $0x1D, v3;
	v12 =	vld.idx.msk [tilespmem:v10+s26+$0x0], $0xffff  }
0x1df: {  	v7 =	vld.idx.msk [tilespmem:v4+s26+$0x0], $0xffff;
	v4 =	vor.u32 $0x19, v3  }
0x1e0: {  	v16 =	vor.u32 $0x1B, v3;
	v8 =	vld.idx.msk [tilespmem:v11+s26+$0x0], $0xffff  }
0x1e1: {  	v21 =	vor.u32 $0x1E, v3;
	v15 =	vld.idx.msk [tilespmem:v13+s26+$0x0], $0xffff  }
0x1e2: {  	v10 =	vor.u32 $0x18, v3;
	v17 =	vld.idx.msk [tilespmem:v14+s26+$0x0], $0xffff  }
0x1e3: {  	s1 =	simm.s32 $0x0;
	v11 =	vor.u32 $0x1A, v3;
	v19 =	vld.idx.msk [tilespmem:v19+s26+$0x0], $0xffff  }
0x1e4: {  	v14 =	vor.u32 $0x1C, v3;
	v13 =	vld.idx.msk [tilespmem:v4+s26+$0x0], $0xffff;
	v4 =	vadd.s32 s1, v2  }
0x1e5: {  	v22 =	vor.u32 $0x1F, v3;
	v3 =	vld.idx.msk [tilespmem:v16+s26+$0x0], $0xffff;
	v20 =	vshll.u32 v4, $0x5  }
0x1e6: {  	v16 =	vld.idx.msk [tilespmem:v21+s26+$0x0], $0xffff;
	v23 =	vor.u32 $0x13, v20  }
0x1e7: {  	v10 =	vld.idx.msk [tilespmem:v10+s26+$0x0], $0xffff;
	v24 =	vor.u32 $0x17, v20  }
0x1e8: {  	v11 =	vld.idx.msk [tilespmem:v11+s26+$0x0], $0xffff;
	v25 =	vor.u32 $0x12, v20  }
0x1e9: {  	v18 =	vld.idx.msk [tilespmem:v14+s26+$0x0], $0xffff;
	v27 =	vor.u32 $0x16, v20  }
0x1ea: {  	v14 =	vld.idx.msk [tilespmem:v22+s26+$0x0], $0xffff;
	v28 =	vor.u32 $0x10, v20  }
0x1eb: {  	v29 =	vor.u32 $0x11, v20;
	v21 =	vld.idx.msk [tilespmem:v23+s29+$0x0], $0xffff  }
0x1ec: {  	v26 =	vor.u32 $0x14, v20;
	v23 =	vld.idx.msk [tilespmem:v24+s29+$0x0], $0xffff  }
0x1ed: {  	v30 =	vor.u32 $0x15, v20;
	v22 =	vld.idx.msk [tilespmem:v25+s29+$0x0], $0xffff  }
0x1ee: {  	v24 =	vld.idx.msk [tilespmem:v27+s29+$0x0], $0xffff;
	v27 =	vor.u32 $0x18, v20  }
0x1ef: {  	s1 =	simm.s32 $0x1;
	v25 =	vld.idx.msk [tilespmem:v28+s29+$0x0], $0xffff;
	v28 =	vor.u32 $0x19, v20  }
.LBB2_16:
0x1f0: {  	p0 =	sne.s32 s1, $0x13;
	v29 =	vld.idx.msk [tilespmem:v29+s29+$0x0], $0xffff;
	v31 =	vor.u32 $0x1C, v20  }
0x1f1: {  	v32 =	vor.u32 $0x1D, v20;
	v26 =	vld.idx.msk [tilespmem:v26+s29+$0x0], $0xffff  }
0x1f2: {  	v33 =	vor.u32 $0x1A, v20;
	v30 =	vld.idx.msk [tilespmem:v30+s29+$0x0], $0xffff  }
0x1f3: {  	v34 =	vor.u32 $0x1E, v20;
	v27 =	vld.idx.msk [tilespmem:v27+s29+$0x0], $0xffff  }
0x1f4: {  	v35 =	vor.u32 $0x1B, v20;
	v28 =	vld.idx.msk [tilespmem:v28+s29+$0x0], $0xffff  }
0x1f5: {  	v20 =	vor.u32 $0x1F, v20;
	v31 =	vld.idx.msk [tilespmem:v31+s29+$0x0], $0xffff  }
0x1f6: {  	v32 =	vld.idx.msk [tilespmem:v32+s29+$0x0], $0xffff  }
0x1f7: {  	v21 =	vmul.f32 v21, v12;
	v23 =	vmul.f32 v23, v17;
	v33 =	vld.idx.msk [tilespmem:v33+s29+$0x0], $0xffff  }
0x1f8: {  	v22 =	vmul.f32 v22, v9;
	v24 =	vmul.f32 v24, v15;
	v34 =	vld.idx.msk [tilespmem:v34+s29+$0x0], $0xffff  }
0x1f9: {  	v25 =	vmul.f32 v25, v5;
	v29 =	vmul.f32 v29, v6;
	v35 =	vld.idx.msk [tilespmem:v35+s29+$0x0], $0xffff  }
0x1fa: {  	v26 =	vmul.f32 v26, v7;
	v30 =	vmul.f32 v30, v8;
	v20 =	vld.idx.msk [tilespmem:v20+s29+$0x0], $0xffff  }
0x1fb: {  	v27 =	vmul.f32 v27, v10;
	v28 =	vmul.f32 v28, v13  }
0x1fc: {  	v31 =	vmul.f32 v31, v18;
	v32 =	vmul.f32 v32, v19  }
0x1fd: {  	v25 =	vadd.f32 v29, v25;
	v26 =	vadd.f32 v30, v26;
	v29 =	vmul.f32 v33, v11  }
0x1fe: {  	v27 =	vadd.f32 v28, v27;
	v28 =	vadd.f32 v32, v31;
	v30 =	vmul.f32 v34, v16  }
0x1ff: {  	v22 =	vadd.f32 v22, v25;
	v24 =	vadd.f32 v24, v26;
	v25 =	vmul.f32 v35, v3  }
0x200: {  	v26 =	vadd.f32 v29, v27;
	v27 =	vadd.f32 v30, v28;
	v20 =	vmul.f32 v20, v14  }
0x201: {  	v21 =	vadd.f32 v21, v22;
	v22 =	vadd.f32 v23, v24  }
0x202: {  	v23 =	vadd.s32 s1, v2;
	v24 =	vadd.f32 v25, v26;
	v25 =	vadd.f32 v20, v27  }
0x203: {  	v20 =	vshll.u32 v23, $0x5  }
0x204: {  	v21 =	vadd.f32 v22, v21;
	v26 =	vor.u32 $0x13, v20;
	v22 =	vadd.f32 v25, v24  }
0x205: {  	v24 =	vor.u32 $0x17, v20  }
0x206: {  	v25 =	vor.u32 $0x12, v20;
	v21 =	vadd.f32 v22, v21  }
0x207: {  	v27 =	vor.u32 $0x16, v20  }
0x208: {  	v28 =	vor.u32 $0x10, v20;
	[tilespmem:v4+s14+$0x0] =	vst.idx.add.f32.msk $0xffff, v21;
	v4 =	vmov v23  }
.Ltmp6:
0x209: {  	v29 =	vor.u32 $0x11, v20;
	v21 =	vld.idx.msk [tilespmem:v26+s29+$0x0], $0xffff;
	(pc) =	sbr.rel @p0 .LBB2_16-.Ltmp6, $4  }
0x20a: {  	v26 =	vor.u32 $0x14, v20;
	v23 =	vld.idx.msk [tilespmem:v24+s29+$0x0], $0xffff  }
0x20b: {  	v30 =	vor.u32 $0x15, v20;
	v22 =	vld.idx.msk [tilespmem:v25+s29+$0x0], $0xffff  }
0x20c: {  	v24 =	vld.idx.msk [tilespmem:v27+s29+$0x0], $0xffff;
	v27 =	vor.u32 $0x18, v20  }
0x20d: {  	s1 =	sadd.s32 $0x1, s1;
	v25 =	vld.idx.msk [tilespmem:v28+s29+$0x0], $0xffff;
	v28 =	vor.u32 $0x19, v20  }
0x20e: {  	_ =	sdelay $0x3  }
0x20f: {  	v2 =	vld.idx.msk [tilespmem:v29+s29+$0x0], $0xffff;
	v50 =	vor.u32 $0x1C, v20  }
0x210: {  	v26 =	vld.idx.msk [tilespmem:v26+s29+$0x0], $0xffff;
	v31 =	vor.u32 $0x1D, v20  }
0x211: {  	v30 =	vld.idx.msk [tilespmem:v30+s29+$0x0], $0xffff;
	v32 =	vor.u32 $0x1A, v20  }
0x212: {  	v27 =	vld.idx.msk [tilespmem:v27+s29+$0x0], $0xffff;
	v33 =	vor.u32 $0x1E, v20  }
0x213: {  	v28 =	vld.idx.msk [tilespmem:v28+s29+$0x0], $0xffff;
	v34 =	vor.u32 $0x1B, v20  }
0x214: {  	v51 =	vor.u32 $0x1F, v20;
	v29 =	vld.idx.msk [tilespmem:v50+s29+$0x0], $0xffff  }
0x215: {  	v12 =	vmul.f32 v21, v12;
	v31 =	vld.idx.msk [tilespmem:v31+s29+$0x0], $0xffff  }
0x216: {  	v17 =	vmul.f32 v23, v17;
	v9 =	vmul.f32 v22, v9;
	v52 =	vld.idx.msk [tilespmem:v32+s29+$0x0], $0xffff  }
0x217: {  	v5 =	vmul.f32 v25, v5;
	v53 =	vld.idx.msk [tilespmem:v33+s29+$0x0], $0xffff;
	v2 =	vmul.f32 v2, v6  }
0x218: {  	v54 =	vld.idx.msk [tilespmem:v34+s29+$0x0], $0xffff;
	v7 =	vmul.f32 v26, v7;
	v8 =	vmul.f32 v30, v8  }
0x219: {  	v20 =	vld.idx.msk [tilespmem:v51+s29+$0x0], $0xffff;
	v10 =	vmul.f32 v27, v10;
	v13 =	vmul.f32 v28, v13  }
0x21a: {  	v2 =	vadd.f32 v2, v5;
	v18 =	vmul.f32 v29, v18;
	v19 =	vmul.f32 v31, v19  }
0x21b: {  	v15 =	vmul.f32 v24, v15;
	v55 =	vadd.f32 v8, v7;
	v57 =	vadd.f32 v13, v10  }
0x21c: {  	v56 =	vmul.f32 v52, v11;
	v59 =	vmul.f32 v53, v16;
	v58 =	vadd.f32 v19, v18  }
0x21d: {  	v2 =	vadd.f32 v9, v2;
	v5 =	vadd.f32 v15, v55;
	v3 =	vmul.f32 v54, v3  }
0x21e: {  	v62 =	vmul.f32 v20, v14;
	v60 =	vadd.f32 v56, v57;
	v61 =	vadd.f32 v59, v58  }
0x21f: {  	v2 =	vadd.f32 v12, v2;
	v5 =	vadd.f32 v17, v5  }
0x220: {  	s30 =	sadd.s32 $0x1, s30;
	v3 =	vadd.f32 v3, v60;
	v63 =	vadd.f32 v62, v61  }
0x221: {  	p0 =	sne.s32 s30, $0x4  }
.Ltmp7:
0x222: {  	v2 =	vadd.f32 v5, v2;
	v3 =	vadd.f32 v63, v3;
	(pc) =	sbr.rel @p0 .LBB2_11-.Ltmp7, $3  }
0x223: {  	_ = 	snop  }
0x224: {  	v2 =	vadd.f32 v3, v2;
	_ =	sdelay $0x1  }
0x225: {  	[tilespmem:v4+s14+$0x0] =	vst.idx.add.f32.msk $0xffff, v2  }
0x226: {  	s1 =	sor.u32 s7, s11  }
0x227: {  	s9 =	sshrl.u32 s1, $0x3  }
0x228: {  	s1 =	smul.u32 $0x14, s1;
	s9 =	sadd.s32 s5, s9  }
0x229: {  	[hbm4b:s9+s2] =	stream.linear.scatter [tilespmem:s13], [sflag:$0x3], $0x40, $0x38;
	[tilespmem:$0x19140] =	vst v63  }
0x22a: {  	s10 =	sadd.s32 $0x1, s10;
	_ =	swait.ge [sflag:s12], $0x40  }
0x22b: {  	p0 =	sne.s32 s10, $0x4;
	s1 =	sshrl.u32 s1, $0x3;
	[sflag:s12] =	ssyncset.done $0x0  }
.Ltmp8:
0x22c: {  	s1 =	sadd.s32 s6, s1;
	[sflag:s12] =	ssyncadd.s32 $0xFFFFFFC0;
	(pc) =	sbr.rel @p0 .LBB2_2-.Ltmp8, $4  }
0x22d: {  	[hbm4b:s1+s2] =	stream.linear.scatter [tilespmem:s14], [sflag:$0x3], $0x500, $0x38;
	[tilespmem:$0x19140] =	vst v63  }
0x22e: {  	_ =	swait.ge [sflag:s12], $0x500  }
0x22f: {  	[sflag:s12] =	ssyncset.done $0x0  }
0x230: {  	[sflag:s12] =	ssyncadd.s32 $0xFFFFFB00  }
0x231: {  	s9 =	rddreg [dreg:$0x8]  }
0x232: {  	s1 =	rddreg [dreg:$0x7];
	s9 =	sadd.s32 $0x1, s9  }
0x233: {  	p0 =	sne.s32 s9, s1  }
.Ltmp9:
0x234: {  	_ = 	snop;
	(pc) =	sbr.rel @p0 .LBB2_1-.Ltmp9, $1  }
0x235: {  	_ =	sdelay $0x3  }
0x236: {  	_ =	sfence.sel $0x180000  }
0x237: {  	[bflag:$0x0] =	sbarrier.arrive $0xFFFF  }
0x238: {  	_ =	strace $0x90000047  }
0x239: {  	s0 =	stileid.u32;
	[bflag:$0x2] =	sbarrier.arrive $0xFFFF  }
0x23a: {  	p0 =	sne.s32 s0, $0x0;
	s0 =	rddreg [dreg:$0x3]  }
0x23b: {  	s0 =	sadd.s32 @!p0 $0x100000, s0  }
0x23c: {  	[sflag:s0] =	ssyncadd.tile.s32 @!p0 $0x1;
	_ =	shalt  }
.Lfunc_end2:
_tile_overlayer_lowered:
.L_overlay_start_2:
0x23d: {  	(tag) =	ssettag $0x2  }
0x23e: {  	s0 =	rddreg [dreg:$0x0];
	s2 =	stileid.u32  }
0x23f: {  	s1 =	rddreg [dreg:$0x1];
	p0 =	sne.s32 s2, $0x0  }
0x240: {  	s3 =	rddreg [dreg:$0x2];
	[bflag:$0x3] =	sbarrier.arrive $0xFFFF;
	s2 =	simm.s32 @!p0 $0x1C03  }
0x241: {  	[timem:s3], [sflag:s2] =	dma.local @!p0 [hbm:s0], s1  }
0x242: {  	s0 =	simm.s32 @!p0 $0x3  }
0x243: {  	_ =	swait.ge @!p0 [sflag:s0], s1  }
0x244: {  	s1 =	ssub.s32 @!p0 $0x0, s1;
	[sflag:s0] =	ssyncset.done @!p0 $0x0  }
0x245: {  	[sflag:s0] =	ssyncadd.s32 @!p0 s1  }
0x246: {  	[bflag:$0x3] =	sbarrier.arrive $0xFFFF  }
0x247: {  	_ =	shalt  }

</sc_bundles>
